<compile_context>
chip_gen: v7x
topology: tpu7x:2x2x1
jax: 0.10.2.dev20260603
libtpu: 0.0.44.dev20260713+nightly
codegen_flags: <defaults>
</compile_context>

<pallas_src>
import functools

import jax
import jax.numpy as jnp
from jax import lax
from jax.experimental import pallas as pl
from jax.experimental.pallas import tpu as pltpu
from jax.experimental.pallas import tpu_sc as plsc

_NC = 2
_NS = 16
_NW = _NC * _NS
_CH = 16


@functools.lru_cache(maxsize=None)
def _make_gather(batch: int, seq: int, dim: int):
    n_idx = batch * seq
    bpw = n_idx // _NW
    spw = seq // bpw
    sizes = [_CH] * (bpw // _CH)
    if bpw % _CH:
        sizes.append(bpw % _CH)
    offs = [sum(sizes[:i]) for i in range(len(sizes))]
    mesh = plsc.VectorSubcoreMesh(core_axis_name="c", subcore_axis_name="s")
    nbuf = 6

    @functools.partial(
        pl.kernel,
        out_type=jax.ShapeDtypeStruct((n_idx, dim), jnp.float32),
        mesh=mesh,
        scratch_types=[
            pltpu.VMEM((bpw,), jnp.int32),
            [pltpu.VMEM((_CH, dim), jnp.float32)] * nbuf,
            [pltpu.SemaphoreType.DMA] * nbuf,
            [pltpu.SemaphoreType.DMA] * nbuf,
        ],
    )
    def grab(table_hbm, idx_hbm, out_hbm, idx_v, bufs, gsems, ssems):
        wid = lax.axis_index("s") * _NC + lax.axis_index("c")
        base = wid * bpw
        pltpu.sync_copy(idx_hbm.at[wid // spw, pl.ds((wid % spw) * bpw, bpw)],
                        idx_v)

        def start_gather(c):
            return pltpu.async_copy(
                table_hbm.at[idx_v.at[pl.ds(offs[c], sizes[c])]],
                bufs[c % nbuf].at[pl.ds(0, sizes[c])], gsems[c % nbuf])

        def start_store(c):
            return pltpu.async_copy(
                bufs[c % nbuf].at[pl.ds(0, sizes[c])],
                out_hbm.at[pl.ds(base + offs[c], sizes[c])],
                ssems[c % nbuf])

        nchunk = len(sizes)
        gathers = [None] * nbuf
        stores = [None] * nbuf
        for c in range(min(nbuf - 1, nchunk)):
            gathers[c % nbuf] = start_gather(c)
        for c in range(nchunk):
            b = c % nbuf
            gathers[b].wait()
            stores[b] = start_store(c)
            n = c + nbuf - 1
            if n < nchunk:
                nb = n % nbuf
                if stores[nb] is not None:
                    stores[nb].wait()
                    stores[nb] = None
                gathers[nb] = start_gather(n)
        for s in stores:
            if s is not None:
                s.wait()

    return grab


def kernel(position, position_encoding):
    batch, seq = position.shape
    dim = position_encoding.shape[1]
    idx = position.astype(jnp.int32)
    table = position_encoding.astype(jnp.float32)
    out = _make_gather(batch, seq, dim)(table, idx)
    return out.reshape(batch, seq, dim)

# --- scband reference (transcript-rebuilt; emitter-appended) ---
"""Pipeline reference for scband-positional-encoding-89601607729654 (READ-ONLY COPY).

The authoritative reference and input builder live on the scoring server;
editing this copy changes nothing except your own understanding.
"""

import math
import jax, jax.numpy as jnp
import numpy as np

DIM = 1024
MAX_LEN = 8192
BATCH = 2
SEQ = 8192

def _build_position_encoding(dim, max_len):
    position = jnp.arange(0, max_len, dtype=jnp.float32)[:, None]
    divide_term = jnp.exp(jnp.arange(0, dim, 2, dtype=jnp.float32) * math.log(10000.0) / dim)
    divide_term_ = jnp.exp(jnp.arange(0, dim - 1, 2, dtype=jnp.float32) * math.log(10000.0) / dim)
    pe = jnp.zeros((max_len, dim), dtype=jnp.float32)
    pe = pe.at[:, 0::2].set(jnp.sin(position * divide_term))
    pe = pe.at[:, 1::2].set(jnp.cos(position * divide_term_))
    return pe

def setup_inputs(seed: int = 0) -> dict:
    key = jax.random.key(seed)
    k1, _ = jax.random.split(key)
    position = jax.random.randint(k1, (BATCH, SEQ), 0, MAX_LEN, dtype=jnp.int64 if jax.config.jax_enable_x64 else jnp.int32)
    position_encoding = _build_position_encoding(DIM, MAX_LEN)
    return {"position": position, "position_encoding": position_encoding}

def reference(position, position_encoding):
    # Faithful translation of: return self.position_encoding[position, :]
    return jnp.take(position_encoding, position, axis=0)

if __name__ == "__main__":
    import jax
    _d = setup_inputs()
    print(jax.jit(kernel)(*tuple(_d.values())))

</pallas_src>

<mosaic_0001>
#map = affine_map<(d0, d1) -> (0, 0)>
module attributes {stable_mosaic.version = 14 : i64} {
  func.func @grab(%arg0: i32, %arg1: i32, %arg2: memref<8192x1024xf32, #tpu.memory_space<hbm>>, %arg3: memref<2x8192xi32, #tpu.memory_space<hbm>>, %arg4: memref<16384x1024xf32, #tpu.memory_space<hbm>>, %arg5: memref<512xi32, #tpu.memory_space<vmem>>, %arg6: memref<16x1024xf32, #tpu.memory_space<vmem>>, %arg7: memref<16x1024xf32, #tpu.memory_space<vmem>>, %arg8: memref<16x1024xf32, #tpu.memory_space<vmem>>, %arg9: memref<16x1024xf32, #tpu.memory_space<vmem>>, %arg10: memref<16x1024xf32, #tpu.memory_space<vmem>>, %arg11: memref<16x1024xf32, #tpu.memory_space<vmem>>, %arg12: memref<!tpu.dma_semaphore, #tpu.memory_space<semaphore_mem>>, %arg13: memref<!tpu.dma_semaphore, #tpu.memory_space<semaphore_mem>>, %arg14: memref<!tpu.dma_semaphore, #tpu.memory_space<semaphore_mem>>, %arg15: memref<!tpu.dma_semaphore, #tpu.memory_space<semaphore_mem>>, %arg16: memref<!tpu.dma_semaphore, #tpu.memory_space<semaphore_mem>>, %arg17: memref<!tpu.dma_semaphore, #tpu.memory_space<semaphore_mem>>, %arg18: memref<!tpu.dma_semaphore, #tpu.memory_space<semaphore_mem>>, %arg19: memref<!tpu.dma_semaphore, #tpu.memory_space<semaphore_mem>>, %arg20: memref<!tpu.dma_semaphore, #tpu.memory_space<semaphore_mem>>, %arg21: memref<!tpu.dma_semaphore, #tpu.memory_space<semaphore_mem>>, %arg22: memref<!tpu.dma_semaphore, #tpu.memory_space<semaphore_mem>>, %arg23: memref<!tpu.dma_semaphore, #tpu.memory_space<semaphore_mem>>) attributes {dimension_semantics = [#tpu.dimension_semantics<core_parallel>, #tpu.dimension_semantics<subcore_parallel>], iteration_bounds = array<i64: 2, 16>, scalar_prefetch = 0 : i64, scratch_operands = 19 : i64, tpu.core_type = #tpu.core_type<sc_vector_subcore>, window_params = [{transform_indices = #map}, {transform_indices = #map}, {transform_indices = #map}]} {
    %mul3A = arith.constant 2 : i32
    %mul3A_0 = arith.muli %arg1, %mul3A : i32
    %add3A = arith.addi %mul3A_0, %arg0 : i32
    %mul3A_1 = arith.constant 512 : i32
    %mul3A_2 = arith.muli %add3A, %mul3A_1 : i32
    %jit3A = arith.constant 16 : i32
    %div3A = arith.divsi %add3A, %jit3A : i32
    %sign3A = arith.constant 0 : i32
    %sign3A_3 = arith.cmpi sgt, %add3A, %sign3A : i32
    %sign3A_4 = arith.extui %sign3A_3 : i1 to i32
    %sign3A_5 = arith.constant 0 : i32
    %sign3A_6 = arith.cmpi slt, %add3A, %sign3A_5 : i32
    %sign3A_7 = arith.extui %sign3A_6 : i1 to i32
    %sign3A_8 = arith.subi %sign3A_4, %sign3A_7 : i32
    %sign3A_9 = arith.constant 0 : i32
    %sign3A_10 = arith.cmpi sgt, %jit3A, %sign3A_9 : i32
    %sign3A_11 = arith.extui %sign3A_10 : i1 to i32
    %sign3A_12 = arith.constant 0 : i32
    %sign3A_13 = arith.cmpi slt, %jit3A, %sign3A_12 : i32
    %sign3A_14 = arith.extui %sign3A_13 : i1 to i32
    %sign3A_15 = arith.subi %sign3A_11, %sign3A_14 : i32
    %ne3A = arith.cmpi ne, %sign3A_8, %sign3A_15 : i32
    %rem3A = arith.remsi %add3A, %jit3A : i32
    %ne3A_16 = arith.constant 0 : i32
    %ne3A_17 = arith.cmpi ne, %rem3A, %ne3A_16 : i32
    %and3A = arith.andi %ne3A, %ne3A_17 : i1
    %sub3A = arith.constant 1 : i32
    %sub3A_18 = arith.subi %div3A, %sub3A : i32
    %select_n3A = arith.select %and3A, %sub3A_18, %div3A : i32
    %jit3A_19 = arith.constant 16 : i32
    %eq3A = arith.constant 0 : i32
    %eq3A_20 = arith.cmpi eq, %jit3A_19, %eq3A : i32
    %jit3A_21 = arith.constant 1 : i32
    %select_n3A_22 = arith.select %eq3A_20, %jit3A_21, %jit3A_19 : i32
    %rem3A_23 = arith.remsi %add3A, %select_n3A_22 : i32
    %ne3A_24 = arith.constant 0 : i32
    %ne3A_25 = arith.cmpi ne, %rem3A_23, %ne3A_24 : i32
    %lt3A = arith.constant 0 : i32
    %lt3A_26 = arith.cmpi slt, %rem3A_23, %lt3A : i32
    %lt3A_27 = arith.constant 0 : i32
    %lt3A_28 = arith.cmpi slt, %select_n3A_22, %lt3A_27 : i32
    %ne3A_29 = arith.xori %lt3A_26, %lt3A_28 : i1
    %and3A_30 = arith.andi %ne3A_29, %ne3A_25 : i1
    %add3A_31 = arith.addi %rem3A_23, %select_n3A_22 : i32
    %select_n3A_32 = arith.select %and3A_30, %add3A_31, %rem3A_23 : i32
    %mul3A_33 = arith.constant 512 : i32
    %mul3A_34 = arith.muli %select_n3A_32, %mul3A_33 : i32
    "tpu.region"() ({
      %run_scoped3A = tpu.sem_alloc : memref<!tpu.dma_semaphore, #tpu.memory_space<semaphore_mem>>
      %dma_start3A_1249 = tpu.memref_slice %arg3[%select_n3A, %mul3A_34] : memref<2x8192xi32, #tpu.memory_space<hbm>> -> memref<1x512xi32, #tpu.memory_space<hbm>>
      %dma_start3A_1250 = tpu.memref_squeeze %dma_start3A_1249 : memref<1x512xi32, #tpu.memory_space<hbm>> -> memref<512xi32, #tpu.memory_space<hbm>>
      %dma_start3A_1251 = tpu.memref_slice %arg3[%select_n3A, %mul3A_34] : memref<2x8192xi32, #tpu.memory_space<hbm>> -> memref<1x512xi32, #tpu.memory_space<hbm>>
      %dma_start3A_1252 = tpu.memref_squeeze %dma_start3A_1251 : memref<1x512xi32, #tpu.memory_space<hbm>> -> memref<512xi32, #tpu.memory_space<hbm>>
      tpu.enqueue_dma source(%dma_start3A_1252 : memref<512xi32, #tpu.memory_space<hbm>>) target(%arg5 : memref<512xi32, #tpu.memory_space<vmem>>) target_semaphore(%run_scoped3A : memref<!tpu.dma_semaphore, #tpu.memory_space<semaphore_mem>>)
      %dma_wait3A_1253 = tpu.memref_slice %arg3[%select_n3A, %mul3A_34] : memref<2x8192xi32, #tpu.memory_space<hbm>> -> memref<1x512xi32, #tpu.memory_space<hbm>>
      %dma_wait3A_1254 = tpu.memref_squeeze %dma_wait3A_1253 : memref<1x512xi32, #tpu.memory_space<hbm>> -> memref<512xi32, #tpu.memory_space<hbm>>
      %dma_wait3A_1255 = tpu.memref_slice %arg3[%select_n3A, %mul3A_34] : memref<2x8192xi32, #tpu.memory_space<hbm>> -> memref<1x512xi32, #tpu.memory_space<hbm>>
      %dma_wait3A_1256 = tpu.memref_squeeze %dma_wait3A_1255 : memref<1x512xi32, #tpu.memory_space<hbm>> -> memref<512xi32, #tpu.memory_space<hbm>>
      tpu.wait_dma2 semaphore(%run_scoped3A : memref<!tpu.dma_semaphore, #tpu.memory_space<semaphore_mem>>) src(%dma_wait3A_1256 : memref<512xi32, #tpu.memory_space<hbm>>) dst(%arg5 : memref<512xi32, #tpu.memory_space<vmem>>)
      tpu.yield
    }) : () -> ()
    %dma_start3A = arith.constant 0 : i32
    %dma_start3A_35 = arith.constant 0 : i32
    %dma_start3A_36 = tpu.memref_slice %arg6[%dma_start3A, %dma_start3A_35] : memref<16x1024xf32, #tpu.memory_space<vmem>> -> memref<16x1024xf32, #tpu.memory_space<vmem>>
    %dma_start3A_37 = arith.constant 0 : i32
    %dma_start3A_38 = tpu.memref_slice %arg5[%dma_start3A_37] : memref<512xi32, #tpu.memory_space<vmem>> -> memref<16xi32, #tpu.memory_space<vmem>>
    %dma_start3A_39 = arith.constant 0 : i32
    %dma_start3A_40 = arith.constant 0 : i32
    %dma_start3A_41 = tpu.memref_slice %arg2[%dma_start3A_39, %dma_start3A_40] : memref<8192x1024xf32, #tpu.memory_space<hbm>> -> memref<8192x1024xf32, #tpu.memory_space<hbm>>
    tpu.enqueue_indirect_dma source(%dma_start3A_41 : memref<8192x1024xf32, #tpu.memory_space<hbm>>) target(%dma_start3A_36 : memref<16x1024xf32, #tpu.memory_space<vmem>>) offsets(%dma_start3A_38 : memref<16xi32, #tpu.memory_space<vmem>>) semaphore(%arg12 : memref<!tpu.dma_semaphore, #tpu.memory_space<semaphore_mem>>)
    %dma_start3A_42 = arith.constant 0 : i32
    %dma_start3A_43 = arith.constant 0 : i32
    %dma_start3A_44 = tpu.memref_slice %arg7[%dma_start3A_42, %dma_start3A_43] : memref<16x1024xf32, #tpu.memory_space<vmem>> -> memref<16x1024xf32, #tpu.memory_space<vmem>>
    %dma_start3A_45 = arith.constant 16 : i32
    %dma_start3A_46 = tpu.memref_slice %arg5[%dma_start3A_45] : memref<512xi32, #tpu.memory_space<vmem>> -> memref<16xi32, #tpu.memory_space<vmem>>
    %dma_start3A_47 = arith.constant 0 : i32
    %dma_start3A_48 = arith.constant 0 : i32
    %dma_start3A_49 = tpu.memref_slice %arg2[%dma_start3A_47, %dma_start3A_48] : memref<8192x1024xf32, #tpu.memory_space<hbm>> -> memref<8192x1024xf32, #tpu.memory_space<hbm>>
    tpu.enqueue_indirect_dma source(%dma_start3A_49 : memref<8192x1024xf32, #tpu.memory_space<hbm>>) target(%dma_start3A_44 : memref<16x1024xf32, #tpu.memory_space<vmem>>) offsets(%dma_start3A_46 : memref<16xi32, #tpu.memory_space<vmem>>) semaphore(%arg13 : memref<!tpu.dma_semaphore, #tpu.memory_space<semaphore_mem>>)
    %dma_start3A_50 = arith.constant 0 : i32
    %dma_start3A_51 = arith.constant 0 : i32
    %dma_start3A_52 = tpu.memref_slice %arg8[%dma_start3A_50, %dma_start3A_51] : memref<16x1024xf32, #tpu.memory_space<vmem>> -> memref<16x1024xf32, #tpu.memory_space<vmem>>
    %dma_start3A_53 = arith.constant 32 : i32
    %dma_start3A_54 = tpu.memref_slice %arg5[%dma_start3A_53] : memref<512xi32, #tpu.memory_space<vmem>> -> memref<16xi32, #tpu.memory_space<vmem>>
    %dma_start3A_55 = arith.constant 0 : i32
    %dma_start3A_56 = arith.constant 0 : i32
    %dma_start3A_57 = tpu.memref_slice %arg2[%dma_start3A_55, %dma_start3A_56] : memref<8192x1024xf32, #tpu.memory_space<hbm>> -> memref<8192x1024xf32, #tpu.memory_space<hbm>>
    tpu.enqueue_indirect_dma source(%dma_start3A_57 : memref<8192x1024xf32, #tpu.memory_space<hbm>>) target(%dma_start3A_52 : memref<16x1024xf32, #tpu.memory_space<vmem>>) offsets(%dma_start3A_54 : memref<16xi32, #tpu.memory_space<vmem>>) semaphore(%arg14 : memref<!tpu.dma_semaphore, #tpu.memory_space<semaphore_mem>>)
    %dma_start3A_58 = arith.constant 0 : i32
    %dma_start3A_59 = arith.constant 0 : i32
    %dma_start3A_60 = tpu.memref_slice %arg9[%dma_start3A_58, %dma_start3A_59] : memref<16x1024xf32, #tpu.memory_space<vmem>> -> memref<16x1024xf32, #tpu.memory_space<vmem>>
    %dma_start3A_61 = arith.constant 48 : i32
    %dma_start3A_62 = tpu.memref_slice %arg5[%dma_start3A_61] : memref<512xi32, #tpu.memory_space<vmem>> -> memref<16xi32, #tpu.memory_space<vmem>>
    %dma_start3A_63 = arith.constant 0 : i32
    %dma_start3A_64 = arith.constant 0 : i32
    %dma_start3A_65 = tpu.memref_slice %arg2[%dma_start3A_63, %dma_start3A_64] : memref<8192x1024xf32, #tpu.memory_space<hbm>> -> memref<8192x1024xf32, #tpu.memory_space<hbm>>
    tpu.enqueue_indirect_dma source(%dma_start3A_65 : memref<8192x1024xf32, #tpu.memory_space<hbm>>) target(%dma_start3A_60 : memref<16x1024xf32, #tpu.memory_space<vmem>>) offsets(%dma_start3A_62 : memref<16xi32, #tpu.memory_space<vmem>>) semaphore(%arg15 : memref<!tpu.dma_semaphore, #tpu.memory_space<semaphore_mem>>)
    %dma_start3A_66 = arith.constant 0 : i32
    %dma_start3A_67 = arith.constant 0 : i32
    %dma_start3A_68 = tpu.memref_slice %arg10[%dma_start3A_66, %dma_start3A_67] : memref<16x1024xf32, #tpu.memory_space<vmem>> -> memref<16x1024xf32, #tpu.memory_space<vmem>>
    %dma_start3A_69 = arith.constant 64 : i32
    %dma_start3A_70 = tpu.memref_slice %arg5[%dma_start3A_69] : memref<512xi32, #tpu.memory_space<vmem>> -> memref<16xi32, #tpu.memory_space<vmem>>
    %dma_start3A_71 = arith.constant 0 : i32
    %dma_start3A_72 = arith.constant 0 : i32
    %dma_start3A_73 = tpu.memref_slice %arg2[%dma_start3A_71, %dma_start3A_72] : memref<8192x1024xf32, #tpu.memory_space<hbm>> -> memref<8192x1024xf32, #tpu.memory_space<hbm>>
    tpu.enqueue_indirect_dma source(%dma_start3A_73 : memref<8192x1024xf32, #tpu.memory_space<hbm>>) target(%dma_start3A_68 : memref<16x1024xf32, #tpu.memory_space<vmem>>) offsets(%dma_start3A_70 : memref<16xi32, #tpu.memory_space<vmem>>) semaphore(%arg16 : memref<!tpu.dma_semaphore, #tpu.memory_space<semaphore_mem>>)
    %dma_wait3A = arith.constant 0 : i32
    %dma_wait3A_74 = arith.constant 0 : i32
    %dma_wait3A_75 = tpu.memref_slice %arg6[%dma_wait3A, %dma_wait3A_74] : memref<16x1024xf32, #tpu.memory_space<vmem>> -> memref<16x1024xf32, #tpu.memory_space<vmem>>
    %dma_wait3A_76 = arith.constant 0 : i32
    %dma_wait3A_77 = tpu.memref_slice %arg5[%dma_wait3A_76] : memref<512xi32, #tpu.memory_space<vmem>> -> memref<16xi32, #tpu.memory_space<vmem>>
    %dma_wait3A_78 = arith.constant 0 : i32
    %dma_wait3A_79 = arith.constant 0 : i32
    %dma_wait3A_80 = tpu.memref_slice %arg2[%dma_wait3A_78, %dma_wait3A_79] : memref<8192x1024xf32, #tpu.memory_space<hbm>> -> memref<8192x1024xf32, #tpu.memory_space<hbm>>
    tpu.wait_indirect_dma semaphore(%arg12 : memref<!tpu.dma_semaphore, #tpu.memory_space<semaphore_mem>>) src(%dma_wait3A_80 : memref<8192x1024xf32, #tpu.memory_space<hbm>>) dst(%dma_wait3A_75 : memref<16x1024xf32, #tpu.memory_space<vmem>>)
    %add3A_81 = arith.constant 0 : i32
    %add3A_82 = arith.addi %mul3A_2, %add3A_81 : i32
    %dma_start3A_83 = arith.constant 0 : i32
    %dma_start3A_84 = arith.constant 0 : i32
    %dma_start3A_85 = tpu.memref_slice %arg6[%dma_start3A_83, %dma_start3A_84] : memref<16x1024xf32, #tpu.memory_space<vmem>> -> memref<16x1024xf32, #tpu.memory_space<vmem>>
    %dma_start3A_86 = arith.constant 0 : i32
    %dma_start3A_87 = tpu.memref_slice %arg4[%add3A_82, %dma_start3A_86] : memref<16384x1024xf32, #tpu.memory_space<hbm>> -> memref<16x1024xf32, #tpu.memory_space<hbm>>
    %dma_start3A_88 = arith.constant 0 : i32
    %dma_start3A_89 = tpu.memref_slice %arg4[%add3A_82, %dma_start3A_88] : memref<16384x1024xf32, #tpu.memory_space<hbm>> -> memref<16x1024xf32, #tpu.memory_space<hbm>>
    %dma_start3A_90 = arith.constant 0 : i32
    %dma_start3A_91 = arith.constant 0 : i32
    %dma_start3A_92 = tpu.memref_slice %arg6[%dma_start3A_90, %dma_start3A_91] : memref<16x1024xf32, #tpu.memory_space<vmem>> -> memref<16x1024xf32, #tpu.memory_space<vmem>>
    tpu.enqueue_dma source(%dma_start3A_92 : memref<16x1024xf32, #tpu.memory_space<vmem>>) target(%dma_start3A_89 : memref<16x1024xf32, #tpu.memory_space<hbm>>) target_semaphore(%arg18 : memref<!tpu.dma_semaphore, #tpu.memory_space<semaphore_mem>>)
    %dma_start3A_93 = arith.constant 0 : i32
    %dma_start3A_94 = arith.constant 0 : i32
    %dma_start3A_95 = tpu.memref_slice %arg11[%dma_start3A_93, %dma_start3A_94] : memref<16x1024xf32, #tpu.memory_space<vmem>> -> memref<16x1024xf32, #tpu.memory_space<vmem>>
    %dma_start3A_96 = arith.constant 80 : i32
    %dma_start3A_97 = tpu.memref_slice %arg5[%dma_start3A_96] : memref<512xi32, #tpu.memory_space<vmem>> -> memref<16xi32, #tpu.memory_space<vmem>>
    %dma_start3A_98 = arith.constant 0 : i32
    %dma_start3A_99 = arith.constant 0 : i32
    %dma_start3A_100 = tpu.memref_slice %arg2[%dma_start3A_98, %dma_start3A_99] : memref<8192x1024xf32, #tpu.memory_space<hbm>> -> memref<8192x1024xf32, #tpu.memory_space<hbm>>
    tpu.enqueue_indirect_dma source(%dma_start3A_100 : memref<8192x1024xf32, #tpu.memory_space<hbm>>) target(%dma_start3A_95 : memref<16x1024xf32, #tpu.memory_space<vmem>>) offsets(%dma_start3A_97 : memref<16xi32, #tpu.memory_space<vmem>>) semaphore(%arg17 : memref<!tpu.dma_semaphore, #tpu.memory_space<semaphore_mem>>)
    %dma_wait3A_101 = arith.constant 0 : i32
    %dma_wait3A_102 = arith.constant 0 : i32
    %dma_wait3A_103 = tpu.memref_slice %arg7[%dma_wait3A_101, %dma_wait3A_102] : memref<16x1024xf32, #tpu.memory_space<vmem>> -> memref<16x1024xf32, #tpu.memory_space<vmem>>
    %dma_wait3A_104 = arith.constant 16 : i32
    %dma_wait3A_105 = tpu.memref_slice %arg5[%dma_wait3A_104] : memref<512xi32, #tpu.memory_space<vmem>> -> memref<16xi32, #tpu.memory_space<vmem>>
    %dma_wait3A_106 = arith.constant 0 : i32
    %dma_wait3A_107 = arith.constant 0 : i32
    %dma_wait3A_108 = tpu.memref_slice %arg2[%dma_wait3A_106, %dma_wait3A_107] : memref<8192x1024xf32, #tpu.memory_space<hbm>> -> memref<8192x1024xf32, #tpu.memory_space<hbm>>
    tpu.wait_indirect_dma semaphore(%arg13 : memref<!tpu.dma_semaphore, #tpu.memory_space<semaphore_mem>>) src(%dma_wait3A_108 : memref<8192x1024xf32, #tpu.memory_space<hbm>>) dst(%dma_wait3A_103 : memref<16x1024xf32, #tpu.memory_space<vmem>>)
    %add3A_109 = arith.constant 16 : i32
    %add3A_110 = arith.addi %mul3A_2, %add3A_109 : i32
    %dma_start3A_111 = arith.constant 0 : i32
    %dma_start3A_112 = arith.constant 0 : i32
    %dma_start3A_113 = tpu.memref_slice %arg7[%dma_start3A_111, %dma_start3A_112] : memref<16x1024xf32, #tpu.memory_space<vmem>> -> memref<16x1024xf32, #tpu.memory_space<vmem>>
    %dma_start3A_114 = arith.constant 0 : i32
    %dma_start3A_115 = tpu.memref_slice %arg4[%add3A_110, %dma_start3A_114] : memref<16384x1024xf32, #tpu.memory_space<hbm>> -> memref<16x1024xf32, #tpu.memory_space<hbm>>
    %dma_start3A_116 = arith.constant 0 : i32
    %dma_start3A_117 = tpu.memref_slice %arg4[%add3A_110, %dma_start3A_116] : memref<16384x1024xf32, #tpu.memory_space<hbm>> -> memref<16x1024xf32, #tpu.memory_space<hbm>>
    %dma_start3A_118 = arith.constant 0 : i32
    %dma_start3A_119 = arith.constant 0 : i32
    %dma_start3A_120 = tpu.memref_slice %arg7[%dma_start3A_118, %dma_start3A_119] : memref<16x1024xf32, #tpu.memory_space<vmem>> -> memref<16x1024xf32, #tpu.memory_space<vmem>>
    tpu.enqueue_dma source(%dma_start3A_120 : memref<16x1024xf32, #tpu.memory_space<vmem>>) target(%dma_start3A_117 : memref<16x1024xf32, #tpu.memory_space<hbm>>) target_semaphore(%arg19 : memref<!tpu.dma_semaphore, #tpu.memory_space<semaphore_mem>>)
    %dma_wait3A_121 = arith.constant 0 : i32
    %dma_wait3A_122 = arith.constant 0 : i32
    %dma_wait3A_123 = tpu.memref_slice %arg6[%dma_wait3A_121, %dma_wait3A_122] : memref<16x1024xf32, #tpu.memory_space<vmem>> -> memref<16x1024xf32, #tpu.memory_space<vmem>>
    %dma_wait3A_124 = arith.constant 0 : i32
    %dma_wait3A_125 = tpu.memref_slice %arg4[%add3A_82, %dma_wait3A_124] : memref<16384x1024xf32, #tpu.memory_space<hbm>> -> memref<16x1024xf32, #tpu.memory_space<hbm>>
    %dma_wait3A_126 = arith.constant 0 : i32
    %dma_wait3A_127 = tpu.memref_slice %arg4[%add3A_82, %dma_wait3A_126] : memref<16384x1024xf32, #tpu.memory_space<hbm>> -> memref<16x1024xf32, #tpu.memory_space<hbm>>
    %dma_wait3A_128 = arith.constant 0 : i32
    %dma_wait3A_129 = arith.constant 0 : i32
    %dma_wait3A_130 = tpu.memref_slice %arg6[%dma_wait3A_128, %dma_wait3A_129] : memref<16x1024xf32, #tpu.memory_space<vmem>> -> memref<16x1024xf32, #tpu.memory_space<vmem>>
    tpu.wait_dma2 semaphore(%arg18 : memref<!tpu.dma_semaphore, #tpu.memory_space<semaphore_mem>>) src(%dma_wait3A_130 : memref<16x1024xf32, #tpu.memory_space<vmem>>) dst(%dma_wait3A_127 : memref<16x1024xf32, #tpu.memory_space<hbm>>)
    %dma_start3A_131 = arith.constant 0 : i32
    %dma_start3A_132 = arith.constant 0 : i32
    %dma_start3A_133 = tpu.memref_slice %arg6[%dma_start3A_131, %dma_start3A_132] : memref<16x1024xf32, #tpu.memory_space<vmem>> -> memref<16x1024xf32, #tpu.memory_space<vmem>>
    %dma_start3A_134 = arith.constant 96 : i32
    %dma_start3A_135 = tpu.memref_slice %arg5[%dma_start3A_134] : memref<512xi32, #tpu.memory_space<vmem>> -> memref<16xi32, #tpu.memory_space<vmem>>
    %dma_start3A_136 = arith.constant 0 : i32
    %dma_start3A_137 = arith.constant 0 : i32
    %dma_start3A_138 = tpu.memref_slice %arg2[%dma_start3A_136, %dma_start3A_137] : memref<8192x1024xf32, #tpu.memory_space<hbm>> -> memref<8192x1024xf32, #tpu.memory_space<hbm>>
    tpu.enqueue_indirect_dma source(%dma_start3A_138 : memref<8192x1024xf32, #tpu.memory_space<hbm>>) target(%dma_start3A_133 : memref<16x1024xf32, #tpu.memory_space<vmem>>) offsets(%dma_start3A_135 : memref<16xi32, #tpu.memory_space<vmem>>) semaphore(%arg12 : memref<!tpu.dma_semaphore, #tpu.memory_space<semaphore_mem>>)
    %dma_wait3A_139 = arith.constant 0 : i32
    %dma_wait3A_140 = arith.constant 0 : i32
    %dma_wait3A_141 = tpu.memref_slice %arg8[%dma_wait3A_139, %dma_wait3A_140] : memref<16x1024xf32, #tpu.memory_space<vmem>> -> memref<16x1024xf32, #tpu.memory_space<vmem>>
    %dma_wait3A_142 = arith.constant 32 : i32
    %dma_wait3A_143 = tpu.memref_slice %arg5[%dma_wait3A_142] : memref<512xi32, #tpu.memory_space<vmem>> -> memref<16xi32, #tpu.memory_space<vmem>>
    %dma_wait3A_144 = arith.constant 0 : i32
    %dma_wait3A_145 = arith.constant 0 : i32
    %dma_wait3A_146 = tpu.memref_slice %arg2[%dma_wait3A_144, %dma_wait3A_145] : memref<8192x1024xf32, #tpu.memory_space<hbm>> -> memref<8192x1024xf32, #tpu.memory_space<hbm>>
    tpu.wait_indirect_dma semaphore(%arg14 : memref<!tpu.dma_semaphore, #tpu.memory_space<semaphore_mem>>) src(%dma_wait3A_146 : memref<8192x1024xf32, #tpu.memory_space<hbm>>) dst(%dma_wait3A_141 : memref<16x1024xf32, #tpu.memory_space<vmem>>)
    %add3A_147 = arith.constant 32 : i32
    %add3A_148 = arith.addi %mul3A_2, %add3A_147 : i32
    %dma_start3A_149 = arith.constant 0 : i32
    %dma_start3A_150 = arith.constant 0 : i32
    %dma_start3A_151 = tpu.memref_slice %arg8[%dma_start3A_149, %dma_start3A_150] : memref<16x1024xf32, #tpu.memory_space<vmem>> -> memref<16x1024xf32, #tpu.memory_space<vmem>>
    %dma_start3A_152 = arith.constant 0 : i32
    %dma_start3A_153 = tpu.memref_slice %arg4[%add3A_148, %dma_start3A_152] : memref<16384x1024xf32, #tpu.memory_space<hbm>> -> memref<16x1024xf32, #tpu.memory_space<hbm>>
    %dma_start3A_154 = arith.constant 0 : i32
    %dma_start3A_155 = tpu.memref_slice %arg4[%add3A_148, %dma_start3A_154] : memref<16384x1024xf32, #tpu.memory_space<hbm>> -> memref<16x1024xf32, #tpu.memory_space<hbm>>
    %dma_start3A_156 = arith.constant 0 : i32
    %dma_start3A_157 = arith.constant 0 : i32
    %dma_start3A_158 = tpu.memref_slice %arg8[%dma_start3A_156, %dma_start3A_157] : memref<16x1024xf32, #tpu.memory_space<vmem>> -> memref<16x1024xf32, #tpu.memory_space<vmem>>
    tpu.enqueue_dma source(%dma_start3A_158 : memref<16x1024xf32, #tpu.memory_space<vmem>>) target(%dma_start3A_155 : memref<16x1024xf32, #tpu.memory_space<hbm>>) target_semaphore(%arg20 : memref<!tpu.dma_semaphore, #tpu.memory_space<semaphore_mem>>)
    %dma_wait3A_159 = arith.constant 0 : i32
    %dma_wait3A_160 = arith.constant 0 : i32
    %dma_wait3A_161 = tpu.memref_slice %arg7[%dma_wait3A_159, %dma_wait3A_160] : memref<16x1024xf32, #tpu.memory_space<vmem>> -> memref<16x1024xf32, #tpu.memory_space<vmem>>
    %dma_wait3A_162 = arith.constant 0 : i32
    %dma_wait3A_163 = tpu.memref_slice %arg4[%add3A_110, %dma_wait3A_162] : memref<16384x1024xf32, #tpu.memory_space<hbm>> -> memref<16x1024xf32, #tpu.memory_space<hbm>>
    %dma_wait3A_164 = arith.constant 0 : i32
    %dma_wait3A_165 = tpu.memref_slice %arg4[%add3A_110, %dma_wait3A_164] : memref<16384x1024xf32, #tpu.memory_space<hbm>> -> memref<16x1024xf32, #tpu.memory_space<hbm>>
    %dma_wait3A_166 = arith.constant 0 : i32
    %dma_wait3A_167 = arith.constant 0 : i32
    %dma_wait3A_168 = tpu.memref_slice %arg7[%dma_wait3A_166, %dma_wait3A_167] : memref<16x1024xf32, #tpu.memory_space<vmem>> -> memref<16x1024xf32, #tpu.memory_space<vmem>>
    tpu.wait_dma2 semaphore(%arg19 : memref<!tpu.dma_semaphore, #tpu.memory_space<semaphore_mem>>) src(%dma_wait3A_168 : memref<16x1024xf32, #tpu.memory_space<vmem>>) dst(%dma_wait3A_165 : memref<16x1024xf32, #tpu.memory_space<hbm>>)
    %dma_start3A_169 = arith.constant 0 : i32
    %dma_start3A_170 = arith.constant 0 : i32
    %dma_start3A_171 = tpu.memref_slice %arg7[%dma_start3A_169, %dma_start3A_170] : memref<16x1024xf32, #tpu.memory_space<vmem>> -> memref<16x1024xf32, #tpu.memory_space<vmem>>
    %dma_start3A_172 = arith.constant 112 : i32
    %dma_start3A_173 = tpu.memref_slice %arg5[%dma_start3A_172] : memref<512xi32, #tpu.memory_space<vmem>> -> memref<16xi32, #tpu.memory_space<vmem>>
    %dma_start3A_174 = arith.constant 0 : i32
    %dma_start3A_175 = arith.constant 0 : i32
    %dma_start3A_176 = tpu.memref_slice %arg2[%dma_start3A_174, %dma_start3A_175] : memref<8192x1024xf32, #tpu.memory_space<hbm>> -> memref<8192x1024xf32, #tpu.memory_space<hbm>>
    tpu.enqueue_indirect_dma source(%dma_start3A_176 : memref<8192x1024xf32, #tpu.memory_space<hbm>>) target(%dma_start3A_171 : memref<16x1024xf32, #tpu.memory_space<vmem>>) offsets(%dma_start3A_173 : memref<16xi32, #tpu.memory_space<vmem>>) semaphore(%arg13 : memref<!tpu.dma_semaphore, #tpu.memory_space<semaphore_mem>>)
    %dma_wait3A_177 = arith.constant 0 : i32
    %dma_wait3A_178 = arith.constant 0 : i32
    %dma_wait3A_179 = tpu.memref_slice %arg9[%dma_wait3A_177, %dma_wait3A_178] : memref<16x1024xf32, #tpu.memory_space<vmem>> -> memref<16x1024xf32, #tpu.memory_space<vmem>>
    %dma_wait3A_180 = arith.constant 48 : i32
    %dma_wait3A_181 = tpu.memref_slice %arg5[%dma_wait3A_180] : memref<512xi32, #tpu.memory_space<vmem>> -> memref<16xi32, #tpu.memory_space<vmem>>
    %dma_wait3A_182 = arith.constant 0 : i32
    %dma_wait3A_183 = arith.constant 0 : i32
    %dma_wait3A_184 = tpu.memref_slice %arg2[%dma_wait3A_182, %dma_wait3A_183] : memref<8192x1024xf32, #tpu.memory_space<hbm>> -> memref<8192x1024xf32, #tpu.memory_space<hbm>>
    tpu.wait_indirect_dma semaphore(%arg15 : memref<!tpu.dma_semaphore, #tpu.memory_space<semaphore_mem>>) src(%dma_wait3A_184 : memref<8192x1024xf32, #tpu.memory_space<hbm>>) dst(%dma_wait3A_179 : memref<16x1024xf32, #tpu.memory_space<vmem>>)
    %add3A_185 = arith.constant 48 : i32
    %add3A_186 = arith.addi %mul3A_2, %add3A_185 : i32
    %dma_start3A_187 = arith.constant 0 : i32
    %dma_start3A_188 = arith.constant 0 : i32
    %dma_start3A_189 = tpu.memref_slice %arg9[%dma_start3A_187, %dma_start3A_188] : memref<16x1024xf32, #tpu.memory_space<vmem>> -> memref<16x1024xf32, #tpu.memory_space<vmem>>
    %dma_start3A_190 = arith.constant 0 : i32
    %dma_start3A_191 = tpu.memref_slice %arg4[%add3A_186, %dma_start3A_190] : memref<16384x1024xf32, #tpu.memory_space<hbm>> -> memref<16x1024xf32, #tpu.memory_space<hbm>>
    %dma_start3A_192 = arith.constant 0 : i32
    %dma_start3A_193 = tpu.memref_slice %arg4[%add3A_186, %dma_start3A_192] : memref<16384x1024xf32, #tpu.memory_space<hbm>> -> memref<16x1024xf32, #tpu.memory_space<hbm>>
    %dma_start3A_194 = arith.constant 0 : i32
    %dma_start3A_195 = arith.constant 0 : i32
    %dma_start3A_196 = tpu.memref_slice %arg9[%dma_start3A_194, %dma_start3A_195] : memref<16x1024xf32, #tpu.memory_space<vmem>> -> memref<16x1024xf32, #tpu.memory_space<vmem>>
    tpu.enqueue_dma source(%dma_start3A_196 : memref<16x1024xf32, #tpu.memory_space<vmem>>) target(%dma_start3A_193 : memref<16x1024xf32, #tpu.memory_space<hbm>>) target_semaphore(%arg21 : memref<!tpu.dma_semaphore, #tpu.memory_space<semaphore_mem>>)
    %dma_wait3A_197 = arith.constant 0 : i32
    %dma_wait3A_198 = arith.constant 0 : i32
    %dma_wait3A_199 = tpu.memref_slice %arg8[%dma_wait3A_197, %dma_wait3A_198] : memref<16x1024xf32, #tpu.memory_space<vmem>> -> memref<16x1024xf32, #tpu.memory_space<vmem>>
    %dma_wait3A_200 = arith.constant 0 : i32
    %dma_wait3A_201 = tpu.memref_slice %arg4[%add3A_148, %dma_wait3A_200] : memref<16384x1024xf32, #tpu.memory_space<hbm>> -> memref<16x1024xf32, #tpu.memory_space<hbm>>
    %dma_wait3A_202 = arith.constant 0 : i32
    %dma_wait3A_203 = tpu.memref_slice %arg4[%add3A_148, %dma_wait3A_202] : memref<16384x1024xf32, #tpu.memory_space<hbm>> -> memref<16x1024xf32, #tpu.memory_space<hbm>>
    %dma_wait3A_204 = arith.constant 0 : i32
    %dma_wait3A_205 = arith.constant 0 : i32
    %dma_wait3A_206 = tpu.memref_slice %arg8[%dma_wait3A_204, %dma_wait3A_205] : memref<16x1024xf32, #tpu.memory_space<vmem>> -> memref<16x1024xf32, #tpu.memory_space<vmem>>
    tpu.wait_dma2 semaphore(%arg20 : memref<!tpu.dma_semaphore, #tpu.memory_space<semaphore_mem>>) src(%dma_wait3A_206 : memref<16x1024xf32, #tpu.memory_space<vmem>>) dst(%dma_wait3A_203 : memref<16x1024xf32, #tpu.memory_space<hbm>>)
    %dma_start3A_207 = arith.constant 0 : i32
    %dma_start3A_208 = arith.constant 0 : i32
    %dma_start3A_209 = tpu.memref_slice %arg8[%dma_start3A_207, %dma_start3A_208] : memref<16x1024xf32, #tpu.memory_space<vmem>> -> memref<16x1024xf32, #tpu.memory_space<vmem>>
    %dma_start3A_210 = arith.constant 128 : i32
    %dma_start3A_211 = tpu.memref_slice %arg5[%dma_start3A_210] : memref<512xi32, #tpu.memory_space<vmem>> -> memref<16xi32, #tpu.memory_space<vmem>>
    %dma_start3A_212 = arith.constant 0 : i32
    %dma_start3A_213 = arith.constant 0 : i32
    %dma_start3A_214 = tpu.memref_slice %arg2[%dma_start3A_212, %dma_start3A_213] : memref<8192x1024xf32, #tpu.memory_space<hbm>> -> memref<8192x1024xf32, #tpu.memory_space<hbm>>
    tpu.enqueue_indirect_dma source(%dma_start3A_214 : memref<8192x1024xf32, #tpu.memory_space<hbm>>) target(%dma_start3A_209 : memref<16x1024xf32, #tpu.memory_space<vmem>>) offsets(%dma_start3A_211 : memref<16xi32, #tpu.memory_space<vmem>>) semaphore(%arg14 : memref<!tpu.dma_semaphore, #tpu.memory_space<semaphore_mem>>)
    %dma_wait3A_215 = arith.constant 0 : i32
    %dma_wait3A_216 = arith.constant 0 : i32
    %dma_wait3A_217 = tpu.memref_slice %arg10[%dma_wait3A_215, %dma_wait3A_216] : memref<16x1024xf32, #tpu.memory_space<vmem>> -> memref<16x1024xf32, #tpu.memory_space<vmem>>
    %dma_wait3A_218 = arith.constant 64 : i32
    %dma_wait3A_219 = tpu.memref_slice %arg5[%dma_wait3A_218] : memref<512xi32, #tpu.memory_space<vmem>> -> memref<16xi32, #tpu.memory_space<vmem>>
    %dma_wait3A_220 = arith.constant 0 : i32
    %dma_wait3A_221 = arith.constant 0 : i32
    %dma_wait3A_222 = tpu.memref_slice %arg2[%dma_wait3A_220, %dma_wait3A_221] : memref<8192x1024xf32, #tpu.memory_space<hbm>> -> memref<8192x1024xf32, #tpu.memory_space<hbm>>
    tpu.wait_indirect_dma semaphore(%arg16 : memref<!tpu.dma_semaphore, #tpu.memory_space<semaphore_mem>>) src(%dma_wait3A_222 : memref<8192x1024xf32, #tpu.memory_space<hbm>>) dst(%dma_wait3A_217 : memref<16x1024xf32, #tpu.memory_space<vmem>>)
    %add3A_223 = arith.constant 64 : i32
    %add3A_224 = arith.addi %mul3A_2, %add3A_223 : i32
    %dma_start3A_225 = arith.constant 0 : i32
    %dma_start3A_226 = arith.constant 0 : i32
    %dma_start3A_227 = tpu.memref_slice %arg10[%dma_start3A_225, %dma_start3A_226] : memref<16x1024xf32, #tpu.memory_space<vmem>> -> memref<16x1024xf32, #tpu.memory_space<vmem>>
    %dma_start3A_228 = arith.constant 0 : i32
    %dma_start3A_229 = tpu.memref_slice %arg4[%add3A_224, %dma_start3A_228] : memref<16384x1024xf32, #tpu.memory_space<hbm>> -> memref<16x1024xf32, #tpu.memory_space<hbm>>
    %dma_start3A_230 = arith.constant 0 : i32
    %dma_start3A_231 = tpu.memref_slice %arg4[%add3A_224, %dma_start3A_230] : memref<16384x1024xf32, #tpu.memory_space<hbm>> -> memref<16x1024xf32, #tpu.memory_space<hbm>>
    %dma_start3A_232 = arith.constant 0 : i32
    %dma_start3A_233 = arith.constant 0 : i32
    %dma_start3A_234 = tpu.memref_slice %arg10[%dma_start3A_232, %dma_start3A_233] : memref<16x1024xf32, #tpu.memory_space<vmem>> -> memref<16x1024xf32, #tpu.memory_space<vmem>>
    tpu.enqueue_dma source(%dma_start3A_234 : memref<16x1024xf32, #tpu.memory_space<vmem>>) target(%dma_start3A_231 : memref<16x1024xf32, #tpu.memory_space<hbm>>) target_semaphore(%arg22 : memref<!tpu.dma_semaphore, #tpu.memory_space<semaphore_mem>>)
    %dma_wait3A_235 = arith.constant 0 : i32
    %dma_wait3A_236 = arith.constant 0 : i32
    %dma_wait3A_237 = tpu.memref_slice %arg9[%dma_wait3A_235, %dma_wait3A_236] : memref<16x1024xf32, #tpu.memory_space<vmem>> -> memref<16x1024xf32, #tpu.memory_space<vmem>>
    %dma_wait3A_238 = arith.constant 0 : i32
    %dma_wait3A_239 = tpu.memref_slice %arg4[%add3A_186, %dma_wait3A_238] : memref<16384x1024xf32, #tpu.memory_space<hbm>> -> memref<16x1024xf32, #tpu.memory_space<hbm>>
    %dma_wait3A_240 = arith.constant 0 : i32
    %dma_wait3A_241 = tpu.memref_slice %arg4[%add3A_186, %dma_wait3A_240] : memref<16384x1024xf32, #tpu.memory_space<hbm>> -> memref<16x1024xf32, #tpu.memory_space<hbm>>
    %dma_wait3A_242 = arith.constant 0 : i32
    %dma_wait3A_243 = arith.constant 0 : i32
    %dma_wait3A_244 = tpu.memref_slice %arg9[%dma_wait3A_242, %dma_wait3A_243] : memref<16x1024xf32, #tpu.memory_space<vmem>> -> memref<16x1024xf32, #tpu.memory_space<vmem>>
    tpu.wait_dma2 semaphore(%arg21 : memref<!tpu.dma_semaphore, #tpu.memory_space<semaphore_mem>>) src(%dma_wait3A_244 : memref<16x1024xf32, #tpu.memory_space<vmem>>) dst(%dma_wait3A_241 : memref<16x1024xf32, #tpu.memory_space<hbm>>)
    %dma_start3A_245 = arith.constant 0 : i32
    %dma_start3A_246 = arith.constant 0 : i32
    %dma_start3A_247 = tpu.memref_slice %arg9[%dma_start3A_245, %dma_start3A_246] : memref<16x1024xf32, #tpu.memory_space<vmem>> -> memref<16x1024xf32, #tpu.memory_space<vmem>>
    %dma_start3A_248 = arith.constant 144 : i32
    %dma_start3A_249 = tpu.memref_slice %arg5[%dma_start3A_248] : memref<512xi32, #tpu.memory_space<vmem>> -> memref<16xi32, #tpu.memory_space<vmem>>
    %dma_start3A_250 = arith.constant 0 : i32
    %dma_start3A_251 = arith.constant 0 : i32
    %dma_start3A_252 = tpu.memref_slice %arg2[%dma_start3A_250, %dma_start3A_251] : memref<8192x1024xf32, #tpu.memory_space<hbm>> -> memref<8192x1024xf32, #tpu.memory_space<hbm>>
    tpu.enqueue_indirect_dma source(%dma_start3A_252 : memref<8192x1024xf32, #tpu.memory_space<hbm>>) target(%dma_start3A_247 : memref<16x1024xf32, #tpu.memory_space<vmem>>) offsets(%dma_start3A_249 : memref<16xi32, #tpu.memory_space<vmem>>) semaphore(%arg15 : memref<!tpu.dma_semaphore, #tpu.memory_space<semaphore_mem>>)
    %dma_wait3A_253 = arith.constant 0 : i32
    %dma_wait3A_254 = arith.constant 0 : i32
    %dma_wait3A_255 = tpu.memref_slice %arg11[%dma_wait3A_253, %dma_wait3A_254] : memref<16x1024xf32, #tpu.memory_space<vmem>> -> memref<16x1024xf32, #tpu.memory_space<vmem>>
    %dma_wait3A_256 = arith.constant 80 : i32
    %dma_wait3A_257 = tpu.memref_slice %arg5[%dma_wait3A_256] : memref<512xi32, #tpu.memory_space<vmem>> -> memref<16xi32, #tpu.memory_space<vmem>>
    %dma_wait3A_258 = arith.constant 0 : i32
    %dma_wait3A_259 = arith.constant 0 : i32
    %dma_wait3A_260 = tpu.memref_slice %arg2[%dma_wait3A_258, %dma_wait3A_259] : memref<8192x1024xf32, #tpu.memory_space<hbm>> -> memref<8192x1024xf32, #tpu.memory_space<hbm>>
    tpu.wait_indirect_dma semaphore(%arg17 : memref<!tpu.dma_semaphore, #tpu.memory_space<semaphore_mem>>) src(%dma_wait3A_260 : memref<8192x1024xf32, #tpu.memory_space<hbm>>) dst(%dma_wait3A_255 : memref<16x1024xf32, #tpu.memory_space<vmem>>)
    %add3A_261 = arith.constant 80 : i32
    %add3A_262 = arith.addi %mul3A_2, %add3A_261 : i32
    %dma_start3A_263 = arith.constant 0 : i32
    %dma_start3A_264 = arith.constant 0 : i32
    %dma_start3A_265 = tpu.memref_slice %arg11[%dma_start3A_263, %dma_start3A_264] : memref<16x1024xf32, #tpu.memory_space<vmem>> -> memref<16x1024xf32, #tpu.memory_space<vmem>>
    %dma_start3A_266 = arith.constant 0 : i32
    %dma_start3A_267 = tpu.memref_slice %arg4[%add3A_262, %dma_start3A_266] : memref<16384x1024xf32, #tpu.memory_space<hbm>> -> memref<16x1024xf32, #tpu.memory_space<hbm>>
    %dma_start3A_268 = arith.constant 0 : i32
    %dma_start3A_269 = tpu.memref_slice %arg4[%add3A_262, %dma_start3A_268] : memref<16384x1024xf32, #tpu.memory_space<hbm>> -> memref<16x1024xf32, #tpu.memory_space<hbm>>
    %dma_start3A_270 = arith.constant 0 : i32
    %dma_start3A_271 = arith.constant 0 : i32
    %dma_start3A_272 = tpu.memref_slice %arg11[%dma_start3A_270, %dma_start3A_271] : memref<16x1024xf32, #tpu.memory_space<vmem>> -> memref<16x1024xf32, #tpu.memory_space<vmem>>
    tpu.enqueue_dma source(%dma_start3A_272 : memref<16x1024xf32, #tpu.memory_space<vmem>>) target(%dma_start3A_269 : memref<16x1024xf32, #tpu.memory_space<hbm>>) target_semaphore(%arg23 : memref<!tpu.dma_semaphore, #tpu.memory_space<semaphore_mem>>)
    %dma_wait3A_273 = arith.constant 0 : i32
    %dma_wait3A_274 = arith.constant 0 : i32
    %dma_wait3A_275 = tpu.memref_slice %arg10[%dma_wait3A_273, %dma_wait3A_274] : memref<16x1024xf32, #tpu.memory_space<vmem>> -> memref<16x1024xf32, #tpu.memory_space<vmem>>
    %dma_wait3A_276 = arith.constant 0 : i32
    %dma_wait3A_277 = tpu.memref_slice %arg4[%add3A_224, %dma_wait3A_276] : memref<16384x1024xf32, #tpu.memory_space<hbm>> -> memref<16x1024xf32, #tpu.memory_space<hbm>>
    %dma_wait3A_278 = arith.constant 0 : i32
    %dma_wait3A_279 = tpu.memref_slice %arg4[%add3A_224, %dma_wait3A_278] : memref<16384x1024xf32, #tpu.memory_space<hbm>> -> memref<16x1024xf32, #tpu.memory_space<hbm>>
    %dma_wait3A_280 = arith.constant 0 : i32
    %dma_wait3A_281 = arith.constant 0 : i32
    %dma_wait3A_282 = tpu.memref_slice %arg10[%dma_wait3A_280, %dma_wait3A_281] : memref<16x1024xf32, #tpu.memory_space<vmem>> -> memref<16x1024xf32, #tpu.memory_space<vmem>>
    tpu.wait_dma2 semaphore(%arg22 : memref<!tpu.dma_semaphore, #tpu.memory_space<semaphore_mem>>) src(%dma_wait3A_282 : memref<16x1024xf32, #tpu.memory_space<vmem>>) dst(%dma_wait3A_279 : memref<16x1024xf32, #tpu.memory_space<hbm>>)
    %dma_start3A_283 = arith.constant 0 : i32
    %dma_start3A_284 = arith.constant 0 : i32
    %dma_start3A_285 = tpu.memref_slice %arg10[%dma_start3A_283, %dma_start3A_284] : memref<16x1024xf32, #tpu.memory_space<vmem>> -> memref<16x1024xf32, #tpu.memory_space<vmem>>
    %dma_start3A_286 = arith.constant 160 : i32
    %dma_start3A_287 = tpu.memref_slice %arg5[%dma_start3A_286] : memref<512xi32, #tpu.memory_space<vmem>> -> memref<16xi32, #tpu.memory_space<vmem>>
    %dma_start3A_288 = arith.constant 0 : i32
    %dma_start3A_289 = arith.constant 0 : i32
    %dma_start3A_290 = tpu.memref_slice %arg2[%dma_start3A_288, %dma_start3A_289] : memref<8192x1024xf32, #tpu.memory_space<hbm>> -> memref<8192x1024xf32, #tpu.memory_space<hbm>>
    tpu.enqueue_indirect_dma source(%dma_start3A_290 : memref<8192x1024xf32, #tpu.memory_space<hbm>>) target(%dma_start3A_285 : memref<16x1024xf32, #tpu.memory_space<vmem>>) offsets(%dma_start3A_287 : memref<16xi32, #tpu.memory_space<vmem>>) semaphore(%arg16 : memref<!tpu.dma_semaphore, #tpu.memory_space<semaphore_mem>>)
    %dma_wait3A_291 = arith.constant 0 : i32
    %dma_wait3A_292 = arith.constant 0 : i32
    %dma_wait3A_293 = tpu.memref_slice %arg6[%dma_wait3A_291, %dma_wait3A_292] : memref<16x1024xf32, #tpu.memory_space<vmem>> -> memref<16x1024xf32, #tpu.memory_space<vmem>>
    %dma_wait3A_294 = arith.constant 96 : i32
    %dma_wait3A_295 = tpu.memref_slice %arg5[%dma_wait3A_294] : memref<512xi32, #tpu.memory_space<vmem>> -> memref<16xi32, #tpu.memory_space<vmem>>
    %dma_wait3A_296 = arith.constant 0 : i32
    %dma_wait3A_297 = arith.constant 0 : i32
    %dma_wait3A_298 = tpu.memref_slice %arg2[%dma_wait3A_296, %dma_wait3A_297] : memref<8192x1024xf32, #tpu.memory_space<hbm>> -> memref<8192x1024xf32, #tpu.memory_space<hbm>>
    tpu.wait_indirect_dma semaphore(%arg12 : memref<!tpu.dma_semaphore, #tpu.memory_space<semaphore_mem>>) src(%dma_wait3A_298 : memref<8192x1024xf32, #tpu.memory_space<hbm>>) dst(%dma_wait3A_293 : memref<16x1024xf32, #tpu.memory_space<vmem>>)
    %add3A_299 = arith.constant 96 : i32
    %add3A_300 = arith.addi %mul3A_2, %add3A_299 : i32
    %dma_start3A_301 = arith.constant 0 : i32
    %dma_start3A_302 = arith.constant 0 : i32
    %dma_start3A_303 = tpu.memref_slice %arg6[%dma_start3A_301, %dma_start3A_302] : memref<16x1024xf32, #tpu.memory_space<vmem>> -> memref<16x1024xf32, #tpu.memory_space<vmem>>
    %dma_start3A_304 = arith.constant 0 : i32
    %dma_start3A_305 = tpu.memref_slice %arg4[%add3A_300, %dma_start3A_304] : memref<16384x1024xf32, #tpu.memory_space<hbm>> -> memref<16x1024xf32, #tpu.memory_space<hbm>>
    %dma_start3A_306 = arith.constant 0 : i32
    %dma_start3A_307 = tpu.memref_slice %arg4[%add3A_300, %dma_start3A_306] : memref<16384x1024xf32, #tpu.memory_space<hbm>> -> memref<16x1024xf32, #tpu.memory_space<hbm>>
    %dma_start3A_308 = arith.constant 0 : i32
    %dma_start3A_309 = arith.constant 0 : i32
    %dma_start3A_310 = tpu.memref_slice %arg6[%dma_start3A_308, %dma_start3A_309] : memref<16x1024xf32, #tpu.memory_space<vmem>> -> memref<16x1024xf32, #tpu.memory_space<vmem>>
    tpu.enqueue_dma source(%dma_start3A_310 : memref<16x1024xf32, #tpu.memory_space<vmem>>) target(%dma_start3A_307 : memref<16x1024xf32, #tpu.memory_space<hbm>>) target_semaphore(%arg18 : memref<!tpu.dma_semaphore, #tpu.memory_space<semaphore_mem>>)
    %dma_wait3A_311 = arith.constant 0 : i32
    %dma_wait3A_312 = arith.constant 0 : i32
    %dma_wait3A_313 = tpu.memref_slice %arg11[%dma_wait3A_311, %dma_wait3A_312] : memref<16x1024xf32, #tpu.memory_space<vmem>> -> memref<16x1024xf32, #tpu.memory_space<vmem>>
    %dma_wait3A_314 = arith.constant 0 : i32
    %dma_wait3A_315 = tpu.memref_slice %arg4[%add3A_262, %dma_wait3A_314] : memref<16384x1024xf32, #tpu.memory_space<hbm>> -> memref<16x1024xf32, #tpu.memory_space<hbm>>
    %dma_wait3A_316 = arith.constant 0 : i32
    %dma_wait3A_317 = tpu.memref_slice %arg4[%add3A_262, %dma_wait3A_316] : memref<16384x1024xf32, #tpu.memory_space<hbm>> -> memref<16x1024xf32, #tpu.memory_space<hbm>>
    %dma_wait3A_318 = arith.constant 0 : i32
    %dma_wait3A_319 = arith.constant 0 : i32
    %dma_wait3A_320 = tpu.memref_slice %arg11[%dma_wait3A_318, %dma_wait3A_319] : memref<16x1024xf32, #tpu.memory_space<vmem>> -> memref<16x1024xf32, #tpu.memory_space<vmem>>
    tpu.wait_dma2 semaphore(%arg23 : memref<!tpu.dma_semaphore, #tpu.memory_space<semaphore_mem>>) src(%dma_wait3A_320 : memref<16x1024xf32, #tpu.memory_space<vmem>>) dst(%dma_wait3A_317 : memref<16x1024xf32, #tpu.memory_space<hbm>>)
    %dma_start3A_321 = arith.constant 0 : i32
    %dma_start3A_322 = arith.constant 0 : i32
    %dma_start3A_323 = tpu.memref_slice %arg11[%dma_start3A_321, %dma_start3A_322] : memref<16x1024xf32, #tpu.memory_space<vmem>> -> memref<16x1024xf32, #tpu.memory_space<vmem>>
    %dma_start3A_324 = arith.constant 176 : i32
    %dma_start3A_325 = tpu.memref_slice %arg5[%dma_start3A_324] : memref<512xi32, #tpu.memory_space<vmem>> -> memref<16xi32, #tpu.memory_space<vmem>>
    %dma_start3A_326 = arith.constant 0 : i32
    %dma_start3A_327 = arith.constant 0 : i32
    %dma_start3A_328 = tpu.memref_slice %arg2[%dma_start3A_326, %dma_start3A_327] : memref<8192x1024xf32, #tpu.memory_space<hbm>> -> memref<8192x1024xf32, #tpu.memory_space<hbm>>
    tpu.enqueue_indirect_dma source(%dma_start3A_328 : memref<8192x1024xf32, #tpu.memory_space<hbm>>) target(%dma_start3A_323 : memref<16x1024xf32, #tpu.memory_space<vmem>>) offsets(%dma_start3A_325 : memref<16xi32, #tpu.memory_space<vmem>>) semaphore(%arg17 : memref<!tpu.dma_semaphore, #tpu.memory_space<semaphore_mem>>)
    %dma_wait3A_329 = arith.constant 0 : i32
    %dma_wait3A_330 = arith.constant 0 : i32
    %dma_wait3A_331 = tpu.memref_slice %arg7[%dma_wait3A_329, %dma_wait3A_330] : memref<16x1024xf32, #tpu.memory_space<vmem>> -> memref<16x1024xf32, #tpu.memory_space<vmem>>
    %dma_wait3A_332 = arith.constant 112 : i32
    %dma_wait3A_333 = tpu.memref_slice %arg5[%dma_wait3A_332] : memref<512xi32, #tpu.memory_space<vmem>> -> memref<16xi32, #tpu.memory_space<vmem>>
    %dma_wait3A_334 = arith.constant 0 : i32
    %dma_wait3A_335 = arith.constant 0 : i32
    %dma_wait3A_336 = tpu.memref_slice %arg2[%dma_wait3A_334, %dma_wait3A_335] : memref<8192x1024xf32, #tpu.memory_space<hbm>> -> memref<8192x1024xf32, #tpu.memory_space<hbm>>
    tpu.wait_indirect_dma semaphore(%arg13 : memref<!tpu.dma_semaphore, #tpu.memory_space<semaphore_mem>>) src(%dma_wait3A_336 : memref<8192x1024xf32, #tpu.memory_space<hbm>>) dst(%dma_wait3A_331 : memref<16x1024xf32, #tpu.memory_space<vmem>>)
    %add3A_337 = arith.constant 112 : i32
    %add3A_338 = arith.addi %mul3A_2, %add3A_337 : i32
    %dma_start3A_339 = arith.constant 0 : i32
    %dma_start3A_340 = arith.constant 0 : i32
    %dma_start3A_341 = tpu.memref_slice %arg7[%dma_start3A_339, %dma_start3A_340] : memref<16x1024xf32, #tpu.memory_space<vmem>> -> memref<16x1024xf32, #tpu.memory_space<vmem>>
    %dma_start3A_342 = arith.constant 0 : i32
    %dma_start3A_343 = tpu.memref_slice %arg4[%add3A_338, %dma_start3A_342] : memref<16384x1024xf32, #tpu.memory_space<hbm>> -> memref<16x1024xf32, #tpu.memory_space<hbm>>
    %dma_start3A_344 = arith.constant 0 : i32
    %dma_start3A_345 = tpu.memref_slice %arg4[%add3A_338, %dma_start3A_344] : memref<16384x1024xf32, #tpu.memory_space<hbm>> -> memref<16x1024xf32, #tpu.memory_space<hbm>>
    %dma_start3A_346 = arith.constant 0 : i32
    %dma_start3A_347 = arith.constant 0 : i32
    %dma_start3A_348 = tpu.memref_slice %arg7[%dma_start3A_346, %dma_start3A_347] : memref<16x1024xf32, #tpu.memory_space<vmem>> -> memref<16x1024xf32, #tpu.memory_space<vmem>>
    tpu.enqueue_dma source(%dma_start3A_348 : memref<16x1024xf32, #tpu.memory_space<vmem>>) target(%dma_start3A_345 : memref<16x1024xf32, #tpu.memory_space<hbm>>) target_semaphore(%arg19 : memref<!tpu.dma_semaphore, #tpu.memory_space<semaphore_mem>>)
    %dma_wait3A_349 = arith.constant 0 : i32
    %dma_wait3A_350 = arith.constant 0 : i32
    %dma_wait3A_351 = tpu.memref_slice %arg6[%dma_wait3A_349, %dma_wait3A_350] : memref<16x1024xf32, #tpu.memory_space<vmem>> -> memref<16x1024xf32, #tpu.memory_space<vmem>>
    %dma_wait3A_352 = arith.constant 0 : i32
    %dma_wait3A_353 = tpu.memref_slice %arg4[%add3A_300, %dma_wait3A_352] : memref<16384x1024xf32, #tpu.memory_space<hbm>> -> memref<16x1024xf32, #tpu.memory_space<hbm>>
    %dma_wait3A_354 = arith.constant 0 : i32
    %dma_wait3A_355 = tpu.memref_slice %arg4[%add3A_300, %dma_wait3A_354] : memref<16384x1024xf32, #tpu.memory_space<hbm>> -> memref<16x1024xf32, #tpu.memory_space<hbm>>
    %dma_wait3A_356 = arith.constant 0 : i32
    %dma_wait3A_357 = arith.constant 0 : i32
    %dma_wait3A_358 = tpu.memref_slice %arg6[%dma_wait3A_356, %dma_wait3A_357] : memref<16x1024xf32, #tpu.memory_space<vmem>> -> memref<16x1024xf32, #tpu.memory_space<vmem>>
    tpu.wait_dma2 semaphore(%arg18 : memref<!tpu.dma_semaphore, #tpu.memory_space<semaphore_mem>>) src(%dma_wait3A_358 : memref<16x1024xf32, #tpu.memory_space<vmem>>) dst(%dma_wait3A_355 : memref<16x1024xf32, #tpu.memory_space<hbm>>)
    %dma_start3A_359 = arith.constant 0 : i32
    %dma_start3A_360 = arith.constant 0 : i32
    %dma_start3A_361 = tpu.memref_slice %arg6[%dma_start3A_359, %dma_start3A_360] : memref<16x1024xf32, #tpu.memory_space<vmem>> -> memref<16x1024xf32, #tpu.memory_space<vmem>>
    %dma_start3A_362 = arith.constant 192 : i32
    %dma_start3A_363 = tpu.memref_slice %arg5[%dma_start3A_362] : memref<512xi32, #tpu.memory_space<vmem>> -> memref<16xi32, #tpu.memory_space<vmem>>
    %dma_start3A_364 = arith.constant 0 : i32
    %dma_start3A_365 = arith.constant 0 : i32
    %dma_start3A_366 = tpu.memref_slice %arg2[%dma_start3A_364, %dma_start3A_365] : memref<8192x1024xf32, #tpu.memory_space<hbm>> -> memref<8192x1024xf32, #tpu.memory_space<hbm>>
    tpu.enqueue_indirect_dma source(%dma_start3A_366 : memref<8192x1024xf32, #tpu.memory_space<hbm>>) target(%dma_start3A_361 : memref<16x1024xf32, #tpu.memory_space<vmem>>) offsets(%dma_start3A_363 : memref<16xi32, #tpu.memory_space<vmem>>) semaphore(%arg12 : memref<!tpu.dma_semaphore, #tpu.memory_space<semaphore_mem>>)
    %dma_wait3A_367 = arith.constant 0 : i32
    %dma_wait3A_368 = arith.constant 0 : i32
    %dma_wait3A_369 = tpu.memref_slice %arg8[%dma_wait3A_367, %dma_wait3A_368] : memref<16x1024xf32, #tpu.memory_space<vmem>> -> memref<16x1024xf32, #tpu.memory_space<vmem>>
    %dma_wait3A_370 = arith.constant 128 : i32
    %dma_wait3A_371 = tpu.memref_slice %arg5[%dma_wait3A_370] : memref<512xi32, #tpu.memory_space<vmem>> -> memref<16xi32, #tpu.memory_space<vmem>>
    %dma_wait3A_372 = arith.constant 0 : i32
    %dma_wait3A_373 = arith.constant 0 : i32
    %dma_wait3A_374 = tpu.memref_slice %arg2[%dma_wait3A_372, %dma_wait3A_373] : memref<8192x1024xf32, #tpu.memory_space<hbm>> -> memref<8192x1024xf32, #tpu.memory_space<hbm>>
    tpu.wait_indirect_dma semaphore(%arg14 : memref<!tpu.dma_semaphore, #tpu.memory_space<semaphore_mem>>) src(%dma_wait3A_374 : memref<8192x1024xf32, #tpu.memory_space<hbm>>) dst(%dma_wait3A_369 : memref<16x1024xf32, #tpu.memory_space<vmem>>)
    %add3A_375 = arith.constant 128 : i32
    %add3A_376 = arith.addi %mul3A_2, %add3A_375 : i32
    %dma_start3A_377 = arith.constant 0 : i32
    %dma_start3A_378 = arith.constant 0 : i32
    %dma_start3A_379 = tpu.memref_slice %arg8[%dma_start3A_377, %dma_start3A_378] : memref<16x1024xf32, #tpu.memory_space<vmem>> -> memref<16x1024xf32, #tpu.memory_space<vmem>>
    %dma_start3A_380 = arith.constant 0 : i32
    %dma_start3A_381 = tpu.memref_slice %arg4[%add3A_376, %dma_start3A_380] : memref<16384x1024xf32, #tpu.memory_space<hbm>> -> memref<16x1024xf32, #tpu.memory_space<hbm>>
    %dma_start3A_382 = arith.constant 0 : i32
    %dma_start3A_383 = tpu.memref_slice %arg4[%add3A_376, %dma_start3A_382] : memref<16384x1024xf32, #tpu.memory_space<hbm>> -> memref<16x1024xf32, #tpu.memory_space<hbm>>
    %dma_start3A_384 = arith.constant 0 : i32
    %dma_start3A_385 = arith.constant 0 : i32
    %dma_start3A_386 = tpu.memref_slice %arg8[%dma_start3A_384, %dma_start3A_385] : memref<16x1024xf32, #tpu.memory_space<vmem>> -> memref<16x1024xf32, #tpu.memory_space<vmem>>
    tpu.enqueue_dma source(%dma_start3A_386 : memref<16x1024xf32, #tpu.memory_space<vmem>>) target(%dma_start3A_383 : memref<16x1024xf32, #tpu.memory_space<hbm>>) target_semaphore(%arg20 : memref<!tpu.dma_semaphore, #tpu.memory_space<semaphore_mem>>)
    %dma_wait3A_387 = arith.constant 0 : i32
    %dma_wait3A_388 = arith.constant 0 : i32
    %dma_wait3A_389 = tpu.memref_slice %arg7[%dma_wait3A_387, %dma_wait3A_388] : memref<16x1024xf32, #tpu.memory_space<vmem>> -> memref<16x1024xf32, #tpu.memory_space<vmem>>
    %dma_wait3A_390 = arith.constant 0 : i32
    %dma_wait3A_391 = tpu.memref_slice %arg4[%add3A_338, %dma_wait3A_390] : memref<16384x1024xf32, #tpu.memory_space<hbm>> -> memref<16x1024xf32, #tpu.memory_space<hbm>>
    %dma_wait3A_392 = arith.constant 0 : i32
    %dma_wait3A_393 = tpu.memref_slice %arg4[%add3A_338, %dma_wait3A_392] : memref<16384x1024xf32, #tpu.memory_space<hbm>> -> memref<16x1024xf32, #tpu.memory_space<hbm>>
    %dma_wait3A_394 = arith.constant 0 : i32
    %dma_wait3A_395 = arith.constant 0 : i32
    %dma_wait3A_396 = tpu.memref_slice %arg7[%dma_wait3A_394, %dma_wait3A_395] : memref<16x1024xf32, #tpu.memory_space<vmem>> -> memref<16x1024xf32, #tpu.memory_space<vmem>>
    tpu.wait_dma2 semaphore(%arg19 : memref<!tpu.dma_semaphore, #tpu.memory_space<semaphore_mem>>) src(%dma_wait3A_396 : memref<16x1024xf32, #tpu.memory_space<vmem>>) dst(%dma_wait3A_393 : memref<16x1024xf32, #tpu.memory_space<hbm>>)
    %dma_start3A_397 = arith.constant 0 : i32
    %dma_start3A_398 = arith.constant 0 : i32
    %dma_start3A_399 = tpu.memref_slice %arg7[%dma_start3A_397, %dma_start3A_398] : memref<16x1024xf32, #tpu.memory_space<vmem>> -> memref<16x1024xf32, #tpu.memory_space<vmem>>
    %dma_start3A_400 = arith.constant 208 : i32
    %dma_start3A_401 = tpu.memref_slice %arg5[%dma_start3A_400] : memref<512xi32, #tpu.memory_space<vmem>> -> memref<16xi32, #tpu.memory_space<vmem>>
    %dma_start3A_402 = arith.constant 0 : i32
    %dma_start3A_403 = arith.constant 0 : i32
    %dma_start3A_404 = tpu.memref_slice %arg2[%dma_start3A_402, %dma_start3A_403] : memref<8192x1024xf32, #tpu.memory_space<hbm>> -> memref<8192x1024xf32, #tpu.memory_space<hbm>>
    tpu.enqueue_indirect_dma source(%dma_start3A_404 : memref<8192x1024xf32, #tpu.memory_space<hbm>>) target(%dma_start3A_399 : memref<16x1024xf32, #tpu.memory_space<vmem>>) offsets(%dma_start3A_401 : memref<16xi32, #tpu.memory_space<vmem>>) semaphore(%arg13 : memref<!tpu.dma_semaphore, #tpu.memory_space<semaphore_mem>>)
    %dma_wait3A_405 = arith.constant 0 : i32
    %dma_wait3A_406 = arith.constant 0 : i32
    %dma_wait3A_407 = tpu.memref_slice %arg9[%dma_wait3A_405, %dma_wait3A_406] : memref<16x1024xf32, #tpu.memory_space<vmem>> -> memref<16x1024xf32, #tpu.memory_space<vmem>>
    %dma_wait3A_408 = arith.constant 144 : i32
    %dma_wait3A_409 = tpu.memref_slice %arg5[%dma_wait3A_408] : memref<512xi32, #tpu.memory_space<vmem>> -> memref<16xi32, #tpu.memory_space<vmem>>
    %dma_wait3A_410 = arith.constant 0 : i32
    %dma_wait3A_411 = arith.constant 0 : i32
    %dma_wait3A_412 = tpu.memref_slice %arg2[%dma_wait3A_410, %dma_wait3A_411] : memref<8192x1024xf32, #tpu.memory_space<hbm>> -> memref<8192x1024xf32, #tpu.memory_space<hbm>>
    tpu.wait_indirect_dma semaphore(%arg15 : memref<!tpu.dma_semaphore, #tpu.memory_space<semaphore_mem>>) src(%dma_wait3A_412 : memref<8192x1024xf32, #tpu.memory_space<hbm>>) dst(%dma_wait3A_407 : memref<16x1024xf32, #tpu.memory_space<vmem>>)
    %add3A_413 = arith.constant 144 : i32
    %add3A_414 = arith.addi %mul3A_2, %add3A_413 : i32
    %dma_start3A_415 = arith.constant 0 : i32
    %dma_start3A_416 = arith.constant 0 : i32
    %dma_start3A_417 = tpu.memref_slice %arg9[%dma_start3A_415, %dma_start3A_416] : memref<16x1024xf32, #tpu.memory_space<vmem>> -> memref<16x1024xf32, #tpu.memory_space<vmem>>
    %dma_start3A_418 = arith.constant 0 : i32
    %dma_start3A_419 = tpu.memref_slice %arg4[%add3A_414, %dma_start3A_418] : memref<16384x1024xf32, #tpu.memory_space<hbm>> -> memref<16x1024xf32, #tpu.memory_space<hbm>>
    %dma_start3A_420 = arith.constant 0 : i32
    %dma_start3A_421 = tpu.memref_slice %arg4[%add3A_414, %dma_start3A_420] : memref<16384x1024xf32, #tpu.memory_space<hbm>> -> memref<16x1024xf32, #tpu.memory_space<hbm>>
    %dma_start3A_422 = arith.constant 0 : i32
    %dma_start3A_423 = arith.constant 0 : i32
    %dma_start3A_424 = tpu.memref_slice %arg9[%dma_start3A_422, %dma_start3A_423] : memref<16x1024xf32, #tpu.memory_space<vmem>> -> memref<16x1024xf32, #tpu.memory_space<vmem>>
    tpu.enqueue_dma source(%dma_start3A_424 : memref<16x1024xf32, #tpu.memory_space<vmem>>) target(%dma_start3A_421 : memref<16x1024xf32, #tpu.memory_space<hbm>>) target_semaphore(%arg21 : memref<!tpu.dma_semaphore, #tpu.memory_space<semaphore_mem>>)
    %dma_wait3A_425 = arith.constant 0 : i32
    %dma_wait3A_426 = arith.constant 0 : i32
    %dma_wait3A_427 = tpu.memref_slice %arg8[%dma_wait3A_425, %dma_wait3A_426] : memref<16x1024xf32, #tpu.memory_space<vmem>> -> memref<16x1024xf32, #tpu.memory_space<vmem>>
    %dma_wait3A_428 = arith.constant 0 : i32
    %dma_wait3A_429 = tpu.memref_slice %arg4[%add3A_376, %dma_wait3A_428] : memref<16384x1024xf32, #tpu.memory_space<hbm>> -> memref<16x1024xf32, #tpu.memory_space<hbm>>
    %dma_wait3A_430 = arith.constant 0 : i32
    %dma_wait3A_431 = tpu.memref_slice %arg4[%add3A_376, %dma_wait3A_430] : memref<16384x1024xf32, #tpu.memory_space<hbm>> -> memref<16x1024xf32, #tpu.memory_space<hbm>>
    %dma_wait3A_432 = arith.constant 0 : i32
    %dma_wait3A_433 = arith.constant 0 : i32
    %dma_wait3A_434 = tpu.memref_slice %arg8[%dma_wait3A_432, %dma_wait3A_433] : memref<16x1024xf32, #tpu.memory_space<vmem>> -> memref<16x1024xf32, #tpu.memory_space<vmem>>
    tpu.wait_dma2 semaphore(%arg20 : memref<!tpu.dma_semaphore, #tpu.memory_space<semaphore_mem>>) src(%dma_wait3A_434 : memref<16x1024xf32, #tpu.memory_space<vmem>>) dst(%dma_wait3A_431 : memref<16x1024xf32, #tpu.memory_space<hbm>>)
    %dma_start3A_435 = arith.constant 0 : i32
    %dma_start3A_436 = arith.constant 0 : i32
    %dma_start3A_437 = tpu.memref_slice %arg8[%dma_start3A_435, %dma_start3A_436] : memref<16x1024xf32, #tpu.memory_space<vmem>> -> memref<16x1024xf32, #tpu.memory_space<vmem>>
    %dma_start3A_438 = arith.constant 224 : i32
    %dma_start3A_439 = tpu.memref_slice %arg5[%dma_start3A_438] : memref<512xi32, #tpu.memory_space<vmem>> -> memref<16xi32, #tpu.memory_space<vmem>>
    %dma_start3A_440 = arith.constant 0 : i32
    %dma_start3A_441 = arith.constant 0 : i32
    %dma_start3A_442 = tpu.memref_slice %arg2[%dma_start3A_440, %dma_start3A_441] : memref<8192x1024xf32, #tpu.memory_space<hbm>> -> memref<8192x1024xf32, #tpu.memory_space<hbm>>
    tpu.enqueue_indirect_dma source(%dma_start3A_442 : memref<8192x1024xf32, #tpu.memory_space<hbm>>) target(%dma_start3A_437 : memref<16x1024xf32, #tpu.memory_space<vmem>>) offsets(%dma_start3A_439 : memref<16xi32, #tpu.memory_space<vmem>>) semaphore(%arg14 : memref<!tpu.dma_semaphore, #tpu.memory_space<semaphore_mem>>)
    %dma_wait3A_443 = arith.constant 0 : i32
    %dma_wait3A_444 = arith.constant 0 : i32
    %dma_wait3A_445 = tpu.memref_slice %arg10[%dma_wait3A_443, %dma_wait3A_444] : memref<16x1024xf32, #tpu.memory_space<vmem>> -> memref<16x1024xf32, #tpu.memory_space<vmem>>
    %dma_wait3A_446 = arith.constant 160 : i32
    %dma_wait3A_447 = tpu.memref_slice %arg5[%dma_wait3A_446] : memref<512xi32, #tpu.memory_space<vmem>> -> memref<16xi32, #tpu.memory_space<vmem>>
    %dma_wait3A_448 = arith.constant 0 : i32
    %dma_wait3A_449 = arith.constant 0 : i32
    %dma_wait3A_450 = tpu.memref_slice %arg2[%dma_wait3A_448, %dma_wait3A_449] : memref<8192x1024xf32, #tpu.memory_space<hbm>> -> memref<8192x1024xf32, #tpu.memory_space<hbm>>
    tpu.wait_indirect_dma semaphore(%arg16 : memref<!tpu.dma_semaphore, #tpu.memory_space<semaphore_mem>>) src(%dma_wait3A_450 : memref<8192x1024xf32, #tpu.memory_space<hbm>>) dst(%dma_wait3A_445 : memref<16x1024xf32, #tpu.memory_space<vmem>>)
    %add3A_451 = arith.constant 160 : i32
    %add3A_452 = arith.addi %mul3A_2, %add3A_451 : i32
    %dma_start3A_453 = arith.constant 0 : i32
    %dma_start3A_454 = arith.constant 0 : i32
    %dma_start3A_455 = tpu.memref_slice %arg10[%dma_start3A_453, %dma_start3A_454] : memref<16x1024xf32, #tpu.memory_space<vmem>> -> memref<16x1024xf32, #tpu.memory_space<vmem>>
    %dma_start3A_456 = arith.constant 0 : i32
    %dma_start3A_457 = tpu.memref_slice %arg4[%add3A_452, %dma_start3A_456] : memref<16384x1024xf32, #tpu.memory_space<hbm>> -> memref<16x1024xf32, #tpu.memory_space<hbm>>
    %dma_start3A_458 = arith.constant 0 : i32
    %dma_start3A_459 = tpu.memref_slice %arg4[%add3A_452, %dma_start3A_458] : memref<16384x1024xf32, #tpu.memory_space<hbm>> -> memref<16x1024xf32, #tpu.memory_space<hbm>>
    %dma_start3A_460 = arith.constant 0 : i32
    %dma_start3A_461 = arith.constant 0 : i32
    %dma_start3A_462 = tpu.memref_slice %arg10[%dma_start3A_460, %dma_start3A_461] : memref<16x1024xf32, #tpu.memory_space<vmem>> -> memref<16x1024xf32, #tpu.memory_space<vmem>>
    tpu.enqueue_dma source(%dma_start3A_462 : memref<16x1024xf32, #tpu.memory_space<vmem>>) target(%dma_start3A_459 : memref<16x1024xf32, #tpu.memory_space<hbm>>) target_semaphore(%arg22 : memref<!tpu.dma_semaphore, #tpu.memory_space<semaphore_mem>>)
    %dma_wait3A_463 = arith.constant 0 : i32
    %dma_wait3A_464 = arith.constant 0 : i32
    %dma_wait3A_465 = tpu.memref_slice %arg9[%dma_wait3A_463, %dma_wait3A_464] : memref<16x1024xf32, #tpu.memory_space<vmem>> -> memref<16x1024xf32, #tpu.memory_space<vmem>>
    %dma_wait3A_466 = arith.constant 0 : i32
    %dma_wait3A_467 = tpu.memref_slice %arg4[%add3A_414, %dma_wait3A_466] : memref<16384x1024xf32, #tpu.memory_space<hbm>> -> memref<16x1024xf32, #tpu.memory_space<hbm>>
    %dma_wait3A_468 = arith.constant 0 : i32
    %dma_wait3A_469 = tpu.memref_slice %arg4[%add3A_414, %dma_wait3A_468] : memref<16384x1024xf32, #tpu.memory_space<hbm>> -> memref<16x1024xf32, #tpu.memory_space<hbm>>
    %dma_wait3A_470 = arith.constant 0 : i32
    %dma_wait3A_471 = arith.constant 0 : i32
    %dma_wait3A_472 = tpu.memref_slice %arg9[%dma_wait3A_470, %dma_wait3A_471] : memref<16x1024xf32, #tpu.memory_space<vmem>> -> memref<16x1024xf32, #tpu.memory_space<vmem>>
    tpu.wait_dma2 semaphore(%arg21 : memref<!tpu.dma_semaphore, #tpu.memory_space<semaphore_mem>>) src(%dma_wait3A_472 : memref<16x1024xf32, #tpu.memory_space<vmem>>) dst(%dma_wait3A_469 : memref<16x1024xf32, #tpu.memory_space<hbm>>)
    %dma_start3A_473 = arith.constant 0 : i32
    %dma_start3A_474 = arith.constant 0 : i32
    %dma_start3A_475 = tpu.memref_slice %arg9[%dma_start3A_473, %dma_start3A_474] : memref<16x1024xf32, #tpu.memory_space<vmem>> -> memref<16x1024xf32, #tpu.memory_space<vmem>>
    %dma_start3A_476 = arith.constant 240 : i32
    %dma_start3A_477 = tpu.memref_slice %arg5[%dma_start3A_476] : memref<512xi32, #tpu.memory_space<vmem>> -> memref<16xi32, #tpu.memory_space<vmem>>
    %dma_start3A_478 = arith.constant 0 : i32
    %dma_start3A_479 = arith.constant 0 : i32
    %dma_start3A_480 = tpu.memref_slice %arg2[%dma_start3A_478, %dma_start3A_479] : memref<8192x1024xf32, #tpu.memory_space<hbm>> -> memref<8192x1024xf32, #tpu.memory_space<hbm>>
    tpu.enqueue_indirect_dma source(%dma_start3A_480 : memref<8192x1024xf32, #tpu.memory_space<hbm>>) target(%dma_start3A_475 : memref<16x1024xf32, #tpu.memory_space<vmem>>) offsets(%dma_start3A_477 : memref<16xi32, #tpu.memory_space<vmem>>) semaphore(%arg15 : memref<!tpu.dma_semaphore, #tpu.memory_space<semaphore_mem>>)
    %dma_wait3A_481 = arith.constant 0 : i32
    %dma_wait3A_482 = arith.constant 0 : i32
    %dma_wait3A_483 = tpu.memref_slice %arg11[%dma_wait3A_481, %dma_wait3A_482] : memref<16x1024xf32, #tpu.memory_space<vmem>> -> memref<16x1024xf32, #tpu.memory_space<vmem>>
    %dma_wait3A_484 = arith.constant 176 : i32
    %dma_wait3A_485 = tpu.memref_slice %arg5[%dma_wait3A_484] : memref<512xi32, #tpu.memory_space<vmem>> -> memref<16xi32, #tpu.memory_space<vmem>>
    %dma_wait3A_486 = arith.constant 0 : i32
    %dma_wait3A_487 = arith.constant 0 : i32
    %dma_wait3A_488 = tpu.memref_slice %arg2[%dma_wait3A_486, %dma_wait3A_487] : memref<8192x1024xf32, #tpu.memory_space<hbm>> -> memref<8192x1024xf32, #tpu.memory_space<hbm>>
    tpu.wait_indirect_dma semaphore(%arg17 : memref<!tpu.dma_semaphore, #tpu.memory_space<semaphore_mem>>) src(%dma_wait3A_488 : memref<8192x1024xf32, #tpu.memory_space<hbm>>) dst(%dma_wait3A_483 : memref<16x1024xf32, #tpu.memory_space<vmem>>)
    %add3A_489 = arith.constant 176 : i32
    %add3A_490 = arith.addi %mul3A_2, %add3A_489 : i32
    %dma_start3A_491 = arith.constant 0 : i32
    %dma_start3A_492 = arith.constant 0 : i32
    %dma_start3A_493 = tpu.memref_slice %arg11[%dma_start3A_491, %dma_start3A_492] : memref<16x1024xf32, #tpu.memory_space<vmem>> -> memref<16x1024xf32, #tpu.memory_space<vmem>>
    %dma_start3A_494 = arith.constant 0 : i32
    %dma_start3A_495 = tpu.memref_slice %arg4[%add3A_490, %dma_start3A_494] : memref<16384x1024xf32, #tpu.memory_space<hbm>> -> memref<16x1024xf32, #tpu.memory_space<hbm>>
    %dma_start3A_496 = arith.constant 0 : i32
    %dma_start3A_497 = tpu.memref_slice %arg4[%add3A_490, %dma_start3A_496] : memref<16384x1024xf32, #tpu.memory_space<hbm>> -> memref<16x1024xf32, #tpu.memory_space<hbm>>
    %dma_start3A_498 = arith.constant 0 : i32
    %dma_start3A_499 = arith.constant 0 : i32
    %dma_start3A_500 = tpu.memref_slice %arg11[%dma_start3A_498, %dma_start3A_499] : memref<16x1024xf32, #tpu.memory_space<vmem>> -> memref<16x1024xf32, #tpu.memory_space<vmem>>
    tpu.enqueue_dma source(%dma_start3A_500 : memref<16x1024xf32, #tpu.memory_space<vmem>>) target(%dma_start3A_497 : memref<16x1024xf32, #tpu.memory_space<hbm>>) target_semaphore(%arg23 : memref<!tpu.dma_semaphore, #tpu.memory_space<semaphore_mem>>)
    %dma_wait3A_501 = arith.constant 0 : i32
    %dma_wait3A_502 = arith.constant 0 : i32
    %dma_wait3A_503 = tpu.memref_slice %arg10[%dma_wait3A_501, %dma_wait3A_502] : memref<16x1024xf32, #tpu.memory_space<vmem>> -> memref<16x1024xf32, #tpu.memory_space<vmem>>
    %dma_wait3A_504 = arith.constant 0 : i32
    %dma_wait3A_505 = tpu.memref_slice %arg4[%add3A_452, %dma_wait3A_504] : memref<16384x1024xf32, #tpu.memory_space<hbm>> -> memref<16x1024xf32, #tpu.memory_space<hbm>>
    %dma_wait3A_506 = arith.constant 0 : i32
    %dma_wait3A_507 = tpu.memref_slice %arg4[%add3A_452, %dma_wait3A_506] : memref<16384x1024xf32, #tpu.memory_space<hbm>> -> memref<16x1024xf32, #tpu.memory_space<hbm>>
    %dma_wait3A_508 = arith.constant 0 : i32
    %dma_wait3A_509 = arith.constant 0 : i32
    %dma_wait3A_510 = tpu.memref_slice %arg10[%dma_wait3A_508, %dma_wait3A_509] : memref<16x1024xf32, #tpu.memory_space<vmem>> -> memref<16x1024xf32, #tpu.memory_space<vmem>>
    tpu.wait_dma2 semaphore(%arg22 : memref<!tpu.dma_semaphore, #tpu.memory_space<semaphore_mem>>) src(%dma_wait3A_510 : memref<16x1024xf32, #tpu.memory_space<vmem>>) dst(%dma_wait3A_507 : memref<16x1024xf32, #tpu.memory_space<hbm>>)
    %dma_start3A_511 = arith.constant 0 : i32
    %dma_start3A_512 = arith.constant 0 : i32
    %dma_start3A_513 = tpu.memref_slice %arg10[%dma_start3A_511, %dma_start3A_512] : memref<16x1024xf32, #tpu.memory_space<vmem>> -> memref<16x1024xf32, #tpu.memory_space<vmem>>
    %dma_start3A_514 = arith.constant 256 : i32
    %dma_start3A_515 = tpu.memref_slice %arg5[%dma_start3A_514] : memref<512xi32, #tpu.memory_space<vmem>> -> memref<16xi32, #tpu.memory_space<vmem>>
    %dma_start3A_516 = arith.constant 0 : i32
    %dma_start3A_517 = arith.constant 0 : i32
    %dma_start3A_518 = tpu.memref_slice %arg2[%dma_start3A_516, %dma_start3A_517] : memref<8192x1024xf32, #tpu.memory_space<hbm>> -> memref<8192x1024xf32, #tpu.memory_space<hbm>>
    tpu.enqueue_indirect_dma source(%dma_start3A_518 : memref<8192x1024xf32, #tpu.memory_space<hbm>>) target(%dma_start3A_513 : memref<16x1024xf32, #tpu.memory_space<vmem>>) offsets(%dma_start3A_515 : memref<16xi32, #tpu.memory_space<vmem>>) semaphore(%arg16 : memref<!tpu.dma_semaphore, #tpu.memory_space<semaphore_mem>>)
    %dma_wait3A_519 = arith.constant 0 : i32
    %dma_wait3A_520 = arith.constant 0 : i32
    %dma_wait3A_521 = tpu.memref_slice %arg6[%dma_wait3A_519, %dma_wait3A_520] : memref<16x1024xf32, #tpu.memory_space<vmem>> -> memref<16x1024xf32, #tpu.memory_space<vmem>>
    %dma_wait3A_522 = arith.constant 192 : i32
    %dma_wait3A_523 = tpu.memref_slice %arg5[%dma_wait3A_522] : memref<512xi32, #tpu.memory_space<vmem>> -> memref<16xi32, #tpu.memory_space<vmem>>
    %dma_wait3A_524 = arith.constant 0 : i32
    %dma_wait3A_525 = arith.constant 0 : i32
    %dma_wait3A_526 = tpu.memref_slice %arg2[%dma_wait3A_524, %dma_wait3A_525] : memref<8192x1024xf32, #tpu.memory_space<hbm>> -> memref<8192x1024xf32, #tpu.memory_space<hbm>>
    tpu.wait_indirect_dma semaphore(%arg12 : memref<!tpu.dma_semaphore, #tpu.memory_space<semaphore_mem>>) src(%dma_wait3A_526 : memref<8192x1024xf32, #tpu.memory_space<hbm>>) dst(%dma_wait3A_521 : memref<16x1024xf32, #tpu.memory_space<vmem>>)
    %add3A_527 = arith.constant 192 : i32
    %add3A_528 = arith.addi %mul3A_2, %add3A_527 : i32
    %dma_start3A_529 = arith.constant 0 : i32
    %dma_start3A_530 = arith.constant 0 : i32
    %dma_start3A_531 = tpu.memref_slice %arg6[%dma_start3A_529, %dma_start3A_530] : memref<16x1024xf32, #tpu.memory_space<vmem>> -> memref<16x1024xf32, #tpu.memory_space<vmem>>
    %dma_start3A_532 = arith.constant 0 : i32
    %dma_start3A_533 = tpu.memref_slice %arg4[%add3A_528, %dma_start3A_532] : memref<16384x1024xf32, #tpu.memory_space<hbm>> -> memref<16x1024xf32, #tpu.memory_space<hbm>>
    %dma_start3A_534 = arith.constant 0 : i32
    %dma_start3A_535 = tpu.memref_slice %arg4[%add3A_528, %dma_start3A_534] : memref<16384x1024xf32, #tpu.memory_space<hbm>> -> memref<16x1024xf32, #tpu.memory_space<hbm>>
    %dma_start3A_536 = arith.constant 0 : i32
    %dma_start3A_537 = arith.constant 0 : i32
    %dma_start3A_538 = tpu.memref_slice %arg6[%dma_start3A_536, %dma_start3A_537] : memref<16x1024xf32, #tpu.memory_space<vmem>> -> memref<16x1024xf32, #tpu.memory_space<vmem>>
    tpu.enqueue_dma source(%dma_start3A_538 : memref<16x1024xf32, #tpu.memory_space<vmem>>) target(%dma_start3A_535 : memref<16x1024xf32, #tpu.memory_space<hbm>>) target_semaphore(%arg18 : memref<!tpu.dma_semaphore, #tpu.memory_space<semaphore_mem>>)
    %dma_wait3A_539 = arith.constant 0 : i32
    %dma_wait3A_540 = arith.constant 0 : i32
    %dma_wait3A_541 = tpu.memref_slice %arg11[%dma_wait3A_539, %dma_wait3A_540] : memref<16x1024xf32, #tpu.memory_space<vmem>> -> memref<16x1024xf32, #tpu.memory_space<vmem>>
    %dma_wait3A_542 = arith.constant 0 : i32
    %dma_wait3A_543 = tpu.memref_slice %arg4[%add3A_490, %dma_wait3A_542] : memref<16384x1024xf32, #tpu.memory_space<hbm>> -> memref<16x1024xf32, #tpu.memory_space<hbm>>
    %dma_wait3A_544 = arith.constant 0 : i32
    %dma_wait3A_545 = tpu.memref_slice %arg4[%add3A_490, %dma_wait3A_544] : memref<16384x1024xf32, #tpu.memory_space<hbm>> -> memref<16x1024xf32, #tpu.memory_space<hbm>>
    %dma_wait3A_546 = arith.constant 0 : i32
    %dma_wait3A_547 = arith.constant 0 : i32
    %dma_wait3A_548 = tpu.memref_slice %arg11[%dma_wait3A_546, %dma_wait3A_547] : memref<16x1024xf32, #tpu.memory_space<vmem>> -> memref<16x1024xf32, #tpu.memory_space<vmem>>
    tpu.wait_dma2 semaphore(%arg23 : memref<!tpu.dma_semaphore, #tpu.memory_space<semaphore_mem>>) src(%dma_wait3A_548 : memref<16x1024xf32, #tpu.memory_space<vmem>>) dst(%dma_wait3A_545 : memref<16x1024xf32, #tpu.memory_space<hbm>>)
    %dma_start3A_549 = arith.constant 0 : i32
    %dma_start3A_550 = arith.constant 0 : i32
    %dma_start3A_551 = tpu.memref_slice %arg11[%dma_start3A_549, %dma_start3A_550] : memref<16x1024xf32, #tpu.memory_space<vmem>> -> memref<16x1024xf32, #tpu.memory_space<vmem>>
    %dma_start3A_552 = arith.constant 272 : i32
    %dma_start3A_553 = tpu.memref_slice %arg5[%dma_start3A_552] : memref<512xi32, #tpu.memory_space<vmem>> -> memref<16xi32, #tpu.memory_space<vmem>>
    %dma_start3A_554 = arith.constant 0 : i32
    %dma_start3A_555 = arith.constant 0 : i32
    %dma_start3A_556 = tpu.memref_slice %arg2[%dma_start3A_554, %dma_start3A_555] : memref<8192x1024xf32, #tpu.memory_space<hbm>> -> memref<8192x1024xf32, #tpu.memory_space<hbm>>
    tpu.enqueue_indirect_dma source(%dma_start3A_556 : memref<8192x1024xf32, #tpu.memory_space<hbm>>) target(%dma_start3A_551 : memref<16x1024xf32, #tpu.memory_space<vmem>>) offsets(%dma_start3A_553 : memref<16xi32, #tpu.memory_space<vmem>>) semaphore(%arg17 : memref<!tpu.dma_semaphore, #tpu.memory_space<semaphore_mem>>)
    %dma_wait3A_557 = arith.constant 0 : i32
    %dma_wait3A_558 = arith.constant 0 : i32
    %dma_wait3A_559 = tpu.memref_slice %arg7[%dma_wait3A_557, %dma_wait3A_558] : memref<16x1024xf32, #tpu.memory_space<vmem>> -> memref<16x1024xf32, #tpu.memory_space<vmem>>
    %dma_wait3A_560 = arith.constant 208 : i32
    %dma_wait3A_561 = tpu.memref_slice %arg5[%dma_wait3A_560] : memref<512xi32, #tpu.memory_space<vmem>> -> memref<16xi32, #tpu.memory_space<vmem>>
    %dma_wait3A_562 = arith.constant 0 : i32
    %dma_wait3A_563 = arith.constant 0 : i32
    %dma_wait3A_564 = tpu.memref_slice %arg2[%dma_wait3A_562, %dma_wait3A_563] : memref<8192x1024xf32, #tpu.memory_space<hbm>> -> memref<8192x1024xf32, #tpu.memory_space<hbm>>
    tpu.wait_indirect_dma semaphore(%arg13 : memref<!tpu.dma_semaphore, #tpu.memory_space<semaphore_mem>>) src(%dma_wait3A_564 : memref<8192x1024xf32, #tpu.memory_space<hbm>>) dst(%dma_wait3A_559 : memref<16x1024xf32, #tpu.memory_space<vmem>>)
    %add3A_565 = arith.constant 208 : i32
    %add3A_566 = arith.addi %mul3A_2, %add3A_565 : i32
    %dma_start3A_567 = arith.constant 0 : i32
    %dma_start3A_568 = arith.constant 0 : i32
    %dma_start3A_569 = tpu.memref_slice %arg7[%dma_start3A_567, %dma_start3A_568] : memref<16x1024xf32, #tpu.memory_space<vmem>> -> memref<16x1024xf32, #tpu.memory_space<vmem>>
    %dma_start3A_570 = arith.constant 0 : i32
    %dma_start3A_571 = tpu.memref_slice %arg4[%add3A_566, %dma_start3A_570] : memref<16384x1024xf32, #tpu.memory_space<hbm>> -> memref<16x1024xf32, #tpu.memory_space<hbm>>
    %dma_start3A_572 = arith.constant 0 : i32
    %dma_start3A_573 = tpu.memref_slice %arg4[%add3A_566, %dma_start3A_572] : memref<16384x1024xf32, #tpu.memory_space<hbm>> -> memref<16x1024xf32, #tpu.memory_space<hbm>>
    %dma_start3A_574 = arith.constant 0 : i32
    %dma_start3A_575 = arith.constant 0 : i32
    %dma_start3A_576 = tpu.memref_slice %arg7[%dma_start3A_574, %dma_start3A_575] : memref<16x1024xf32, #tpu.memory_space<vmem>> -> memref<16x1024xf32, #tpu.memory_space<vmem>>
    tpu.enqueue_dma source(%dma_start3A_576 : memref<16x1024xf32, #tpu.memory_space<vmem>>) target(%dma_start3A_573 : memref<16x1024xf32, #tpu.memory_space<hbm>>) target_semaphore(%arg19 : memref<!tpu.dma_semaphore, #tpu.memory_space<semaphore_mem>>)
    %dma_wait3A_577 = arith.constant 0 : i32
    %dma_wait3A_578 = arith.constant 0 : i32
    %dma_wait3A_579 = tpu.memref_slice %arg6[%dma_wait3A_577, %dma_wait3A_578] : memref<16x1024xf32, #tpu.memory_space<vmem>> -> memref<16x1024xf32, #tpu.memory_space<vmem>>
    %dma_wait3A_580 = arith.constant 0 : i32
    %dma_wait3A_581 = tpu.memref_slice %arg4[%add3A_528, %dma_wait3A_580] : memref<16384x1024xf32, #tpu.memory_space<hbm>> -> memref<16x1024xf32, #tpu.memory_space<hbm>>
    %dma_wait3A_582 = arith.constant 0 : i32
    %dma_wait3A_583 = tpu.memref_slice %arg4[%add3A_528, %dma_wait3A_582] : memref<16384x1024xf32, #tpu.memory_space<hbm>> -> memref<16x1024xf32, #tpu.memory_space<hbm>>
    %dma_wait3A_584 = arith.constant 0 : i32
    %dma_wait3A_585 = arith.constant 0 : i32
    %dma_wait3A_586 = tpu.memref_slice %arg6[%dma_wait3A_584, %dma_wait3A_585] : memref<16x1024xf32, #tpu.memory_space<vmem>> -> memref<16x1024xf32, #tpu.memory_space<vmem>>
    tpu.wait_dma2 semaphore(%arg18 : memref<!tpu.dma_semaphore, #tpu.memory_space<semaphore_mem>>) src(%dma_wait3A_586 : memref<16x1024xf32, #tpu.memory_space<vmem>>) dst(%dma_wait3A_583 : memref<16x1024xf32, #tpu.memory_space<hbm>>)
    %dma_start3A_587 = arith.constant 0 : i32
    %dma_start3A_588 = arith.constant 0 : i32
    %dma_start3A_589 = tpu.memref_slice %arg6[%dma_start3A_587, %dma_start3A_588] : memref<16x1024xf32, #tpu.memory_space<vmem>> -> memref<16x1024xf32, #tpu.memory_space<vmem>>
    %dma_start3A_590 = arith.constant 288 : i32
    %dma_start3A_591 = tpu.memref_slice %arg5[%dma_start3A_590] : memref<512xi32, #tpu.memory_space<vmem>> -> memref<16xi32, #tpu.memory_space<vmem>>
    %dma_start3A_592 = arith.constant 0 : i32
    %dma_start3A_593 = arith.constant 0 : i32
    %dma_start3A_594 = tpu.memref_slice %arg2[%dma_start3A_592, %dma_start3A_593] : memref<8192x1024xf32, #tpu.memory_space<hbm>> -> memref<8192x1024xf32, #tpu.memory_space<hbm>>
    tpu.enqueue_indirect_dma source(%dma_start3A_594 : memref<8192x1024xf32, #tpu.memory_space<hbm>>) target(%dma_start3A_589 : memref<16x1024xf32, #tpu.memory_space<vmem>>) offsets(%dma_start3A_591 : memref<16xi32, #tpu.memory_space<vmem>>) semaphore(%arg12 : memref<!tpu.dma_semaphore, #tpu.memory_space<semaphore_mem>>)
    %dma_wait3A_595 = arith.constant 0 : i32
    %dma_wait3A_596 = arith.constant 0 : i32
    %dma_wait3A_597 = tpu.memref_slice %arg8[%dma_wait3A_595, %dma_wait3A_596] : memref<16x1024xf32, #tpu.memory_space<vmem>> -> memref<16x1024xf32, #tpu.memory_space<vmem>>
    %dma_wait3A_598 = arith.constant 224 : i32
    %dma_wait3A_599 = tpu.memref_slice %arg5[%dma_wait3A_598] : memref<512xi32, #tpu.memory_space<vmem>> -> memref<16xi32, #tpu.memory_space<vmem>>
    %dma_wait3A_600 = arith.constant 0 : i32
    %dma_wait3A_601 = arith.constant 0 : i32
    %dma_wait3A_602 = tpu.memref_slice %arg2[%dma_wait3A_600, %dma_wait3A_601] : memref<8192x1024xf32, #tpu.memory_space<hbm>> -> memref<8192x1024xf32, #tpu.memory_space<hbm>>
    tpu.wait_indirect_dma semaphore(%arg14 : memref<!tpu.dma_semaphore, #tpu.memory_space<semaphore_mem>>) src(%dma_wait3A_602 : memref<8192x1024xf32, #tpu.memory_space<hbm>>) dst(%dma_wait3A_597 : memref<16x1024xf32, #tpu.memory_space<vmem>>)
    %add3A_603 = arith.constant 224 : i32
    %add3A_604 = arith.addi %mul3A_2, %add3A_603 : i32
    %dma_start3A_605 = arith.constant 0 : i32
    %dma_start3A_606 = arith.constant 0 : i32
    %dma_start3A_607 = tpu.memref_slice %arg8[%dma_start3A_605, %dma_start3A_606] : memref<16x1024xf32, #tpu.memory_space<vmem>> -> memref<16x1024xf32, #tpu.memory_space<vmem>>
    %dma_start3A_608 = arith.constant 0 : i32
    %dma_start3A_609 = tpu.memref_slice %arg4[%add3A_604, %dma_start3A_608] : memref<16384x1024xf32, #tpu.memory_space<hbm>> -> memref<16x1024xf32, #tpu.memory_space<hbm>>
    %dma_start3A_610 = arith.constant 0 : i32
    %dma_start3A_611 = tpu.memref_slice %arg4[%add3A_604, %dma_start3A_610] : memref<16384x1024xf32, #tpu.memory_space<hbm>> -> memref<16x1024xf32, #tpu.memory_space<hbm>>
    %dma_start3A_612 = arith.constant 0 : i32
    %dma_start3A_613 = arith.constant 0 : i32
    %dma_start3A_614 = tpu.memref_slice %arg8[%dma_start3A_612, %dma_start3A_613] : memref<16x1024xf32, #tpu.memory_space<vmem>> -> memref<16x1024xf32, #tpu.memory_space<vmem>>
    tpu.enqueue_dma source(%dma_start3A_614 : memref<16x1024xf32, #tpu.memory_space<vmem>>) target(%dma_start3A_611 : memref<16x1024xf32, #tpu.memory_space<hbm>>) target_semaphore(%arg20 : memref<!tpu.dma_semaphore, #tpu.memory_space<semaphore_mem>>)
    %dma_wait3A_615 = arith.constant 0 : i32
    %dma_wait3A_616 = arith.constant 0 : i32
    %dma_wait3A_617 = tpu.memref_slice %arg7[%dma_wait3A_615, %dma_wait3A_616] : memref<16x1024xf32, #tpu.memory_space<vmem>> -> memref<16x1024xf32, #tpu.memory_space<vmem>>
    %dma_wait3A_618 = arith.constant 0 : i32
    %dma_wait3A_619 = tpu.memref_slice %arg4[%add3A_566, %dma_wait3A_618] : memref<16384x1024xf32, #tpu.memory_space<hbm>> -> memref<16x1024xf32, #tpu.memory_space<hbm>>
    %dma_wait3A_620 = arith.constant 0 : i32
    %dma_wait3A_621 = tpu.memref_slice %arg4[%add3A_566, %dma_wait3A_620] : memref<16384x1024xf32, #tpu.memory_space<hbm>> -> memref<16x1024xf32, #tpu.memory_space<hbm>>
    %dma_wait3A_622 = arith.constant 0 : i32
    %dma_wait3A_623 = arith.constant 0 : i32
    %dma_wait3A_624 = tpu.memref_slice %arg7[%dma_wait3A_622, %dma_wait3A_623] : memref<16x1024xf32, #tpu.memory_space<vmem>> -> memref<16x1024xf32, #tpu.memory_space<vmem>>
    tpu.wait_dma2 semaphore(%arg19 : memref<!tpu.dma_semaphore, #tpu.memory_space<semaphore_mem>>) src(%dma_wait3A_624 : memref<16x1024xf32, #tpu.memory_space<vmem>>) dst(%dma_wait3A_621 : memref<16x1024xf32, #tpu.memory_space<hbm>>)
    %dma_start3A_625 = arith.constant 0 : i32
    %dma_start3A_626 = arith.constant 0 : i32
    %dma_start3A_627 = tpu.memref_slice %arg7[%dma_start3A_625, %dma_start3A_626] : memref<16x1024xf32, #tpu.memory_space<vmem>> -> memref<16x1024xf32, #tpu.memory_space<vmem>>
    %dma_start3A_628 = arith.constant 304 : i32
    %dma_start3A_629 = tpu.memref_slice %arg5[%dma_start3A_628] : memref<512xi32, #tpu.memory_space<vmem>> -> memref<16xi32, #tpu.memory_space<vmem>>
    %dma_start3A_630 = arith.constant 0 : i32
    %dma_start3A_631 = arith.constant 0 : i32
    %dma_start3A_632 = tpu.memref_slice %arg2[%dma_start3A_630, %dma_start3A_631] : memref<8192x1024xf32, #tpu.memory_space<hbm>> -> memref<8192x1024xf32, #tpu.memory_space<hbm>>
    tpu.enqueue_indirect_dma source(%dma_start3A_632 : memref<8192x1024xf32, #tpu.memory_space<hbm>>) target(%dma_start3A_627 : memref<16x1024xf32, #tpu.memory_space<vmem>>) offsets(%dma_start3A_629 : memref<16xi32, #tpu.memory_space<vmem>>) semaphore(%arg13 : memref<!tpu.dma_semaphore, #tpu.memory_space<semaphore_mem>>)
    %dma_wait3A_633 = arith.constant 0 : i32
    %dma_wait3A_634 = arith.constant 0 : i32
    %dma_wait3A_635 = tpu.memref_slice %arg9[%dma_wait3A_633, %dma_wait3A_634] : memref<16x1024xf32, #tpu.memory_space<vmem>> -> memref<16x1024xf32, #tpu.memory_space<vmem>>
    %dma_wait3A_636 = arith.constant 240 : i32
    %dma_wait3A_637 = tpu.memref_slice %arg5[%dma_wait3A_636] : memref<512xi32, #tpu.memory_space<vmem>> -> memref<16xi32, #tpu.memory_space<vmem>>
    %dma_wait3A_638 = arith.constant 0 : i32
    %dma_wait3A_639 = arith.constant 0 : i32
    %dma_wait3A_640 = tpu.memref_slice %arg2[%dma_wait3A_638, %dma_wait3A_639] : memref<8192x1024xf32, #tpu.memory_space<hbm>> -> memref<8192x1024xf32, #tpu.memory_space<hbm>>
    tpu.wait_indirect_dma semaphore(%arg15 : memref<!tpu.dma_semaphore, #tpu.memory_space<semaphore_mem>>) src(%dma_wait3A_640 : memref<8192x1024xf32, #tpu.memory_space<hbm>>) dst(%dma_wait3A_635 : memref<16x1024xf32, #tpu.memory_space<vmem>>)
    %add3A_641 = arith.constant 240 : i32
    %add3A_642 = arith.addi %mul3A_2, %add3A_641 : i32
    %dma_start3A_643 = arith.constant 0 : i32
    %dma_start3A_644 = arith.constant 0 : i32
    %dma_start3A_645 = tpu.memref_slice %arg9[%dma_start3A_643, %dma_start3A_644] : memref<16x1024xf32, #tpu.memory_space<vmem>> -> memref<16x1024xf32, #tpu.memory_space<vmem>>
    %dma_start3A_646 = arith.constant 0 : i32
    %dma_start3A_647 = tpu.memref_slice %arg4[%add3A_642, %dma_start3A_646] : memref<16384x1024xf32, #tpu.memory_space<hbm>> -> memref<16x1024xf32, #tpu.memory_space<hbm>>
    %dma_start3A_648 = arith.constant 0 : i32
    %dma_start3A_649 = tpu.memref_slice %arg4[%add3A_642, %dma_start3A_648] : memref<16384x1024xf32, #tpu.memory_space<hbm>> -> memref<16x1024xf32, #tpu.memory_space<hbm>>
    %dma_start3A_650 = arith.constant 0 : i32
    %dma_start3A_651 = arith.constant 0 : i32
    %dma_start3A_652 = tpu.memref_slice %arg9[%dma_start3A_650, %dma_start3A_651] : memref<16x1024xf32, #tpu.memory_space<vmem>> -> memref<16x1024xf32, #tpu.memory_space<vmem>>
    tpu.enqueue_dma source(%dma_start3A_652 : memref<16x1024xf32, #tpu.memory_space<vmem>>) target(%dma_start3A_649 : memref<16x1024xf32, #tpu.memory_space<hbm>>) target_semaphore(%arg21 : memref<!tpu.dma_semaphore, #tpu.memory_space<semaphore_mem>>)
    %dma_wait3A_653 = arith.constant 0 : i32
    %dma_wait3A_654 = arith.constant 0 : i32
    %dma_wait3A_655 = tpu.memref_slice %arg8[%dma_wait3A_653, %dma_wait3A_654] : memref<16x1024xf32, #tpu.memory_space<vmem>> -> memref<16x1024xf32, #tpu.memory_space<vmem>>
    %dma_wait3A_656 = arith.constant 0 : i32
    %dma_wait3A_657 = tpu.memref_slice %arg4[%add3A_604, %dma_wait3A_656] : memref<16384x1024xf32, #tpu.memory_space<hbm>> -> memref<16x1024xf32, #tpu.memory_space<hbm>>
    %dma_wait3A_658 = arith.constant 0 : i32
    %dma_wait3A_659 = tpu.memref_slice %arg4[%add3A_604, %dma_wait3A_658] : memref<16384x1024xf32, #tpu.memory_space<hbm>> -> memref<16x1024xf32, #tpu.memory_space<hbm>>
    %dma_wait3A_660 = arith.constant 0 : i32
    %dma_wait3A_661 = arith.constant 0 : i32
    %dma_wait3A_662 = tpu.memref_slice %arg8[%dma_wait3A_660, %dma_wait3A_661] : memref<16x1024xf32, #tpu.memory_space<vmem>> -> memref<16x1024xf32, #tpu.memory_space<vmem>>
    tpu.wait_dma2 semaphore(%arg20 : memref<!tpu.dma_semaphore, #tpu.memory_space<semaphore_mem>>) src(%dma_wait3A_662 : memref<16x1024xf32, #tpu.memory_space<vmem>>) dst(%dma_wait3A_659 : memref<16x1024xf32, #tpu.memory_space<hbm>>)
    %dma_start3A_663 = arith.constant 0 : i32
    %dma_start3A_664 = arith.constant 0 : i32
    %dma_start3A_665 = tpu.memref_slice %arg8[%dma_start3A_663, %dma_start3A_664] : memref<16x1024xf32, #tpu.memory_space<vmem>> -> memref<16x1024xf32, #tpu.memory_space<vmem>>
    %dma_start3A_666 = arith.constant 320 : i32
    %dma_start3A_667 = tpu.memref_slice %arg5[%dma_start3A_666] : memref<512xi32, #tpu.memory_space<vmem>> -> memref<16xi32, #tpu.memory_space<vmem>>
    %dma_start3A_668 = arith.constant 0 : i32
    %dma_start3A_669 = arith.constant 0 : i32
    %dma_start3A_670 = tpu.memref_slice %arg2[%dma_start3A_668, %dma_start3A_669] : memref<8192x1024xf32, #tpu.memory_space<hbm>> -> memref<8192x1024xf32, #tpu.memory_space<hbm>>
    tpu.enqueue_indirect_dma source(%dma_start3A_670 : memref<8192x1024xf32, #tpu.memory_space<hbm>>) target(%dma_start3A_665 : memref<16x1024xf32, #tpu.memory_space<vmem>>) offsets(%dma_start3A_667 : memref<16xi32, #tpu.memory_space<vmem>>) semaphore(%arg14 : memref<!tpu.dma_semaphore, #tpu.memory_space<semaphore_mem>>)
    %dma_wait3A_671 = arith.constant 0 : i32
    %dma_wait3A_672 = arith.constant 0 : i32
    %dma_wait3A_673 = tpu.memref_slice %arg10[%dma_wait3A_671, %dma_wait3A_672] : memref<16x1024xf32, #tpu.memory_space<vmem>> -> memref<16x1024xf32, #tpu.memory_space<vmem>>
    %dma_wait3A_674 = arith.constant 256 : i32
    %dma_wait3A_675 = tpu.memref_slice %arg5[%dma_wait3A_674] : memref<512xi32, #tpu.memory_space<vmem>> -> memref<16xi32, #tpu.memory_space<vmem>>
    %dma_wait3A_676 = arith.constant 0 : i32
    %dma_wait3A_677 = arith.constant 0 : i32
    %dma_wait3A_678 = tpu.memref_slice %arg2[%dma_wait3A_676, %dma_wait3A_677] : memref<8192x1024xf32, #tpu.memory_space<hbm>> -> memref<8192x1024xf32, #tpu.memory_space<hbm>>
    tpu.wait_indirect_dma semaphore(%arg16 : memref<!tpu.dma_semaphore, #tpu.memory_space<semaphore_mem>>) src(%dma_wait3A_678 : memref<8192x1024xf32, #tpu.memory_space<hbm>>) dst(%dma_wait3A_673 : memref<16x1024xf32, #tpu.memory_space<vmem>>)
    %add3A_679 = arith.constant 256 : i32
    %add3A_680 = arith.addi %mul3A_2, %add3A_679 : i32
    %dma_start3A_681 = arith.constant 0 : i32
    %dma_start3A_682 = arith.constant 0 : i32
    %dma_start3A_683 = tpu.memref_slice %arg10[%dma_start3A_681, %dma_start3A_682] : memref<16x1024xf32, #tpu.memory_space<vmem>> -> memref<16x1024xf32, #tpu.memory_space<vmem>>
    %dma_start3A_684 = arith.constant 0 : i32
    %dma_start3A_685 = tpu.memref_slice %arg4[%add3A_680, %dma_start3A_684] : memref<16384x1024xf32, #tpu.memory_space<hbm>> -> memref<16x1024xf32, #tpu.memory_space<hbm>>
    %dma_start3A_686 = arith.constant 0 : i32
    %dma_start3A_687 = tpu.memref_slice %arg4[%add3A_680, %dma_start3A_686] : memref<16384x1024xf32, #tpu.memory_space<hbm>> -> memref<16x1024xf32, #tpu.memory_space<hbm>>
    %dma_start3A_688 = arith.constant 0 : i32
    %dma_start3A_689 = arith.constant 0 : i32
    %dma_start3A_690 = tpu.memref_slice %arg10[%dma_start3A_688, %dma_start3A_689] : memref<16x1024xf32, #tpu.memory_space<vmem>> -> memref<16x1024xf32, #tpu.memory_space<vmem>>
    tpu.enqueue_dma source(%dma_start3A_690 : memref<16x1024xf32, #tpu.memory_space<vmem>>) target(%dma_start3A_687 : memref<16x1024xf32, #tpu.memory_space<hbm>>) target_semaphore(%arg22 : memref<!tpu.dma_semaphore, #tpu.memory_space<semaphore_mem>>)
    %dma_wait3A_691 = arith.constant 0 : i32
    %dma_wait3A_692 = arith.constant 0 : i32
    %dma_wait3A_693 = tpu.memref_slice %arg9[%dma_wait3A_691, %dma_wait3A_692] : memref<16x1024xf32, #tpu.memory_space<vmem>> -> memref<16x1024xf32, #tpu.memory_space<vmem>>
    %dma_wait3A_694 = arith.constant 0 : i32
    %dma_wait3A_695 = tpu.memref_slice %arg4[%add3A_642, %dma_wait3A_694] : memref<16384x1024xf32, #tpu.memory_space<hbm>> -> memref<16x1024xf32, #tpu.memory_space<hbm>>
    %dma_wait3A_696 = arith.constant 0 : i32
    %dma_wait3A_697 = tpu.memref_slice %arg4[%add3A_642, %dma_wait3A_696] : memref<16384x1024xf32, #tpu.memory_space<hbm>> -> memref<16x1024xf32, #tpu.memory_space<hbm>>
    %dma_wait3A_698 = arith.constant 0 : i32
    %dma_wait3A_699 = arith.constant 0 : i32
    %dma_wait3A_700 = tpu.memref_slice %arg9[%dma_wait3A_698, %dma_wait3A_699] : memref<16x1024xf32, #tpu.memory_space<vmem>> -> memref<16x1024xf32, #tpu.memory_space<vmem>>
    tpu.wait_dma2 semaphore(%arg21 : memref<!tpu.dma_semaphore, #tpu.memory_space<semaphore_mem>>) src(%dma_wait3A_700 : memref<16x1024xf32, #tpu.memory_space<vmem>>) dst(%dma_wait3A_697 : memref<16x1024xf32, #tpu.memory_space<hbm>>)
    %dma_start3A_701 = arith.constant 0 : i32
    %dma_start3A_702 = arith.constant 0 : i32
    %dma_start3A_703 = tpu.memref_slice %arg9[%dma_start3A_701, %dma_start3A_702] : memref<16x1024xf32, #tpu.memory_space<vmem>> -> memref<16x1024xf32, #tpu.memory_space<vmem>>
    %dma_start3A_704 = arith.constant 336 : i32
    %dma_start3A_705 = tpu.memref_slice %arg5[%dma_start3A_704] : memref<512xi32, #tpu.memory_space<vmem>> -> memref<16xi32, #tpu.memory_space<vmem>>
    %dma_start3A_706 = arith.constant 0 : i32
    %dma_start3A_707 = arith.constant 0 : i32
    %dma_start3A_708 = tpu.memref_slice %arg2[%dma_start3A_706, %dma_start3A_707] : memref<8192x1024xf32, #tpu.memory_space<hbm>> -> memref<8192x1024xf32, #tpu.memory_space<hbm>>
    tpu.enqueue_indirect_dma source(%dma_start3A_708 : memref<8192x1024xf32, #tpu.memory_space<hbm>>) target(%dma_start3A_703 : memref<16x1024xf32, #tpu.memory_space<vmem>>) offsets(%dma_start3A_705 : memref<16xi32, #tpu.memory_space<vmem>>) semaphore(%arg15 : memref<!tpu.dma_semaphore, #tpu.memory_space<semaphore_mem>>)
    %dma_wait3A_709 = arith.constant 0 : i32
    %dma_wait3A_710 = arith.constant 0 : i32
    %dma_wait3A_711 = tpu.memref_slice %arg11[%dma_wait3A_709, %dma_wait3A_710] : memref<16x1024xf32, #tpu.memory_space<vmem>> -> memref<16x1024xf32, #tpu.memory_space<vmem>>
    %dma_wait3A_712 = arith.constant 272 : i32
    %dma_wait3A_713 = tpu.memref_slice %arg5[%dma_wait3A_712] : memref<512xi32, #tpu.memory_space<vmem>> -> memref<16xi32, #tpu.memory_space<vmem>>
    %dma_wait3A_714 = arith.constant 0 : i32
    %dma_wait3A_715 = arith.constant 0 : i32
    %dma_wait3A_716 = tpu.memref_slice %arg2[%dma_wait3A_714, %dma_wait3A_715] : memref<8192x1024xf32, #tpu.memory_space<hbm>> -> memref<8192x1024xf32, #tpu.memory_space<hbm>>
    tpu.wait_indirect_dma semaphore(%arg17 : memref<!tpu.dma_semaphore, #tpu.memory_space<semaphore_mem>>) src(%dma_wait3A_716 : memref<8192x1024xf32, #tpu.memory_space<hbm>>) dst(%dma_wait3A_711 : memref<16x1024xf32, #tpu.memory_space<vmem>>)
    %add3A_717 = arith.constant 272 : i32
    %add3A_718 = arith.addi %mul3A_2, %add3A_717 : i32
    %dma_start3A_719 = arith.constant 0 : i32
    %dma_start3A_720 = arith.constant 0 : i32
    %dma_start3A_721 = tpu.memref_slice %arg11[%dma_start3A_719, %dma_start3A_720] : memref<16x1024xf32, #tpu.memory_space<vmem>> -> memref<16x1024xf32, #tpu.memory_space<vmem>>
    %dma_start3A_722 = arith.constant 0 : i32
    %dma_start3A_723 = tpu.memref_slice %arg4[%add3A_718, %dma_start3A_722] : memref<16384x1024xf32, #tpu.memory_space<hbm>> -> memref<16x1024xf32, #tpu.memory_space<hbm>>
    %dma_start3A_724 = arith.constant 0 : i32
    %dma_start3A_725 = tpu.memref_slice %arg4[%add3A_718, %dma_start3A_724] : memref<16384x1024xf32, #tpu.memory_space<hbm>> -> memref<16x1024xf32, #tpu.memory_space<hbm>>
    %dma_start3A_726 = arith.constant 0 : i32
    %dma_start3A_727 = arith.constant 0 : i32
    %dma_start3A_728 = tpu.memref_slice %arg11[%dma_start3A_726, %dma_start3A_727] : memref<16x1024xf32, #tpu.memory_space<vmem>> -> memref<16x1024xf32, #tpu.memory_space<vmem>>
    tpu.enqueue_dma source(%dma_start3A_728 : memref<16x1024xf32, #tpu.memory_space<vmem>>) target(%dma_start3A_725 : memref<16x1024xf32, #tpu.memory_space<hbm>>) target_semaphore(%arg23 : memref<!tpu.dma_semaphore, #tpu.memory_space<semaphore_mem>>)
    %dma_wait3A_729 = arith.constant 0 : i32
    %dma_wait3A_730 = arith.constant 0 : i32
    %dma_wait3A_731 = tpu.memref_slice %arg10[%dma_wait3A_729, %dma_wait3A_730] : memref<16x1024xf32, #tpu.memory_space<vmem>> -> memref<16x1024xf32, #tpu.memory_space<vmem>>
    %dma_wait3A_732 = arith.constant 0 : i32
    %dma_wait3A_733 = tpu.memref_slice %arg4[%add3A_680, %dma_wait3A_732] : memref<16384x1024xf32, #tpu.memory_space<hbm>> -> memref<16x1024xf32, #tpu.memory_space<hbm>>
    %dma_wait3A_734 = arith.constant 0 : i32
    %dma_wait3A_735 = tpu.memref_slice %arg4[%add3A_680, %dma_wait3A_734] : memref<16384x1024xf32, #tpu.memory_space<hbm>> -> memref<16x1024xf32, #tpu.memory_space<hbm>>
    %dma_wait3A_736 = arith.constant 0 : i32
    %dma_wait3A_737 = arith.constant 0 : i32
    %dma_wait3A_738 = tpu.memref_slice %arg10[%dma_wait3A_736, %dma_wait3A_737] : memref<16x1024xf32, #tpu.memory_space<vmem>> -> memref<16x1024xf32, #tpu.memory_space<vmem>>
    tpu.wait_dma2 semaphore(%arg22 : memref<!tpu.dma_semaphore, #tpu.memory_space<semaphore_mem>>) src(%dma_wait3A_738 : memref<16x1024xf32, #tpu.memory_space<vmem>>) dst(%dma_wait3A_735 : memref<16x1024xf32, #tpu.memory_space<hbm>>)
    %dma_start3A_739 = arith.constant 0 : i32
    %dma_start3A_740 = arith.constant 0 : i32
    %dma_start3A_741 = tpu.memref_slice %arg10[%dma_start3A_739, %dma_start3A_740] : memref<16x1024xf32, #tpu.memory_space<vmem>> -> memref<16x1024xf32, #tpu.memory_space<vmem>>
    %dma_start3A_742 = arith.constant 352 : i32
    %dma_start3A_743 = tpu.memref_slice %arg5[%dma_start3A_742] : memref<512xi32, #tpu.memory_space<vmem>> -> memref<16xi32, #tpu.memory_space<vmem>>
    %dma_start3A_744 = arith.constant 0 : i32
    %dma_start3A_745 = arith.constant 0 : i32
    %dma_start3A_746 = tpu.memref_slice %arg2[%dma_start3A_744, %dma_start3A_745] : memref<8192x1024xf32, #tpu.memory_space<hbm>> -> memref<8192x1024xf32, #tpu.memory_space<hbm>>
    tpu.enqueue_indirect_dma source(%dma_start3A_746 : memref<8192x1024xf32, #tpu.memory_space<hbm>>) target(%dma_start3A_741 : memref<16x1024xf32, #tpu.memory_space<vmem>>) offsets(%dma_start3A_743 : memref<16xi32, #tpu.memory_space<vmem>>) semaphore(%arg16 : memref<!tpu.dma_semaphore, #tpu.memory_space<semaphore_mem>>)
    %dma_wait3A_747 = arith.constant 0 : i32
    %dma_wait3A_748 = arith.constant 0 : i32
    %dma_wait3A_749 = tpu.memref_slice %arg6[%dma_wait3A_747, %dma_wait3A_748] : memref<16x1024xf32, #tpu.memory_space<vmem>> -> memref<16x1024xf32, #tpu.memory_space<vmem>>
    %dma_wait3A_750 = arith.constant 288 : i32
    %dma_wait3A_751 = tpu.memref_slice %arg5[%dma_wait3A_750] : memref<512xi32, #tpu.memory_space<vmem>> -> memref<16xi32, #tpu.memory_space<vmem>>
    %dma_wait3A_752 = arith.constant 0 : i32
    %dma_wait3A_753 = arith.constant 0 : i32
    %dma_wait3A_754 = tpu.memref_slice %arg2[%dma_wait3A_752, %dma_wait3A_753] : memref<8192x1024xf32, #tpu.memory_space<hbm>> -> memref<8192x1024xf32, #tpu.memory_space<hbm>>
    tpu.wait_indirect_dma semaphore(%arg12 : memref<!tpu.dma_semaphore, #tpu.memory_space<semaphore_mem>>) src(%dma_wait3A_754 : memref<8192x1024xf32, #tpu.memory_space<hbm>>) dst(%dma_wait3A_749 : memref<16x1024xf32, #tpu.memory_space<vmem>>)
    %add3A_755 = arith.constant 288 : i32
    %add3A_756 = arith.addi %mul3A_2, %add3A_755 : i32
    %dma_start3A_757 = arith.constant 0 : i32
    %dma_start3A_758 = arith.constant 0 : i32
    %dma_start3A_759 = tpu.memref_slice %arg6[%dma_start3A_757, %dma_start3A_758] : memref<16x1024xf32, #tpu.memory_space<vmem>> -> memref<16x1024xf32, #tpu.memory_space<vmem>>
    %dma_start3A_760 = arith.constant 0 : i32
    %dma_start3A_761 = tpu.memref_slice %arg4[%add3A_756, %dma_start3A_760] : memref<16384x1024xf32, #tpu.memory_space<hbm>> -> memref<16x1024xf32, #tpu.memory_space<hbm>>
    %dma_start3A_762 = arith.constant 0 : i32
    %dma_start3A_763 = tpu.memref_slice %arg4[%add3A_756, %dma_start3A_762] : memref<16384x1024xf32, #tpu.memory_space<hbm>> -> memref<16x1024xf32, #tpu.memory_space<hbm>>
    %dma_start3A_764 = arith.constant 0 : i32
    %dma_start3A_765 = arith.constant 0 : i32
    %dma_start3A_766 = tpu.memref_slice %arg6[%dma_start3A_764, %dma_start3A_765] : memref<16x1024xf32, #tpu.memory_space<vmem>> -> memref<16x1024xf32, #tpu.memory_space<vmem>>
    tpu.enqueue_dma source(%dma_start3A_766 : memref<16x1024xf32, #tpu.memory_space<vmem>>) target(%dma_start3A_763 : memref<16x1024xf32, #tpu.memory_space<hbm>>) target_semaphore(%arg18 : memref<!tpu.dma_semaphore, #tpu.memory_space<semaphore_mem>>)
    %dma_wait3A_767 = arith.constant 0 : i32
    %dma_wait3A_768 = arith.constant 0 : i32
    %dma_wait3A_769 = tpu.memref_slice %arg11[%dma_wait3A_767, %dma_wait3A_768] : memref<16x1024xf32, #tpu.memory_space<vmem>> -> memref<16x1024xf32, #tpu.memory_space<vmem>>
    %dma_wait3A_770 = arith.constant 0 : i32
    %dma_wait3A_771 = tpu.memref_slice %arg4[%add3A_718, %dma_wait3A_770] : memref<16384x1024xf32, #tpu.memory_space<hbm>> -> memref<16x1024xf32, #tpu.memory_space<hbm>>
    %dma_wait3A_772 = arith.constant 0 : i32
    %dma_wait3A_773 = tpu.memref_slice %arg4[%add3A_718, %dma_wait3A_772] : memref<16384x1024xf32, #tpu.memory_space<hbm>> -> memref<16x1024xf32, #tpu.memory_space<hbm>>
    %dma_wait3A_774 = arith.constant 0 : i32
    %dma_wait3A_775 = arith.constant 0 : i32
    %dma_wait3A_776 = tpu.memref_slice %arg11[%dma_wait3A_774, %dma_wait3A_775] : memref<16x1024xf32, #tpu.memory_space<vmem>> -> memref<16x1024xf32, #tpu.memory_space<vmem>>
    tpu.wait_dma2 semaphore(%arg23 : memref<!tpu.dma_semaphore, #tpu.memory_space<semaphore_mem>>) src(%dma_wait3A_776 : memref<16x1024xf32, #tpu.memory_space<vmem>>) dst(%dma_wait3A_773 : memref<16x1024xf32, #tpu.memory_space<hbm>>)
    %dma_start3A_777 = arith.constant 0 : i32
    %dma_start3A_778 = arith.constant 0 : i32
    %dma_start3A_779 = tpu.memref_slice %arg11[%dma_start3A_777, %dma_start3A_778] : memref<16x1024xf32, #tpu.memory_space<vmem>> -> memref<16x1024xf32, #tpu.memory_space<vmem>>
    %dma_start3A_780 = arith.constant 368 : i32
    %dma_start3A_781 = tpu.memref_slice %arg5[%dma_start3A_780] : memref<512xi32, #tpu.memory_space<vmem>> -> memref<16xi32, #tpu.memory_space<vmem>>
    %dma_start3A_782 = arith.constant 0 : i32
    %dma_start3A_783 = arith.constant 0 : i32
    %dma_start3A_784 = tpu.memref_slice %arg2[%dma_start3A_782, %dma_start3A_783] : memref<8192x1024xf32, #tpu.memory_space<hbm>> -> memref<8192x1024xf32, #tpu.memory_space<hbm>>
    tpu.enqueue_indirect_dma source(%dma_start3A_784 : memref<8192x1024xf32, #tpu.memory_space<hbm>>) target(%dma_start3A_779 : memref<16x1024xf32, #tpu.memory_space<vmem>>) offsets(%dma_start3A_781 : memref<16xi32, #tpu.memory_space<vmem>>) semaphore(%arg17 : memref<!tpu.dma_semaphore, #tpu.memory_space<semaphore_mem>>)
    %dma_wait3A_785 = arith.constant 0 : i32
    %dma_wait3A_786 = arith.constant 0 : i32
    %dma_wait3A_787 = tpu.memref_slice %arg7[%dma_wait3A_785, %dma_wait3A_786] : memref<16x1024xf32, #tpu.memory_space<vmem>> -> memref<16x1024xf32, #tpu.memory_space<vmem>>
    %dma_wait3A_788 = arith.constant 304 : i32
    %dma_wait3A_789 = tpu.memref_slice %arg5[%dma_wait3A_788] : memref<512xi32, #tpu.memory_space<vmem>> -> memref<16xi32, #tpu.memory_space<vmem>>
    %dma_wait3A_790 = arith.constant 0 : i32
    %dma_wait3A_791 = arith.constant 0 : i32
    %dma_wait3A_792 = tpu.memref_slice %arg2[%dma_wait3A_790, %dma_wait3A_791] : memref<8192x1024xf32, #tpu.memory_space<hbm>> -> memref<8192x1024xf32, #tpu.memory_space<hbm>>
    tpu.wait_indirect_dma semaphore(%arg13 : memref<!tpu.dma_semaphore, #tpu.memory_space<semaphore_mem>>) src(%dma_wait3A_792 : memref<8192x1024xf32, #tpu.memory_space<hbm>>) dst(%dma_wait3A_787 : memref<16x1024xf32, #tpu.memory_space<vmem>>)
    %add3A_793 = arith.constant 304 : i32
    %add3A_794 = arith.addi %mul3A_2, %add3A_793 : i32
    %dma_start3A_795 = arith.constant 0 : i32
    %dma_start3A_796 = arith.constant 0 : i32
    %dma_start3A_797 = tpu.memref_slice %arg7[%dma_start3A_795, %dma_start3A_796] : memref<16x1024xf32, #tpu.memory_space<vmem>> -> memref<16x1024xf32, #tpu.memory_space<vmem>>
    %dma_start3A_798 = arith.constant 0 : i32
    %dma_start3A_799 = tpu.memref_slice %arg4[%add3A_794, %dma_start3A_798] : memref<16384x1024xf32, #tpu.memory_space<hbm>> -> memref<16x1024xf32, #tpu.memory_space<hbm>>
    %dma_start3A_800 = arith.constant 0 : i32
    %dma_start3A_801 = tpu.memref_slice %arg4[%add3A_794, %dma_start3A_800] : memref<16384x1024xf32, #tpu.memory_space<hbm>> -> memref<16x1024xf32, #tpu.memory_space<hbm>>
    %dma_start3A_802 = arith.constant 0 : i32
    %dma_start3A_803 = arith.constant 0 : i32
    %dma_start3A_804 = tpu.memref_slice %arg7[%dma_start3A_802, %dma_start3A_803] : memref<16x1024xf32, #tpu.memory_space<vmem>> -> memref<16x1024xf32, #tpu.memory_space<vmem>>
    tpu.enqueue_dma source(%dma_start3A_804 : memref<16x1024xf32, #tpu.memory_space<vmem>>) target(%dma_start3A_801 : memref<16x1024xf32, #tpu.memory_space<hbm>>) target_semaphore(%arg19 : memref<!tpu.dma_semaphore, #tpu.memory_space<semaphore_mem>>)
    %dma_wait3A_805 = arith.constant 0 : i32
    %dma_wait3A_806 = arith.constant 0 : i32
    %dma_wait3A_807 = tpu.memref_slice %arg6[%dma_wait3A_805, %dma_wait3A_806] : memref<16x1024xf32, #tpu.memory_space<vmem>> -> memref<16x1024xf32, #tpu.memory_space<vmem>>
    %dma_wait3A_808 = arith.constant 0 : i32
    %dma_wait3A_809 = tpu.memref_slice %arg4[%add3A_756, %dma_wait3A_808] : memref<16384x1024xf32, #tpu.memory_space<hbm>> -> memref<16x1024xf32, #tpu.memory_space<hbm>>
    %dma_wait3A_810 = arith.constant 0 : i32
    %dma_wait3A_811 = tpu.memref_slice %arg4[%add3A_756, %dma_wait3A_810] : memref<16384x1024xf32, #tpu.memory_space<hbm>> -> memref<16x1024xf32, #tpu.memory_space<hbm>>
    %dma_wait3A_812 = arith.constant 0 : i32
    %dma_wait3A_813 = arith.constant 0 : i32
    %dma_wait3A_814 = tpu.memref_slice %arg6[%dma_wait3A_812, %dma_wait3A_813] : memref<16x1024xf32, #tpu.memory_space<vmem>> -> memref<16x1024xf32, #tpu.memory_space<vmem>>
    tpu.wait_dma2 semaphore(%arg18 : memref<!tpu.dma_semaphore, #tpu.memory_space<semaphore_mem>>) src(%dma_wait3A_814 : memref<16x1024xf32, #tpu.memory_space<vmem>>) dst(%dma_wait3A_811 : memref<16x1024xf32, #tpu.memory_space<hbm>>)
    %dma_start3A_815 = arith.constant 0 : i32
    %dma_start3A_816 = arith.constant 0 : i32
    %dma_start3A_817 = tpu.memref_slice %arg6[%dma_start3A_815, %dma_start3A_816] : memref<16x1024xf32, #tpu.memory_space<vmem>> -> memref<16x1024xf32, #tpu.memory_space<vmem>>
    %dma_start3A_818 = arith.constant 384 : i32
    %dma_start3A_819 = tpu.memref_slice %arg5[%dma_start3A_818] : memref<512xi32, #tpu.memory_space<vmem>> -> memref<16xi32, #tpu.memory_space<vmem>>
    %dma_start3A_820 = arith.constant 0 : i32
    %dma_start3A_821 = arith.constant 0 : i32
    %dma_start3A_822 = tpu.memref_slice %arg2[%dma_start3A_820, %dma_start3A_821] : memref<8192x1024xf32, #tpu.memory_space<hbm>> -> memref<8192x1024xf32, #tpu.memory_space<hbm>>
    tpu.enqueue_indirect_dma source(%dma_start3A_822 : memref<8192x1024xf32, #tpu.memory_space<hbm>>) target(%dma_start3A_817 : memref<16x1024xf32, #tpu.memory_space<vmem>>) offsets(%dma_start3A_819 : memref<16xi32, #tpu.memory_space<vmem>>) semaphore(%arg12 : memref<!tpu.dma_semaphore, #tpu.memory_space<semaphore_mem>>)
    %dma_wait3A_823 = arith.constant 0 : i32
    %dma_wait3A_824 = arith.constant 0 : i32
    %dma_wait3A_825 = tpu.memref_slice %arg8[%dma_wait3A_823, %dma_wait3A_824] : memref<16x1024xf32, #tpu.memory_space<vmem>> -> memref<16x1024xf32, #tpu.memory_space<vmem>>
    %dma_wait3A_826 = arith.constant 320 : i32
    %dma_wait3A_827 = tpu.memref_slice %arg5[%dma_wait3A_826] : memref<512xi32, #tpu.memory_space<vmem>> -> memref<16xi32, #tpu.memory_space<vmem>>
    %dma_wait3A_828 = arith.constant 0 : i32
    %dma_wait3A_829 = arith.constant 0 : i32
    %dma_wait3A_830 = tpu.memref_slice %arg2[%dma_wait3A_828, %dma_wait3A_829] : memref<8192x1024xf32, #tpu.memory_space<hbm>> -> memref<8192x1024xf32, #tpu.memory_space<hbm>>
    tpu.wait_indirect_dma semaphore(%arg14 : memref<!tpu.dma_semaphore, #tpu.memory_space<semaphore_mem>>) src(%dma_wait3A_830 : memref<8192x1024xf32, #tpu.memory_space<hbm>>) dst(%dma_wait3A_825 : memref<16x1024xf32, #tpu.memory_space<vmem>>)
    %add3A_831 = arith.constant 320 : i32
    %add3A_832 = arith.addi %mul3A_2, %add3A_831 : i32
    %dma_start3A_833 = arith.constant 0 : i32
    %dma_start3A_834 = arith.constant 0 : i32
    %dma_start3A_835 = tpu.memref_slice %arg8[%dma_start3A_833, %dma_start3A_834] : memref<16x1024xf32, #tpu.memory_space<vmem>> -> memref<16x1024xf32, #tpu.memory_space<vmem>>
    %dma_start3A_836 = arith.constant 0 : i32
    %dma_start3A_837 = tpu.memref_slice %arg4[%add3A_832, %dma_start3A_836] : memref<16384x1024xf32, #tpu.memory_space<hbm>> -> memref<16x1024xf32, #tpu.memory_space<hbm>>
    %dma_start3A_838 = arith.constant 0 : i32
    %dma_start3A_839 = tpu.memref_slice %arg4[%add3A_832, %dma_start3A_838] : memref<16384x1024xf32, #tpu.memory_space<hbm>> -> memref<16x1024xf32, #tpu.memory_space<hbm>>
    %dma_start3A_840 = arith.constant 0 : i32
    %dma_start3A_841 = arith.constant 0 : i32
    %dma_start3A_842 = tpu.memref_slice %arg8[%dma_start3A_840, %dma_start3A_841] : memref<16x1024xf32, #tpu.memory_space<vmem>> -> memref<16x1024xf32, #tpu.memory_space<vmem>>
    tpu.enqueue_dma source(%dma_start3A_842 : memref<16x1024xf32, #tpu.memory_space<vmem>>) target(%dma_start3A_839 : memref<16x1024xf32, #tpu.memory_space<hbm>>) target_semaphore(%arg20 : memref<!tpu.dma_semaphore, #tpu.memory_space<semaphore_mem>>)
    %dma_wait3A_843 = arith.constant 0 : i32
    %dma_wait3A_844 = arith.constant 0 : i32
    %dma_wait3A_845 = tpu.memref_slice %arg7[%dma_wait3A_843, %dma_wait3A_844] : memref<16x1024xf32, #tpu.memory_space<vmem>> -> memref<16x1024xf32, #tpu.memory_space<vmem>>
    %dma_wait3A_846 = arith.constant 0 : i32
    %dma_wait3A_847 = tpu.memref_slice %arg4[%add3A_794, %dma_wait3A_846] : memref<16384x1024xf32, #tpu.memory_space<hbm>> -> memref<16x1024xf32, #tpu.memory_space<hbm>>
    %dma_wait3A_848 = arith.constant 0 : i32
    %dma_wait3A_849 = tpu.memref_slice %arg4[%add3A_794, %dma_wait3A_848] : memref<16384x1024xf32, #tpu.memory_space<hbm>> -> memref<16x1024xf32, #tpu.memory_space<hbm>>
    %dma_wait3A_850 = arith.constant 0 : i32
    %dma_wait3A_851 = arith.constant 0 : i32
    %dma_wait3A_852 = tpu.memref_slice %arg7[%dma_wait3A_850, %dma_wait3A_851] : memref<16x1024xf32, #tpu.memory_space<vmem>> -> memref<16x1024xf32, #tpu.memory_space<vmem>>
    tpu.wait_dma2 semaphore(%arg19 : memref<!tpu.dma_semaphore, #tpu.memory_space<semaphore_mem>>) src(%dma_wait3A_852 : memref<16x1024xf32, #tpu.memory_space<vmem>>) dst(%dma_wait3A_849 : memref<16x1024xf32, #tpu.memory_space<hbm>>)
    %dma_start3A_853 = arith.constant 0 : i32
    %dma_start3A_854 = arith.constant 0 : i32
    %dma_start3A_855 = tpu.memref_slice %arg7[%dma_start3A_853, %dma_start3A_854] : memref<16x1024xf32, #tpu.memory_space<vmem>> -> memref<16x1024xf32, #tpu.memory_space<vmem>>
    %dma_start3A_856 = arith.constant 400 : i32
    %dma_start3A_857 = tpu.memref_slice %arg5[%dma_start3A_856] : memref<512xi32, #tpu.memory_space<vmem>> -> memref<16xi32, #tpu.memory_space<vmem>>
    %dma_start3A_858 = arith.constant 0 : i32
    %dma_start3A_859 = arith.constant 0 : i32
    %dma_start3A_860 = tpu.memref_slice %arg2[%dma_start3A_858, %dma_start3A_859] : memref<8192x1024xf32, #tpu.memory_space<hbm>> -> memref<8192x1024xf32, #tpu.memory_space<hbm>>
    tpu.enqueue_indirect_dma source(%dma_start3A_860 : memref<8192x1024xf32, #tpu.memory_space<hbm>>) target(%dma_start3A_855 : memref<16x1024xf32, #tpu.memory_space<vmem>>) offsets(%dma_start3A_857 : memref<16xi32, #tpu.memory_space<vmem>>) semaphore(%arg13 : memref<!tpu.dma_semaphore, #tpu.memory_space<semaphore_mem>>)
    %dma_wait3A_861 = arith.constant 0 : i32
    %dma_wait3A_862 = arith.constant 0 : i32
    %dma_wait3A_863 = tpu.memref_slice %arg9[%dma_wait3A_861, %dma_wait3A_862] : memref<16x1024xf32, #tpu.memory_space<vmem>> -> memref<16x1024xf32, #tpu.memory_space<vmem>>
    %dma_wait3A_864 = arith.constant 336 : i32
    %dma_wait3A_865 = tpu.memref_slice %arg5[%dma_wait3A_864] : memref<512xi32, #tpu.memory_space<vmem>> -> memref<16xi32, #tpu.memory_space<vmem>>
    %dma_wait3A_866 = arith.constant 0 : i32
    %dma_wait3A_867 = arith.constant 0 : i32
    %dma_wait3A_868 = tpu.memref_slice %arg2[%dma_wait3A_866, %dma_wait3A_867] : memref<8192x1024xf32, #tpu.memory_space<hbm>> -> memref<8192x1024xf32, #tpu.memory_space<hbm>>
    tpu.wait_indirect_dma semaphore(%arg15 : memref<!tpu.dma_semaphore, #tpu.memory_space<semaphore_mem>>) src(%dma_wait3A_868 : memref<8192x1024xf32, #tpu.memory_space<hbm>>) dst(%dma_wait3A_863 : memref<16x1024xf32, #tpu.memory_space<vmem>>)
    %add3A_869 = arith.constant 336 : i32
    %add3A_870 = arith.addi %mul3A_2, %add3A_869 : i32
    %dma_start3A_871 = arith.constant 0 : i32
    %dma_start3A_872 = arith.constant 0 : i32
    %dma_start3A_873 = tpu.memref_slice %arg9[%dma_start3A_871, %dma_start3A_872] : memref<16x1024xf32, #tpu.memory_space<vmem>> -> memref<16x1024xf32, #tpu.memory_space<vmem>>
    %dma_start3A_874 = arith.constant 0 : i32
    %dma_start3A_875 = tpu.memref_slice %arg4[%add3A_870, %dma_start3A_874] : memref<16384x1024xf32, #tpu.memory_space<hbm>> -> memref<16x1024xf32, #tpu.memory_space<hbm>>
    %dma_start3A_876 = arith.constant 0 : i32
    %dma_start3A_877 = tpu.memref_slice %arg4[%add3A_870, %dma_start3A_876] : memref<16384x1024xf32, #tpu.memory_space<hbm>> -> memref<16x1024xf32, #tpu.memory_space<hbm>>
    %dma_start3A_878 = arith.constant 0 : i32
    %dma_start3A_879 = arith.constant 0 : i32
    %dma_start3A_880 = tpu.memref_slice %arg9[%dma_start3A_878, %dma_start3A_879] : memref<16x1024xf32, #tpu.memory_space<vmem>> -> memref<16x1024xf32, #tpu.memory_space<vmem>>
    tpu.enqueue_dma source(%dma_start3A_880 : memref<16x1024xf32, #tpu.memory_space<vmem>>) target(%dma_start3A_877 : memref<16x1024xf32, #tpu.memory_space<hbm>>) target_semaphore(%arg21 : memref<!tpu.dma_semaphore, #tpu.memory_space<semaphore_mem>>)
    %dma_wait3A_881 = arith.constant 0 : i32
    %dma_wait3A_882 = arith.constant 0 : i32
    %dma_wait3A_883 = tpu.memref_slice %arg8[%dma_wait3A_881, %dma_wait3A_882] : memref<16x1024xf32, #tpu.memory_space<vmem>> -> memref<16x1024xf32, #tpu.memory_space<vmem>>
    %dma_wait3A_884 = arith.constant 0 : i32
    %dma_wait3A_885 = tpu.memref_slice %arg4[%add3A_832, %dma_wait3A_884] : memref<16384x1024xf32, #tpu.memory_space<hbm>> -> memref<16x1024xf32, #tpu.memory_space<hbm>>
    %dma_wait3A_886 = arith.constant 0 : i32
    %dma_wait3A_887 = tpu.memref_slice %arg4[%add3A_832, %dma_wait3A_886] : memref<16384x1024xf32, #tpu.memory_space<hbm>> -> memref<16x1024xf32, #tpu.memory_space<hbm>>
    %dma_wait3A_888 = arith.constant 0 : i32
    %dma_wait3A_889 = arith.constant 0 : i32
    %dma_wait3A_890 = tpu.memref_slice %arg8[%dma_wait3A_888, %dma_wait3A_889] : memref<16x1024xf32, #tpu.memory_space<vmem>> -> memref<16x1024xf32, #tpu.memory_space<vmem>>
    tpu.wait_dma2 semaphore(%arg20 : memref<!tpu.dma_semaphore, #tpu.memory_space<semaphore_mem>>) src(%dma_wait3A_890 : memref<16x1024xf32, #tpu.memory_space<vmem>>) dst(%dma_wait3A_887 : memref<16x1024xf32, #tpu.memory_space<hbm>>)
    %dma_start3A_891 = arith.constant 0 : i32
    %dma_start3A_892 = arith.constant 0 : i32
    %dma_start3A_893 = tpu.memref_slice %arg8[%dma_start3A_891, %dma_start3A_892] : memref<16x1024xf32, #tpu.memory_space<vmem>> -> memref<16x1024xf32, #tpu.memory_space<vmem>>
    %dma_start3A_894 = arith.constant 416 : i32
    %dma_start3A_895 = tpu.memref_slice %arg5[%dma_start3A_894] : memref<512xi32, #tpu.memory_space<vmem>> -> memref<16xi32, #tpu.memory_space<vmem>>
    %dma_start3A_896 = arith.constant 0 : i32
    %dma_start3A_897 = arith.constant 0 : i32
    %dma_start3A_898 = tpu.memref_slice %arg2[%dma_start3A_896, %dma_start3A_897] : memref<8192x1024xf32, #tpu.memory_space<hbm>> -> memref<8192x1024xf32, #tpu.memory_space<hbm>>
    tpu.enqueue_indirect_dma source(%dma_start3A_898 : memref<8192x1024xf32, #tpu.memory_space<hbm>>) target(%dma_start3A_893 : memref<16x1024xf32, #tpu.memory_space<vmem>>) offsets(%dma_start3A_895 : memref<16xi32, #tpu.memory_space<vmem>>) semaphore(%arg14 : memref<!tpu.dma_semaphore, #tpu.memory_space<semaphore_mem>>)
    %dma_wait3A_899 = arith.constant 0 : i32
    %dma_wait3A_900 = arith.constant 0 : i32
    %dma_wait3A_901 = tpu.memref_slice %arg10[%dma_wait3A_899, %dma_wait3A_900] : memref<16x1024xf32, #tpu.memory_space<vmem>> -> memref<16x1024xf32, #tpu.memory_space<vmem>>
    %dma_wait3A_902 = arith.constant 352 : i32
    %dma_wait3A_903 = tpu.memref_slice %arg5[%dma_wait3A_902] : memref<512xi32, #tpu.memory_space<vmem>> -> memref<16xi32, #tpu.memory_space<vmem>>
    %dma_wait3A_904 = arith.constant 0 : i32
    %dma_wait3A_905 = arith.constant 0 : i32
    %dma_wait3A_906 = tpu.memref_slice %arg2[%dma_wait3A_904, %dma_wait3A_905] : memref<8192x1024xf32, #tpu.memory_space<hbm>> -> memref<8192x1024xf32, #tpu.memory_space<hbm>>
    tpu.wait_indirect_dma semaphore(%arg16 : memref<!tpu.dma_semaphore, #tpu.memory_space<semaphore_mem>>) src(%dma_wait3A_906 : memref<8192x1024xf32, #tpu.memory_space<hbm>>) dst(%dma_wait3A_901 : memref<16x1024xf32, #tpu.memory_space<vmem>>)
    %add3A_907 = arith.constant 352 : i32
    %add3A_908 = arith.addi %mul3A_2, %add3A_907 : i32
    %dma_start3A_909 = arith.constant 0 : i32
    %dma_start3A_910 = arith.constant 0 : i32
    %dma_start3A_911 = tpu.memref_slice %arg10[%dma_start3A_909, %dma_start3A_910] : memref<16x1024xf32, #tpu.memory_space<vmem>> -> memref<16x1024xf32, #tpu.memory_space<vmem>>
    %dma_start3A_912 = arith.constant 0 : i32
    %dma_start3A_913 = tpu.memref_slice %arg4[%add3A_908, %dma_start3A_912] : memref<16384x1024xf32, #tpu.memory_space<hbm>> -> memref<16x1024xf32, #tpu.memory_space<hbm>>
    %dma_start3A_914 = arith.constant 0 : i32
    %dma_start3A_915 = tpu.memref_slice %arg4[%add3A_908, %dma_start3A_914] : memref<16384x1024xf32, #tpu.memory_space<hbm>> -> memref<16x1024xf32, #tpu.memory_space<hbm>>
    %dma_start3A_916 = arith.constant 0 : i32
    %dma_start3A_917 = arith.constant 0 : i32
    %dma_start3A_918 = tpu.memref_slice %arg10[%dma_start3A_916, %dma_start3A_917] : memref<16x1024xf32, #tpu.memory_space<vmem>> -> memref<16x1024xf32, #tpu.memory_space<vmem>>
    tpu.enqueue_dma source(%dma_start3A_918 : memref<16x1024xf32, #tpu.memory_space<vmem>>) target(%dma_start3A_915 : memref<16x1024xf32, #tpu.memory_space<hbm>>) target_semaphore(%arg22 : memref<!tpu.dma_semaphore, #tpu.memory_space<semaphore_mem>>)
    %dma_wait3A_919 = arith.constant 0 : i32
    %dma_wait3A_920 = arith.constant 0 : i32
    %dma_wait3A_921 = tpu.memref_slice %arg9[%dma_wait3A_919, %dma_wait3A_920] : memref<16x1024xf32, #tpu.memory_space<vmem>> -> memref<16x1024xf32, #tpu.memory_space<vmem>>
    %dma_wait3A_922 = arith.constant 0 : i32
    %dma_wait3A_923 = tpu.memref_slice %arg4[%add3A_870, %dma_wait3A_922] : memref<16384x1024xf32, #tpu.memory_space<hbm>> -> memref<16x1024xf32, #tpu.memory_space<hbm>>
    %dma_wait3A_924 = arith.constant 0 : i32
    %dma_wait3A_925 = tpu.memref_slice %arg4[%add3A_870, %dma_wait3A_924] : memref<16384x1024xf32, #tpu.memory_space<hbm>> -> memref<16x1024xf32, #tpu.memory_space<hbm>>
    %dma_wait3A_926 = arith.constant 0 : i32
    %dma_wait3A_927 = arith.constant 0 : i32
    %dma_wait3A_928 = tpu.memref_slice %arg9[%dma_wait3A_926, %dma_wait3A_927] : memref<16x1024xf32, #tpu.memory_space<vmem>> -> memref<16x1024xf32, #tpu.memory_space<vmem>>
    tpu.wait_dma2 semaphore(%arg21 : memref<!tpu.dma_semaphore, #tpu.memory_space<semaphore_mem>>) src(%dma_wait3A_928 : memref<16x1024xf32, #tpu.memory_space<vmem>>) dst(%dma_wait3A_925 : memref<16x1024xf32, #tpu.memory_space<hbm>>)
    %dma_start3A_929 = arith.constant 0 : i32
    %dma_start3A_930 = arith.constant 0 : i32
    %dma_start3A_931 = tpu.memref_slice %arg9[%dma_start3A_929, %dma_start3A_930] : memref<16x1024xf32, #tpu.memory_space<vmem>> -> memref<16x1024xf32, #tpu.memory_space<vmem>>
    %dma_start3A_932 = arith.constant 432 : i32
    %dma_start3A_933 = tpu.memref_slice %arg5[%dma_start3A_932] : memref<512xi32, #tpu.memory_space<vmem>> -> memref<16xi32, #tpu.memory_space<vmem>>
    %dma_start3A_934 = arith.constant 0 : i32
    %dma_start3A_935 = arith.constant 0 : i32
    %dma_start3A_936 = tpu.memref_slice %arg2[%dma_start3A_934, %dma_start3A_935] : memref<8192x1024xf32, #tpu.memory_space<hbm>> -> memref<8192x1024xf32, #tpu.memory_space<hbm>>
    tpu.enqueue_indirect_dma source(%dma_start3A_936 : memref<8192x1024xf32, #tpu.memory_space<hbm>>) target(%dma_start3A_931 : memref<16x1024xf32, #tpu.memory_space<vmem>>) offsets(%dma_start3A_933 : memref<16xi32, #tpu.memory_space<vmem>>) semaphore(%arg15 : memref<!tpu.dma_semaphore, #tpu.memory_space<semaphore_mem>>)
    %dma_wait3A_937 = arith.constant 0 : i32
    %dma_wait3A_938 = arith.constant 0 : i32
    %dma_wait3A_939 = tpu.memref_slice %arg11[%dma_wait3A_937, %dma_wait3A_938] : memref<16x1024xf32, #tpu.memory_space<vmem>> -> memref<16x1024xf32, #tpu.memory_space<vmem>>
    %dma_wait3A_940 = arith.constant 368 : i32
    %dma_wait3A_941 = tpu.memref_slice %arg5[%dma_wait3A_940] : memref<512xi32, #tpu.memory_space<vmem>> -> memref<16xi32, #tpu.memory_space<vmem>>
    %dma_wait3A_942 = arith.constant 0 : i32
    %dma_wait3A_943 = arith.constant 0 : i32
    %dma_wait3A_944 = tpu.memref_slice %arg2[%dma_wait3A_942, %dma_wait3A_943] : memref<8192x1024xf32, #tpu.memory_space<hbm>> -> memref<8192x1024xf32, #tpu.memory_space<hbm>>
    tpu.wait_indirect_dma semaphore(%arg17 : memref<!tpu.dma_semaphore, #tpu.memory_space<semaphore_mem>>) src(%dma_wait3A_944 : memref<8192x1024xf32, #tpu.memory_space<hbm>>) dst(%dma_wait3A_939 : memref<16x1024xf32, #tpu.memory_space<vmem>>)
    %add3A_945 = arith.constant 368 : i32
    %add3A_946 = arith.addi %mul3A_2, %add3A_945 : i32
    %dma_start3A_947 = arith.constant 0 : i32
    %dma_start3A_948 = arith.constant 0 : i32
    %dma_start3A_949 = tpu.memref_slice %arg11[%dma_start3A_947, %dma_start3A_948] : memref<16x1024xf32, #tpu.memory_space<vmem>> -> memref<16x1024xf32, #tpu.memory_space<vmem>>
    %dma_start3A_950 = arith.constant 0 : i32
    %dma_start3A_951 = tpu.memref_slice %arg4[%add3A_946, %dma_start3A_950] : memref<16384x1024xf32, #tpu.memory_space<hbm>> -> memref<16x1024xf32, #tpu.memory_space<hbm>>
    %dma_start3A_952 = arith.constant 0 : i32
    %dma_start3A_953 = tpu.memref_slice %arg4[%add3A_946, %dma_start3A_952] : memref<16384x1024xf32, #tpu.memory_space<hbm>> -> memref<16x1024xf32, #tpu.memory_space<hbm>>
    %dma_start3A_954 = arith.constant 0 : i32
    %dma_start3A_955 = arith.constant 0 : i32
    %dma_start3A_956 = tpu.memref_slice %arg11[%dma_start3A_954, %dma_start3A_955] : memref<16x1024xf32, #tpu.memory_space<vmem>> -> memref<16x1024xf32, #tpu.memory_space<vmem>>
    tpu.enqueue_dma source(%dma_start3A_956 : memref<16x1024xf32, #tpu.memory_space<vmem>>) target(%dma_start3A_953 : memref<16x1024xf32, #tpu.memory_space<hbm>>) target_semaphore(%arg23 : memref<!tpu.dma_semaphore, #tpu.memory_space<semaphore_mem>>)
    %dma_wait3A_957 = arith.constant 0 : i32
    %dma_wait3A_958 = arith.constant 0 : i32
    %dma_wait3A_959 = tpu.memref_slice %arg10[%dma_wait3A_957, %dma_wait3A_958] : memref<16x1024xf32, #tpu.memory_space<vmem>> -> memref<16x1024xf32, #tpu.memory_space<vmem>>
    %dma_wait3A_960 = arith.constant 0 : i32
    %dma_wait3A_961 = tpu.memref_slice %arg4[%add3A_908, %dma_wait3A_960] : memref<16384x1024xf32, #tpu.memory_space<hbm>> -> memref<16x1024xf32, #tpu.memory_space<hbm>>
    %dma_wait3A_962 = arith.constant 0 : i32
    %dma_wait3A_963 = tpu.memref_slice %arg4[%add3A_908, %dma_wait3A_962] : memref<16384x1024xf32, #tpu.memory_space<hbm>> -> memref<16x1024xf32, #tpu.memory_space<hbm>>
    %dma_wait3A_964 = arith.constant 0 : i32
    %dma_wait3A_965 = arith.constant 0 : i32
    %dma_wait3A_966 = tpu.memref_slice %arg10[%dma_wait3A_964, %dma_wait3A_965] : memref<16x1024xf32, #tpu.memory_space<vmem>> -> memref<16x1024xf32, #tpu.memory_space<vmem>>
    tpu.wait_dma2 semaphore(%arg22 : memref<!tpu.dma_semaphore, #tpu.memory_space<semaphore_mem>>) src(%dma_wait3A_966 : memref<16x1024xf32, #tpu.memory_space<vmem>>) dst(%dma_wait3A_963 : memref<16x1024xf32, #tpu.memory_space<hbm>>)
    %dma_start3A_967 = arith.constant 0 : i32
    %dma_start3A_968 = arith.constant 0 : i32
    %dma_start3A_969 = tpu.memref_slice %arg10[%dma_start3A_967, %dma_start3A_968] : memref<16x1024xf32, #tpu.memory_space<vmem>> -> memref<16x1024xf32, #tpu.memory_space<vmem>>
    %dma_start3A_970 = arith.constant 448 : i32
    %dma_start3A_971 = tpu.memref_slice %arg5[%dma_start3A_970] : memref<512xi32, #tpu.memory_space<vmem>> -> memref<16xi32, #tpu.memory_space<vmem>>
    %dma_start3A_972 = arith.constant 0 : i32
    %dma_start3A_973 = arith.constant 0 : i32
    %dma_start3A_974 = tpu.memref_slice %arg2[%dma_start3A_972, %dma_start3A_973] : memref<8192x1024xf32, #tpu.memory_space<hbm>> -> memref<8192x1024xf32, #tpu.memory_space<hbm>>
    tpu.enqueue_indirect_dma source(%dma_start3A_974 : memref<8192x1024xf32, #tpu.memory_space<hbm>>) target(%dma_start3A_969 : memref<16x1024xf32, #tpu.memory_space<vmem>>) offsets(%dma_start3A_971 : memref<16xi32, #tpu.memory_space<vmem>>) semaphore(%arg16 : memref<!tpu.dma_semaphore, #tpu.memory_space<semaphore_mem>>)
    %dma_wait3A_975 = arith.constant 0 : i32
    %dma_wait3A_976 = arith.constant 0 : i32
    %dma_wait3A_977 = tpu.memref_slice %arg6[%dma_wait3A_975, %dma_wait3A_976] : memref<16x1024xf32, #tpu.memory_space<vmem>> -> memref<16x1024xf32, #tpu.memory_space<vmem>>
    %dma_wait3A_978 = arith.constant 384 : i32
    %dma_wait3A_979 = tpu.memref_slice %arg5[%dma_wait3A_978] : memref<512xi32, #tpu.memory_space<vmem>> -> memref<16xi32, #tpu.memory_space<vmem>>
    %dma_wait3A_980 = arith.constant 0 : i32
    %dma_wait3A_981 = arith.constant 0 : i32
    %dma_wait3A_982 = tpu.memref_slice %arg2[%dma_wait3A_980, %dma_wait3A_981] : memref<8192x1024xf32, #tpu.memory_space<hbm>> -> memref<8192x1024xf32, #tpu.memory_space<hbm>>
    tpu.wait_indirect_dma semaphore(%arg12 : memref<!tpu.dma_semaphore, #tpu.memory_space<semaphore_mem>>) src(%dma_wait3A_982 : memref<8192x1024xf32, #tpu.memory_space<hbm>>) dst(%dma_wait3A_977 : memref<16x1024xf32, #tpu.memory_space<vmem>>)
    %add3A_983 = arith.constant 384 : i32
    %add3A_984 = arith.addi %mul3A_2, %add3A_983 : i32
    %dma_start3A_985 = arith.constant 0 : i32
    %dma_start3A_986 = arith.constant 0 : i32
    %dma_start3A_987 = tpu.memref_slice %arg6[%dma_start3A_985, %dma_start3A_986] : memref<16x1024xf32, #tpu.memory_space<vmem>> -> memref<16x1024xf32, #tpu.memory_space<vmem>>
    %dma_start3A_988 = arith.constant 0 : i32
    %dma_start3A_989 = tpu.memref_slice %arg4[%add3A_984, %dma_start3A_988] : memref<16384x1024xf32, #tpu.memory_space<hbm>> -> memref<16x1024xf32, #tpu.memory_space<hbm>>
    %dma_start3A_990 = arith.constant 0 : i32
    %dma_start3A_991 = tpu.memref_slice %arg4[%add3A_984, %dma_start3A_990] : memref<16384x1024xf32, #tpu.memory_space<hbm>> -> memref<16x1024xf32, #tpu.memory_space<hbm>>
    %dma_start3A_992 = arith.constant 0 : i32
    %dma_start3A_993 = arith.constant 0 : i32
    %dma_start3A_994 = tpu.memref_slice %arg6[%dma_start3A_992, %dma_start3A_993] : memref<16x1024xf32, #tpu.memory_space<vmem>> -> memref<16x1024xf32, #tpu.memory_space<vmem>>
    tpu.enqueue_dma source(%dma_start3A_994 : memref<16x1024xf32, #tpu.memory_space<vmem>>) target(%dma_start3A_991 : memref<16x1024xf32, #tpu.memory_space<hbm>>) target_semaphore(%arg18 : memref<!tpu.dma_semaphore, #tpu.memory_space<semaphore_mem>>)
    %dma_wait3A_995 = arith.constant 0 : i32
    %dma_wait3A_996 = arith.constant 0 : i32
    %dma_wait3A_997 = tpu.memref_slice %arg11[%dma_wait3A_995, %dma_wait3A_996] : memref<16x1024xf32, #tpu.memory_space<vmem>> -> memref<16x1024xf32, #tpu.memory_space<vmem>>
    %dma_wait3A_998 = arith.constant 0 : i32
    %dma_wait3A_999 = tpu.memref_slice %arg4[%add3A_946, %dma_wait3A_998] : memref<16384x1024xf32, #tpu.memory_space<hbm>> -> memref<16x1024xf32, #tpu.memory_space<hbm>>
    %dma_wait3A_1000 = arith.constant 0 : i32
    %dma_wait3A_1001 = tpu.memref_slice %arg4[%add3A_946, %dma_wait3A_1000] : memref<16384x1024xf32, #tpu.memory_space<hbm>> -> memref<16x1024xf32, #tpu.memory_space<hbm>>
    %dma_wait3A_1002 = arith.constant 0 : i32
    %dma_wait3A_1003 = arith.constant 0 : i32
    %dma_wait3A_1004 = tpu.memref_slice %arg11[%dma_wait3A_1002, %dma_wait3A_1003] : memref<16x1024xf32, #tpu.memory_space<vmem>> -> memref<16x1024xf32, #tpu.memory_space<vmem>>
    tpu.wait_dma2 semaphore(%arg23 : memref<!tpu.dma_semaphore, #tpu.memory_space<semaphore_mem>>) src(%dma_wait3A_1004 : memref<16x1024xf32, #tpu.memory_space<vmem>>) dst(%dma_wait3A_1001 : memref<16x1024xf32, #tpu.memory_space<hbm>>)
    %dma_start3A_1005 = arith.constant 0 : i32
    %dma_start3A_1006 = arith.constant 0 : i32
    %dma_start3A_1007 = tpu.memref_slice %arg11[%dma_start3A_1005, %dma_start3A_1006] : memref<16x1024xf32, #tpu.memory_space<vmem>> -> memref<16x1024xf32, #tpu.memory_space<vmem>>
    %dma_start3A_1008 = arith.constant 464 : i32
    %dma_start3A_1009 = tpu.memref_slice %arg5[%dma_start3A_1008] : memref<512xi32, #tpu.memory_space<vmem>> -> memref<16xi32, #tpu.memory_space<vmem>>
    %dma_start3A_1010 = arith.constant 0 : i32
    %dma_start3A_1011 = arith.constant 0 : i32
    %dma_start3A_1012 = tpu.memref_slice %arg2[%dma_start3A_1010, %dma_start3A_1011] : memref<8192x1024xf32, #tpu.memory_space<hbm>> -> memref<8192x1024xf32, #tpu.memory_space<hbm>>
    tpu.enqueue_indirect_dma source(%dma_start3A_1012 : memref<8192x1024xf32, #tpu.memory_space<hbm>>) target(%dma_start3A_1007 : memref<16x1024xf32, #tpu.memory_space<vmem>>) offsets(%dma_start3A_1009 : memref<16xi32, #tpu.memory_space<vmem>>) semaphore(%arg17 : memref<!tpu.dma_semaphore, #tpu.memory_space<semaphore_mem>>)
    %dma_wait3A_1013 = arith.constant 0 : i32
    %dma_wait3A_1014 = arith.constant 0 : i32
    %dma_wait3A_1015 = tpu.memref_slice %arg7[%dma_wait3A_1013, %dma_wait3A_1014] : memref<16x1024xf32, #tpu.memory_space<vmem>> -> memref<16x1024xf32, #tpu.memory_space<vmem>>
    %dma_wait3A_1016 = arith.constant 400 : i32
    %dma_wait3A_1017 = tpu.memref_slice %arg5[%dma_wait3A_1016] : memref<512xi32, #tpu.memory_space<vmem>> -> memref<16xi32, #tpu.memory_space<vmem>>
    %dma_wait3A_1018 = arith.constant 0 : i32
    %dma_wait3A_1019 = arith.constant 0 : i32
    %dma_wait3A_1020 = tpu.memref_slice %arg2[%dma_wait3A_1018, %dma_wait3A_1019] : memref<8192x1024xf32, #tpu.memory_space<hbm>> -> memref<8192x1024xf32, #tpu.memory_space<hbm>>
    tpu.wait_indirect_dma semaphore(%arg13 : memref<!tpu.dma_semaphore, #tpu.memory_space<semaphore_mem>>) src(%dma_wait3A_1020 : memref<8192x1024xf32, #tpu.memory_space<hbm>>) dst(%dma_wait3A_1015 : memref<16x1024xf32, #tpu.memory_space<vmem>>)
    %add3A_1021 = arith.constant 400 : i32
    %add3A_1022 = arith.addi %mul3A_2, %add3A_1021 : i32
    %dma_start3A_1023 = arith.constant 0 : i32
    %dma_start3A_1024 = arith.constant 0 : i32
    %dma_start3A_1025 = tpu.memref_slice %arg7[%dma_start3A_1023, %dma_start3A_1024] : memref<16x1024xf32, #tpu.memory_space<vmem>> -> memref<16x1024xf32, #tpu.memory_space<vmem>>
    %dma_start3A_1026 = arith.constant 0 : i32
    %dma_start3A_1027 = tpu.memref_slice %arg4[%add3A_1022, %dma_start3A_1026] : memref<16384x1024xf32, #tpu.memory_space<hbm>> -> memref<16x1024xf32, #tpu.memory_space<hbm>>
    %dma_start3A_1028 = arith.constant 0 : i32
    %dma_start3A_1029 = tpu.memref_slice %arg4[%add3A_1022, %dma_start3A_1028] : memref<16384x1024xf32, #tpu.memory_space<hbm>> -> memref<16x1024xf32, #tpu.memory_space<hbm>>
    %dma_start3A_1030 = arith.constant 0 : i32
    %dma_start3A_1031 = arith.constant 0 : i32
    %dma_start3A_1032 = tpu.memref_slice %arg7[%dma_start3A_1030, %dma_start3A_1031] : memref<16x1024xf32, #tpu.memory_space<vmem>> -> memref<16x1024xf32, #tpu.memory_space<vmem>>
    tpu.enqueue_dma source(%dma_start3A_1032 : memref<16x1024xf32, #tpu.memory_space<vmem>>) target(%dma_start3A_1029 : memref<16x1024xf32, #tpu.memory_space<hbm>>) target_semaphore(%arg19 : memref<!tpu.dma_semaphore, #tpu.memory_space<semaphore_mem>>)
    %dma_wait3A_1033 = arith.constant 0 : i32
    %dma_wait3A_1034 = arith.constant 0 : i32
    %dma_wait3A_1035 = tpu.memref_slice %arg6[%dma_wait3A_1033, %dma_wait3A_1034] : memref<16x1024xf32, #tpu.memory_space<vmem>> -> memref<16x1024xf32, #tpu.memory_space<vmem>>
    %dma_wait3A_1036 = arith.constant 0 : i32
    %dma_wait3A_1037 = tpu.memref_slice %arg4[%add3A_984, %dma_wait3A_1036] : memref<16384x1024xf32, #tpu.memory_space<hbm>> -> memref<16x1024xf32, #tpu.memory_space<hbm>>
    %dma_wait3A_1038 = arith.constant 0 : i32
    %dma_wait3A_1039 = tpu.memref_slice %arg4[%add3A_984, %dma_wait3A_1038] : memref<16384x1024xf32, #tpu.memory_space<hbm>> -> memref<16x1024xf32, #tpu.memory_space<hbm>>
    %dma_wait3A_1040 = arith.constant 0 : i32
    %dma_wait3A_1041 = arith.constant 0 : i32
    %dma_wait3A_1042 = tpu.memref_slice %arg6[%dma_wait3A_1040, %dma_wait3A_1041] : memref<16x1024xf32, #tpu.memory_space<vmem>> -> memref<16x1024xf32, #tpu.memory_space<vmem>>
    tpu.wait_dma2 semaphore(%arg18 : memref<!tpu.dma_semaphore, #tpu.memory_space<semaphore_mem>>) src(%dma_wait3A_1042 : memref<16x1024xf32, #tpu.memory_space<vmem>>) dst(%dma_wait3A_1039 : memref<16x1024xf32, #tpu.memory_space<hbm>>)
    %dma_start3A_1043 = arith.constant 0 : i32
    %dma_start3A_1044 = arith.constant 0 : i32
    %dma_start3A_1045 = tpu.memref_slice %arg6[%dma_start3A_1043, %dma_start3A_1044] : memref<16x1024xf32, #tpu.memory_space<vmem>> -> memref<16x1024xf32, #tpu.memory_space<vmem>>
    %dma_start3A_1046 = arith.constant 480 : i32
    %dma_start3A_1047 = tpu.memref_slice %arg5[%dma_start3A_1046] : memref<512xi32, #tpu.memory_space<vmem>> -> memref<16xi32, #tpu.memory_space<vmem>>
    %dma_start3A_1048 = arith.constant 0 : i32
    %dma_start3A_1049 = arith.constant 0 : i32
    %dma_start3A_1050 = tpu.memref_slice %arg2[%dma_start3A_1048, %dma_start3A_1049] : memref<8192x1024xf32, #tpu.memory_space<hbm>> -> memref<8192x1024xf32, #tpu.memory_space<hbm>>
    tpu.enqueue_indirect_dma source(%dma_start3A_1050 : memref<8192x1024xf32, #tpu.memory_space<hbm>>) target(%dma_start3A_1045 : memref<16x1024xf32, #tpu.memory_space<vmem>>) offsets(%dma_start3A_1047 : memref<16xi32, #tpu.memory_space<vmem>>) semaphore(%arg12 : memref<!tpu.dma_semaphore, #tpu.memory_space<semaphore_mem>>)
    %dma_wait3A_1051 = arith.constant 0 : i32
    %dma_wait3A_1052 = arith.constant 0 : i32
    %dma_wait3A_1053 = tpu.memref_slice %arg8[%dma_wait3A_1051, %dma_wait3A_1052] : memref<16x1024xf32, #tpu.memory_space<vmem>> -> memref<16x1024xf32, #tpu.memory_space<vmem>>
    %dma_wait3A_1054 = arith.constant 416 : i32
    %dma_wait3A_1055 = tpu.memref_slice %arg5[%dma_wait3A_1054] : memref<512xi32, #tpu.memory_space<vmem>> -> memref<16xi32, #tpu.memory_space<vmem>>
    %dma_wait3A_1056 = arith.constant 0 : i32
    %dma_wait3A_1057 = arith.constant 0 : i32
    %dma_wait3A_1058 = tpu.memref_slice %arg2[%dma_wait3A_1056, %dma_wait3A_1057] : memref<8192x1024xf32, #tpu.memory_space<hbm>> -> memref<8192x1024xf32, #tpu.memory_space<hbm>>
    tpu.wait_indirect_dma semaphore(%arg14 : memref<!tpu.dma_semaphore, #tpu.memory_space<semaphore_mem>>) src(%dma_wait3A_1058 : memref<8192x1024xf32, #tpu.memory_space<hbm>>) dst(%dma_wait3A_1053 : memref<16x1024xf32, #tpu.memory_space<vmem>>)
    %add3A_1059 = arith.constant 416 : i32
    %add3A_1060 = arith.addi %mul3A_2, %add3A_1059 : i32
    %dma_start3A_1061 = arith.constant 0 : i32
    %dma_start3A_1062 = arith.constant 0 : i32
    %dma_start3A_1063 = tpu.memref_slice %arg8[%dma_start3A_1061, %dma_start3A_1062] : memref<16x1024xf32, #tpu.memory_space<vmem>> -> memref<16x1024xf32, #tpu.memory_space<vmem>>
    %dma_start3A_1064 = arith.constant 0 : i32
    %dma_start3A_1065 = tpu.memref_slice %arg4[%add3A_1060, %dma_start3A_1064] : memref<16384x1024xf32, #tpu.memory_space<hbm>> -> memref<16x1024xf32, #tpu.memory_space<hbm>>
    %dma_start3A_1066 = arith.constant 0 : i32
    %dma_start3A_1067 = tpu.memref_slice %arg4[%add3A_1060, %dma_start3A_1066] : memref<16384x1024xf32, #tpu.memory_space<hbm>> -> memref<16x1024xf32, #tpu.memory_space<hbm>>
    %dma_start3A_1068 = arith.constant 0 : i32
    %dma_start3A_1069 = arith.constant 0 : i32
    %dma_start3A_1070 = tpu.memref_slice %arg8[%dma_start3A_1068, %dma_start3A_1069] : memref<16x1024xf32, #tpu.memory_space<vmem>> -> memref<16x1024xf32, #tpu.memory_space<vmem>>
    tpu.enqueue_dma source(%dma_start3A_1070 : memref<16x1024xf32, #tpu.memory_space<vmem>>) target(%dma_start3A_1067 : memref<16x1024xf32, #tpu.memory_space<hbm>>) target_semaphore(%arg20 : memref<!tpu.dma_semaphore, #tpu.memory_space<semaphore_mem>>)
    %dma_wait3A_1071 = arith.constant 0 : i32
    %dma_wait3A_1072 = arith.constant 0 : i32
    %dma_wait3A_1073 = tpu.memref_slice %arg7[%dma_wait3A_1071, %dma_wait3A_1072] : memref<16x1024xf32, #tpu.memory_space<vmem>> -> memref<16x1024xf32, #tpu.memory_space<vmem>>
    %dma_wait3A_1074 = arith.constant 0 : i32
    %dma_wait3A_1075 = tpu.memref_slice %arg4[%add3A_1022, %dma_wait3A_1074] : memref<16384x1024xf32, #tpu.memory_space<hbm>> -> memref<16x1024xf32, #tpu.memory_space<hbm>>
    %dma_wait3A_1076 = arith.constant 0 : i32
    %dma_wait3A_1077 = tpu.memref_slice %arg4[%add3A_1022, %dma_wait3A_1076] : memref<16384x1024xf32, #tpu.memory_space<hbm>> -> memref<16x1024xf32, #tpu.memory_space<hbm>>
    %dma_wait3A_1078 = arith.constant 0 : i32
    %dma_wait3A_1079 = arith.constant 0 : i32
    %dma_wait3A_1080 = tpu.memref_slice %arg7[%dma_wait3A_1078, %dma_wait3A_1079] : memref<16x1024xf32, #tpu.memory_space<vmem>> -> memref<16x1024xf32, #tpu.memory_space<vmem>>
    tpu.wait_dma2 semaphore(%arg19 : memref<!tpu.dma_semaphore, #tpu.memory_space<semaphore_mem>>) src(%dma_wait3A_1080 : memref<16x1024xf32, #tpu.memory_space<vmem>>) dst(%dma_wait3A_1077 : memref<16x1024xf32, #tpu.memory_space<hbm>>)
    %dma_start3A_1081 = arith.constant 0 : i32
    %dma_start3A_1082 = arith.constant 0 : i32
    %dma_start3A_1083 = tpu.memref_slice %arg7[%dma_start3A_1081, %dma_start3A_1082] : memref<16x1024xf32, #tpu.memory_space<vmem>> -> memref<16x1024xf32, #tpu.memory_space<vmem>>
    %dma_start3A_1084 = arith.constant 496 : i32
    %dma_start3A_1085 = tpu.memref_slice %arg5[%dma_start3A_1084] : memref<512xi32, #tpu.memory_space<vmem>> -> memref<16xi32, #tpu.memory_space<vmem>>
    %dma_start3A_1086 = arith.constant 0 : i32
    %dma_start3A_1087 = arith.constant 0 : i32
    %dma_start3A_1088 = tpu.memref_slice %arg2[%dma_start3A_1086, %dma_start3A_1087] : memref<8192x1024xf32, #tpu.memory_space<hbm>> -> memref<8192x1024xf32, #tpu.memory_space<hbm>>
    tpu.enqueue_indirect_dma source(%dma_start3A_1088 : memref<8192x1024xf32, #tpu.memory_space<hbm>>) target(%dma_start3A_1083 : memref<16x1024xf32, #tpu.memory_space<vmem>>) offsets(%dma_start3A_1085 : memref<16xi32, #tpu.memory_space<vmem>>) semaphore(%arg13 : memref<!tpu.dma_semaphore, #tpu.memory_space<semaphore_mem>>)
    %dma_wait3A_1089 = arith.constant 0 : i32
    %dma_wait3A_1090 = arith.constant 0 : i32
    %dma_wait3A_1091 = tpu.memref_slice %arg9[%dma_wait3A_1089, %dma_wait3A_1090] : memref<16x1024xf32, #tpu.memory_space<vmem>> -> memref<16x1024xf32, #tpu.memory_space<vmem>>
    %dma_wait3A_1092 = arith.constant 432 : i32
    %dma_wait3A_1093 = tpu.memref_slice %arg5[%dma_wait3A_1092] : memref<512xi32, #tpu.memory_space<vmem>> -> memref<16xi32, #tpu.memory_space<vmem>>
    %dma_wait3A_1094 = arith.constant 0 : i32
    %dma_wait3A_1095 = arith.constant 0 : i32
    %dma_wait3A_1096 = tpu.memref_slice %arg2[%dma_wait3A_1094, %dma_wait3A_1095] : memref<8192x1024xf32, #tpu.memory_space<hbm>> -> memref<8192x1024xf32, #tpu.memory_space<hbm>>
    tpu.wait_indirect_dma semaphore(%arg15 : memref<!tpu.dma_semaphore, #tpu.memory_space<semaphore_mem>>) src(%dma_wait3A_1096 : memref<8192x1024xf32, #tpu.memory_space<hbm>>) dst(%dma_wait3A_1091 : memref<16x1024xf32, #tpu.memory_space<vmem>>)
    %add3A_1097 = arith.constant 432 : i32
    %add3A_1098 = arith.addi %mul3A_2, %add3A_1097 : i32
    %dma_start3A_1099 = arith.constant 0 : i32
    %dma_start3A_1100 = arith.constant 0 : i32
    %dma_start3A_1101 = tpu.memref_slice %arg9[%dma_start3A_1099, %dma_start3A_1100] : memref<16x1024xf32, #tpu.memory_space<vmem>> -> memref<16x1024xf32, #tpu.memory_space<vmem>>
    %dma_start3A_1102 = arith.constant 0 : i32
    %dma_start3A_1103 = tpu.memref_slice %arg4[%add3A_1098, %dma_start3A_1102] : memref<16384x1024xf32, #tpu.memory_space<hbm>> -> memref<16x1024xf32, #tpu.memory_space<hbm>>
    %dma_start3A_1104 = arith.constant 0 : i32
    %dma_start3A_1105 = tpu.memref_slice %arg4[%add3A_1098, %dma_start3A_1104] : memref<16384x1024xf32, #tpu.memory_space<hbm>> -> memref<16x1024xf32, #tpu.memory_space<hbm>>
    %dma_start3A_1106 = arith.constant 0 : i32
    %dma_start3A_1107 = arith.constant 0 : i32
    %dma_start3A_1108 = tpu.memref_slice %arg9[%dma_start3A_1106, %dma_start3A_1107] : memref<16x1024xf32, #tpu.memory_space<vmem>> -> memref<16x1024xf32, #tpu.memory_space<vmem>>
    tpu.enqueue_dma source(%dma_start3A_1108 : memref<16x1024xf32, #tpu.memory_space<vmem>>) target(%dma_start3A_1105 : memref<16x1024xf32, #tpu.memory_space<hbm>>) target_semaphore(%arg21 : memref<!tpu.dma_semaphore, #tpu.memory_space<semaphore_mem>>)
    %dma_wait3A_1109 = arith.constant 0 : i32
    %dma_wait3A_1110 = arith.constant 0 : i32
    %dma_wait3A_1111 = tpu.memref_slice %arg10[%dma_wait3A_1109, %dma_wait3A_1110] : memref<16x1024xf32, #tpu.memory_space<vmem>> -> memref<16x1024xf32, #tpu.memory_space<vmem>>
    %dma_wait3A_1112 = arith.constant 448 : i32
    %dma_wait3A_1113 = tpu.memref_slice %arg5[%dma_wait3A_1112] : memref<512xi32, #tpu.memory_space<vmem>> -> memref<16xi32, #tpu.memory_space<vmem>>
    %dma_wait3A_1114 = arith.constant 0 : i32
    %dma_wait3A_1115 = arith.constant 0 : i32
    %dma_wait3A_1116 = tpu.memref_slice %arg2[%dma_wait3A_1114, %dma_wait3A_1115] : memref<8192x1024xf32, #tpu.memory_space<hbm>> -> memref<8192x1024xf32, #tpu.memory_space<hbm>>
    tpu.wait_indirect_dma semaphore(%arg16 : memref<!tpu.dma_semaphore, #tpu.memory_space<semaphore_mem>>) src(%dma_wait3A_1116 : memref<8192x1024xf32, #tpu.memory_space<hbm>>) dst(%dma_wait3A_1111 : memref<16x1024xf32, #tpu.memory_space<vmem>>)
    %add3A_1117 = arith.constant 448 : i32
    %add3A_1118 = arith.addi %mul3A_2, %add3A_1117 : i32
    %dma_start3A_1119 = arith.constant 0 : i32
    %dma_start3A_1120 = arith.constant 0 : i32
    %dma_start3A_1121 = tpu.memref_slice %arg10[%dma_start3A_1119, %dma_start3A_1120] : memref<16x1024xf32, #tpu.memory_space<vmem>> -> memref<16x1024xf32, #tpu.memory_space<vmem>>
    %dma_start3A_1122 = arith.constant 0 : i32
    %dma_start3A_1123 = tpu.memref_slice %arg4[%add3A_1118, %dma_start3A_1122] : memref<16384x1024xf32, #tpu.memory_space<hbm>> -> memref<16x1024xf32, #tpu.memory_space<hbm>>
    %dma_start3A_1124 = arith.constant 0 : i32
    %dma_start3A_1125 = tpu.memref_slice %arg4[%add3A_1118, %dma_start3A_1124] : memref<16384x1024xf32, #tpu.memory_space<hbm>> -> memref<16x1024xf32, #tpu.memory_space<hbm>>
    %dma_start3A_1126 = arith.constant 0 : i32
    %dma_start3A_1127 = arith.constant 0 : i32
    %dma_start3A_1128 = tpu.memref_slice %arg10[%dma_start3A_1126, %dma_start3A_1127] : memref<16x1024xf32, #tpu.memory_space<vmem>> -> memref<16x1024xf32, #tpu.memory_space<vmem>>
    tpu.enqueue_dma source(%dma_start3A_1128 : memref<16x1024xf32, #tpu.memory_space<vmem>>) target(%dma_start3A_1125 : memref<16x1024xf32, #tpu.memory_space<hbm>>) target_semaphore(%arg22 : memref<!tpu.dma_semaphore, #tpu.memory_space<semaphore_mem>>)
    %dma_wait3A_1129 = arith.constant 0 : i32
    %dma_wait3A_1130 = arith.constant 0 : i32
    %dma_wait3A_1131 = tpu.memref_slice %arg11[%dma_wait3A_1129, %dma_wait3A_1130] : memref<16x1024xf32, #tpu.memory_space<vmem>> -> memref<16x1024xf32, #tpu.memory_space<vmem>>
    %dma_wait3A_1132 = arith.constant 464 : i32
    %dma_wait3A_1133 = tpu.memref_slice %arg5[%dma_wait3A_1132] : memref<512xi32, #tpu.memory_space<vmem>> -> memref<16xi32, #tpu.memory_space<vmem>>
    %dma_wait3A_1134 = arith.constant 0 : i32
    %dma_wait3A_1135 = arith.constant 0 : i32
    %dma_wait3A_1136 = tpu.memref_slice %arg2[%dma_wait3A_1134, %dma_wait3A_1135] : memref<8192x1024xf32, #tpu.memory_space<hbm>> -> memref<8192x1024xf32, #tpu.memory_space<hbm>>
    tpu.wait_indirect_dma semaphore(%arg17 : memref<!tpu.dma_semaphore, #tpu.memory_space<semaphore_mem>>) src(%dma_wait3A_1136 : memref<8192x1024xf32, #tpu.memory_space<hbm>>) dst(%dma_wait3A_1131 : memref<16x1024xf32, #tpu.memory_space<vmem>>)
    %add3A_1137 = arith.constant 464 : i32
    %add3A_1138 = arith.addi %mul3A_2, %add3A_1137 : i32
    %dma_start3A_1139 = arith.constant 0 : i32
    %dma_start3A_1140 = arith.constant 0 : i32
    %dma_start3A_1141 = tpu.memref_slice %arg11[%dma_start3A_1139, %dma_start3A_1140] : memref<16x1024xf32, #tpu.memory_space<vmem>> -> memref<16x1024xf32, #tpu.memory_space<vmem>>
    %dma_start3A_1142 = arith.constant 0 : i32
    %dma_start3A_1143 = tpu.memref_slice %arg4[%add3A_1138, %dma_start3A_1142] : memref<16384x1024xf32, #tpu.memory_space<hbm>> -> memref<16x1024xf32, #tpu.memory_space<hbm>>
    %dma_start3A_1144 = arith.constant 0 : i32
    %dma_start3A_1145 = tpu.memref_slice %arg4[%add3A_1138, %dma_start3A_1144] : memref<16384x1024xf32, #tpu.memory_space<hbm>> -> memref<16x1024xf32, #tpu.memory_space<hbm>>
    %dma_start3A_1146 = arith.constant 0 : i32
    %dma_start3A_1147 = arith.constant 0 : i32
    %dma_start3A_1148 = tpu.memref_slice %arg11[%dma_start3A_1146, %dma_start3A_1147] : memref<16x1024xf32, #tpu.memory_space<vmem>> -> memref<16x1024xf32, #tpu.memory_space<vmem>>
    tpu.enqueue_dma source(%dma_start3A_1148 : memref<16x1024xf32, #tpu.memory_space<vmem>>) target(%dma_start3A_1145 : memref<16x1024xf32, #tpu.memory_space<hbm>>) target_semaphore(%arg23 : memref<!tpu.dma_semaphore, #tpu.memory_space<semaphore_mem>>)
    %dma_wait3A_1149 = arith.constant 0 : i32
    %dma_wait3A_1150 = arith.constant 0 : i32
    %dma_wait3A_1151 = tpu.memref_slice %arg6[%dma_wait3A_1149, %dma_wait3A_1150] : memref<16x1024xf32, #tpu.memory_space<vmem>> -> memref<16x1024xf32, #tpu.memory_space<vmem>>
    %dma_wait3A_1152 = arith.constant 480 : i32
    %dma_wait3A_1153 = tpu.memref_slice %arg5[%dma_wait3A_1152] : memref<512xi32, #tpu.memory_space<vmem>> -> memref<16xi32, #tpu.memory_space<vmem>>
    %dma_wait3A_1154 = arith.constant 0 : i32
    %dma_wait3A_1155 = arith.constant 0 : i32
    %dma_wait3A_1156 = tpu.memref_slice %arg2[%dma_wait3A_1154, %dma_wait3A_1155] : memref<8192x1024xf32, #tpu.memory_space<hbm>> -> memref<8192x1024xf32, #tpu.memory_space<hbm>>
    tpu.wait_indirect_dma semaphore(%arg12 : memref<!tpu.dma_semaphore, #tpu.memory_space<semaphore_mem>>) src(%dma_wait3A_1156 : memref<8192x1024xf32, #tpu.memory_space<hbm>>) dst(%dma_wait3A_1151 : memref<16x1024xf32, #tpu.memory_space<vmem>>)
    %add3A_1157 = arith.constant 480 : i32
    %add3A_1158 = arith.addi %mul3A_2, %add3A_1157 : i32
    %dma_start3A_1159 = arith.constant 0 : i32
    %dma_start3A_1160 = arith.constant 0 : i32
    %dma_start3A_1161 = tpu.memref_slice %arg6[%dma_start3A_1159, %dma_start3A_1160] : memref<16x1024xf32, #tpu.memory_space<vmem>> -> memref<16x1024xf32, #tpu.memory_space<vmem>>
    %dma_start3A_1162 = arith.constant 0 : i32
    %dma_start3A_1163 = tpu.memref_slice %arg4[%add3A_1158, %dma_start3A_1162] : memref<16384x1024xf32, #tpu.memory_space<hbm>> -> memref<16x1024xf32, #tpu.memory_space<hbm>>
    %dma_start3A_1164 = arith.constant 0 : i32
    %dma_start3A_1165 = tpu.memref_slice %arg4[%add3A_1158, %dma_start3A_1164] : memref<16384x1024xf32, #tpu.memory_space<hbm>> -> memref<16x1024xf32, #tpu.memory_space<hbm>>
    %dma_start3A_1166 = arith.constant 0 : i32
    %dma_start3A_1167 = arith.constant 0 : i32
    %dma_start3A_1168 = tpu.memref_slice %arg6[%dma_start3A_1166, %dma_start3A_1167] : memref<16x1024xf32, #tpu.memory_space<vmem>> -> memref<16x1024xf32, #tpu.memory_space<vmem>>
    tpu.enqueue_dma source(%dma_start3A_1168 : memref<16x1024xf32, #tpu.memory_space<vmem>>) target(%dma_start3A_1165 : memref<16x1024xf32, #tpu.memory_space<hbm>>) target_semaphore(%arg18 : memref<!tpu.dma_semaphore, #tpu.memory_space<semaphore_mem>>)
    %dma_wait3A_1169 = arith.constant 0 : i32
    %dma_wait3A_1170 = arith.constant 0 : i32
    %dma_wait3A_1171 = tpu.memref_slice %arg7[%dma_wait3A_1169, %dma_wait3A_1170] : memref<16x1024xf32, #tpu.memory_space<vmem>> -> memref<16x1024xf32, #tpu.memory_space<vmem>>
    %dma_wait3A_1172 = arith.constant 496 : i32
    %dma_wait3A_1173 = tpu.memref_slice %arg5[%dma_wait3A_1172] : memref<512xi32, #tpu.memory_space<vmem>> -> memref<16xi32, #tpu.memory_space<vmem>>
    %dma_wait3A_1174 = arith.constant 0 : i32
    %dma_wait3A_1175 = arith.constant 0 : i32
    %dma_wait3A_1176 = tpu.memref_slice %arg2[%dma_wait3A_1174, %dma_wait3A_1175] : memref<8192x1024xf32, #tpu.memory_space<hbm>> -> memref<8192x1024xf32, #tpu.memory_space<hbm>>
    tpu.wait_indirect_dma semaphore(%arg13 : memref<!tpu.dma_semaphore, #tpu.memory_space<semaphore_mem>>) src(%dma_wait3A_1176 : memref<8192x1024xf32, #tpu.memory_space<hbm>>) dst(%dma_wait3A_1171 : memref<16x1024xf32, #tpu.memory_space<vmem>>)
    %add3A_1177 = arith.constant 496 : i32
    %add3A_1178 = arith.addi %mul3A_2, %add3A_1177 : i32
    %dma_start3A_1179 = arith.constant 0 : i32
    %dma_start3A_1180 = arith.constant 0 : i32
    %dma_start3A_1181 = tpu.memref_slice %arg7[%dma_start3A_1179, %dma_start3A_1180] : memref<16x1024xf32, #tpu.memory_space<vmem>> -> memref<16x1024xf32, #tpu.memory_space<vmem>>
    %dma_start3A_1182 = arith.constant 0 : i32
    %dma_start3A_1183 = tpu.memref_slice %arg4[%add3A_1178, %dma_start3A_1182] : memref<16384x1024xf32, #tpu.memory_space<hbm>> -> memref<16x1024xf32, #tpu.memory_space<hbm>>
    %dma_start3A_1184 = arith.constant 0 : i32
    %dma_start3A_1185 = tpu.memref_slice %arg4[%add3A_1178, %dma_start3A_1184] : memref<16384x1024xf32, #tpu.memory_space<hbm>> -> memref<16x1024xf32, #tpu.memory_space<hbm>>
    %dma_start3A_1186 = arith.constant 0 : i32
    %dma_start3A_1187 = arith.constant 0 : i32
    %dma_start3A_1188 = tpu.memref_slice %arg7[%dma_start3A_1186, %dma_start3A_1187] : memref<16x1024xf32, #tpu.memory_space<vmem>> -> memref<16x1024xf32, #tpu.memory_space<vmem>>
    tpu.enqueue_dma source(%dma_start3A_1188 : memref<16x1024xf32, #tpu.memory_space<vmem>>) target(%dma_start3A_1185 : memref<16x1024xf32, #tpu.memory_space<hbm>>) target_semaphore(%arg19 : memref<!tpu.dma_semaphore, #tpu.memory_space<semaphore_mem>>)
    %dma_wait3A_1189 = arith.constant 0 : i32
    %dma_wait3A_1190 = arith.constant 0 : i32
    %dma_wait3A_1191 = tpu.memref_slice %arg6[%dma_wait3A_1189, %dma_wait3A_1190] : memref<16x1024xf32, #tpu.memory_space<vmem>> -> memref<16x1024xf32, #tpu.memory_space<vmem>>
    %dma_wait3A_1192 = arith.constant 0 : i32
    %dma_wait3A_1193 = tpu.memref_slice %arg4[%add3A_1158, %dma_wait3A_1192] : memref<16384x1024xf32, #tpu.memory_space<hbm>> -> memref<16x1024xf32, #tpu.memory_space<hbm>>
    %dma_wait3A_1194 = arith.constant 0 : i32
    %dma_wait3A_1195 = tpu.memref_slice %arg4[%add3A_1158, %dma_wait3A_1194] : memref<16384x1024xf32, #tpu.memory_space<hbm>> -> memref<16x1024xf32, #tpu.memory_space<hbm>>
    %dma_wait3A_1196 = arith.constant 0 : i32
    %dma_wait3A_1197 = arith.constant 0 : i32
    %dma_wait3A_1198 = tpu.memref_slice %arg6[%dma_wait3A_1196, %dma_wait3A_1197] : memref<16x1024xf32, #tpu.memory_space<vmem>> -> memref<16x1024xf32, #tpu.memory_space<vmem>>
    tpu.wait_dma2 semaphore(%arg18 : memref<!tpu.dma_semaphore, #tpu.memory_space<semaphore_mem>>) src(%dma_wait3A_1198 : memref<16x1024xf32, #tpu.memory_space<vmem>>) dst(%dma_wait3A_1195 : memref<16x1024xf32, #tpu.memory_space<hbm>>)
    %dma_wait3A_1199 = arith.constant 0 : i32
    %dma_wait3A_1200 = arith.constant 0 : i32
    %dma_wait3A_1201 = tpu.memref_slice %arg7[%dma_wait3A_1199, %dma_wait3A_1200] : memref<16x1024xf32, #tpu.memory_space<vmem>> -> memref<16x1024xf32, #tpu.memory_space<vmem>>
    %dma_wait3A_1202 = arith.constant 0 : i32
    %dma_wait3A_1203 = tpu.memref_slice %arg4[%add3A_1178, %dma_wait3A_1202] : memref<16384x1024xf32, #tpu.memory_space<hbm>> -> memref<16x1024xf32, #tpu.memory_space<hbm>>
    %dma_wait3A_1204 = arith.constant 0 : i32
    %dma_wait3A_1205 = tpu.memref_slice %arg4[%add3A_1178, %dma_wait3A_1204] : memref<16384x1024xf32, #tpu.memory_space<hbm>> -> memref<16x1024xf32, #tpu.memory_space<hbm>>
    %dma_wait3A_1206 = arith.constant 0 : i32
    %dma_wait3A_1207 = arith.constant 0 : i32
    %dma_wait3A_1208 = tpu.memref_slice %arg7[%dma_wait3A_1206, %dma_wait3A_1207] : memref<16x1024xf32, #tpu.memory_space<vmem>> -> memref<16x1024xf32, #tpu.memory_space<vmem>>
    tpu.wait_dma2 semaphore(%arg19 : memref<!tpu.dma_semaphore, #tpu.memory_space<semaphore_mem>>) src(%dma_wait3A_1208 : memref<16x1024xf32, #tpu.memory_space<vmem>>) dst(%dma_wait3A_1205 : memref<16x1024xf32, #tpu.memory_space<hbm>>)
    %dma_wait3A_1209 = arith.constant 0 : i32
    %dma_wait3A_1210 = arith.constant 0 : i32
    %dma_wait3A_1211 = tpu.memref_slice %arg8[%dma_wait3A_1209, %dma_wait3A_1210] : memref<16x1024xf32, #tpu.memory_space<vmem>> -> memref<16x1024xf32, #tpu.memory_space<vmem>>
    %dma_wait3A_1212 = arith.constant 0 : i32
    %dma_wait3A_1213 = tpu.memref_slice %arg4[%add3A_1060, %dma_wait3A_1212] : memref<16384x1024xf32, #tpu.memory_space<hbm>> -> memref<16x1024xf32, #tpu.memory_space<hbm>>
    %dma_wait3A_1214 = arith.constant 0 : i32
    %dma_wait3A_1215 = tpu.memref_slice %arg4[%add3A_1060, %dma_wait3A_1214] : memref<16384x1024xf32, #tpu.memory_space<hbm>> -> memref<16x1024xf32, #tpu.memory_space<hbm>>
    %dma_wait3A_1216 = arith.constant 0 : i32
    %dma_wait3A_1217 = arith.constant 0 : i32
    %dma_wait3A_1218 = tpu.memref_slice %arg8[%dma_wait3A_1216, %dma_wait3A_1217] : memref<16x1024xf32, #tpu.memory_space<vmem>> -> memref<16x1024xf32, #tpu.memory_space<vmem>>
    tpu.wait_dma2 semaphore(%arg20 : memref<!tpu.dma_semaphore, #tpu.memory_space<semaphore_mem>>) src(%dma_wait3A_1218 : memref<16x1024xf32, #tpu.memory_space<vmem>>) dst(%dma_wait3A_1215 : memref<16x1024xf32, #tpu.memory_space<hbm>>)
    %dma_wait3A_1219 = arith.constant 0 : i32
    %dma_wait3A_1220 = arith.constant 0 : i32
    %dma_wait3A_1221 = tpu.memref_slice %arg9[%dma_wait3A_1219, %dma_wait3A_1220] : memref<16x1024xf32, #tpu.memory_space<vmem>> -> memref<16x1024xf32, #tpu.memory_space<vmem>>
    %dma_wait3A_1222 = arith.constant 0 : i32
    %dma_wait3A_1223 = tpu.memref_slice %arg4[%add3A_1098, %dma_wait3A_1222] : memref<16384x1024xf32, #tpu.memory_space<hbm>> -> memref<16x1024xf32, #tpu.memory_space<hbm>>
    %dma_wait3A_1224 = arith.constant 0 : i32
    %dma_wait3A_1225 = tpu.memref_slice %arg4[%add3A_1098, %dma_wait3A_1224] : memref<16384x1024xf32, #tpu.memory_space<hbm>> -> memref<16x1024xf32, #tpu.memory_space<hbm>>
    %dma_wait3A_1226 = arith.constant 0 : i32
    %dma_wait3A_1227 = arith.constant 0 : i32
    %dma_wait3A_1228 = tpu.memref_slice %arg9[%dma_wait3A_1226, %dma_wait3A_1227] : memref<16x1024xf32, #tpu.memory_space<vmem>> -> memref<16x1024xf32, #tpu.memory_space<vmem>>
    tpu.wait_dma2 semaphore(%arg21 : memref<!tpu.dma_semaphore, #tpu.memory_space<semaphore_mem>>) src(%dma_wait3A_1228 : memref<16x1024xf32, #tpu.memory_space<vmem>>) dst(%dma_wait3A_1225 : memref<16x1024xf32, #tpu.memory_space<hbm>>)
    %dma_wait3A_1229 = arith.constant 0 : i32
    %dma_wait3A_1230 = arith.constant 0 : i32
    %dma_wait3A_1231 = tpu.memref_slice %arg10[%dma_wait3A_1229, %dma_wait3A_1230] : memref<16x1024xf32, #tpu.memory_space<vmem>> -> memref<16x1024xf32, #tpu.memory_space<vmem>>
    %dma_wait3A_1232 = arith.constant 0 : i32
    %dma_wait3A_1233 = tpu.memref_slice %arg4[%add3A_1118, %dma_wait3A_1232] : memref<16384x1024xf32, #tpu.memory_space<hbm>> -> memref<16x1024xf32, #tpu.memory_space<hbm>>
    %dma_wait3A_1234 = arith.constant 0 : i32
    %dma_wait3A_1235 = tpu.memref_slice %arg4[%add3A_1118, %dma_wait3A_1234] : memref<16384x1024xf32, #tpu.memory_space<hbm>> -> memref<16x1024xf32, #tpu.memory_space<hbm>>
    %dma_wait3A_1236 = arith.constant 0 : i32
    %dma_wait3A_1237 = arith.constant 0 : i32
    %dma_wait3A_1238 = tpu.memref_slice %arg10[%dma_wait3A_1236, %dma_wait3A_1237] : memref<16x1024xf32, #tpu.memory_space<vmem>> -> memref<16x1024xf32, #tpu.memory_space<vmem>>
    tpu.wait_dma2 semaphore(%arg22 : memref<!tpu.dma_semaphore, #tpu.memory_space<semaphore_mem>>) src(%dma_wait3A_1238 : memref<16x1024xf32, #tpu.memory_space<vmem>>) dst(%dma_wait3A_1235 : memref<16x1024xf32, #tpu.memory_space<hbm>>)
    %dma_wait3A_1239 = arith.constant 0 : i32
    %dma_wait3A_1240 = arith.constant 0 : i32
    %dma_wait3A_1241 = tpu.memref_slice %arg11[%dma_wait3A_1239, %dma_wait3A_1240] : memref<16x1024xf32, #tpu.memory_space<vmem>> -> memref<16x1024xf32, #tpu.memory_space<vmem>>
    %dma_wait3A_1242 = arith.constant 0 : i32
    %dma_wait3A_1243 = tpu.memref_slice %arg4[%add3A_1138, %dma_wait3A_1242] : memref<16384x1024xf32, #tpu.memory_space<hbm>> -> memref<16x1024xf32, #tpu.memory_space<hbm>>
    %dma_wait3A_1244 = arith.constant 0 : i32
    %dma_wait3A_1245 = tpu.memref_slice %arg4[%add3A_1138, %dma_wait3A_1244] : memref<16384x1024xf32, #tpu.memory_space<hbm>> -> memref<16x1024xf32, #tpu.memory_space<hbm>>
    %dma_wait3A_1246 = arith.constant 0 : i32
    %dma_wait3A_1247 = arith.constant 0 : i32
    %dma_wait3A_1248 = tpu.memref_slice %arg11[%dma_wait3A_1246, %dma_wait3A_1247] : memref<16x1024xf32, #tpu.memory_space<vmem>> -> memref<16x1024xf32, #tpu.memory_space<vmem>>
    tpu.wait_dma2 semaphore(%arg23 : memref<!tpu.dma_semaphore, #tpu.memory_space<semaphore_mem>>) src(%dma_wait3A_1248 : memref<16x1024xf32, #tpu.memory_space<vmem>>) dst(%dma_wait3A_1245 : memref<16x1024xf32, #tpu.memory_space<hbm>>)
    return
  }
}

</mosaic_0001>

<sc_bundles>
// kernel: kernel.3.cloned.1.call-start
scs
__scs_entry_jumppad:
0x0: {  	(pc) =	sbr.rel $0x88, $3  }
0x1: {  	(tag) =	ssettag $0x0;
	lr =	simm.s32 $0x1  }
0x2: {  	[smem:$0x3F9F] =	sst lr;
	_ =	strace $0xD0000000  }
0x3: {  	_ = 	snop  }
0x4: {  	_ = 	snop  }
0x5: {  	_ = 	snop  }
0x6: {  	_ = 	snop  }
0x7: {  	_ = 	snop  }
__scs_overlays_trampoline_lowered:
0x8: {  	[smem:$0x3FAE] =	sst s0  }
0x9: {  	[smem:$0x3FAF] =	sst s1  }
0xa: {  	[smem:$0x3FB0] =	sst s2  }
0xb: {  	[smem:$0x3FB1] =	sst s3  }
0xc: {  	[smem:$0x3FB2] =	sst s4  }
0xd: {  	[smem:$0x3FB3] =	sst s5  }
0xe: {  	[smem:$0x3FB4] =	sst s6  }
0xf: {  	[smem:$0x3FB5] =	sst s7  }
0x10: {  	[smem:$0x3FB6] =	sst s8  }
0x11: {  	[smem:$0x3FB7] =	sst s9;
	s0 =	simm.s32 @!p0 $0x0  }
0x12: {  	s1 =	sld [smem:$0x3F9D];
	s0 =	simm.s32 @p0 $0x1  }
0x13: {  	[smem:$0x3FB8] =	sst s0;
	s0 =	simm.s32 @!p1 $0x0  }
0x14: {  	s2 =	sld [smem:$0x3F9C];
	s0 =	simm.s32 @p1 $0x1  }
0x15: {  	[smem:$0x3FB9] =	sst s0;
	s0 =	simm.s32 @!p2 $0x0  }
0x16: {  	s3 =	sld [smem:$0x3FDB];
	s0 =	simm.s32 @p2 $0x1  }
0x17: {  	s4 =	simm.s32 $0x1BF5;
	[smem:$0x3FBB] =	sst s0  }
0x18: {  	s0 =	sld [smem:$0x3F9E];
	_ =	swait.ge [sflag:s4], $0x0  }
0x19: {  	s7 =	sld [smem:$0x3F9F]  }
0x1a: {  	s8 =	sadd.s32 $0xFFFFE003, lr  }
0x1b: {  	s9 =	sadd.s32 $0xFFFFFEF7, lr;
	s5 =	simm.s32 $0xFFFFFFFF;
	p2 =	slt.u32 s8, $0xFFFFF086  }
0x1c: {  	p1 =	slt.u32 s9, $0xF7A;
	s5 =	simm.s32 @!p2 $0x0  }
0x1d: {  	s5 =	simm.s32 @p1 $0x1;
	p0 =	seq.s32 s7, s2  }
0x1e: {  	s7 =	smul.u32 @!p0 $0xF7A, s2;
	p2 =	seq.s32 @!p0 s5, $0x0  }
0x1f: {  	s9 =	smul.u32 $0xF7A, s1;
	s8 =	simm.s32 @!p0 $0x1BF5;
	p2 =	por !p2, p0  }
0x20: {  	[sflag:s8] =	ssyncset.s32 @!p0 $0xFFFFF086;
	s6 =	sadd.s32 @!p0 s3, s7;
	s7 =	simm.s32 @!p0 $0x108  }
0x21: {  	s3 =	sadd.s32 s3, s9;
	s6 =	sadd.s32 @!p0 $0x88, s6;
	s7 =	simm.s32 @p2 $0x1082  }
0x22: {  	[simem:s7], [sflag:s8] =	dma.local @!p0 [hbm:s6], $0xF7A  }
0x23: {  	s9 =	sor.u32 $0xD0000000, s2;
	s6 =	simm.s32 $0x108;
	_ =	swait.ge @!p0 [sflag:s8], $0x0  }
0x24: {  	s3 =	sadd.s32 $0x88, s3;
	s6 =	simm.s32 @!p1 $0x1082;
	[sflag:s4] =	ssyncset.s32 $0xFFFFF086  }
0x25: {  	[simem:s6], [sflag:s4] =	dma.local [hbm:s3], $0xF7A  }
0x26: {  	[smem:$0x3F9F] =	sst s1;
	(tag) =	ssettag s2;
	_ =	strace s9  }
0x27: {  	s1 =	sld [smem:$0x3FAF]  }
0x28: {  	s2 =	sld [smem:$0x3FB0]  }
0x29: {  	s4 =	sld [smem:$0x3FB2]  }
0x2a: {  	p0 =	seq.s32 s5, $0x0;
	s5 =	sld [smem:$0x3FB3]  }
0x2b: {  	s6 =	sld [smem:$0x3FB4]  }
0x2c: {  	s7 =	sld [smem:$0x3FB5]  }
0x2d: {  	s3 =	simm.s32 $0x108;
	s8 =	sld [smem:$0x3FB6]  }
0x2e: {  	s3 =	simm.s32 @!p0 $0x1082;
	s9 =	sld [smem:$0x3FB7]  }
0x2f: {  	lr =	sadd.s32 s0, s3;
	s0 =	sld [smem:$0x3FAE]  }
0x30: {  	s3 =	sld [smem:$0x3FB1]  }
0x31: {  	[smem:$0x3FBA] =	sst s10  }
0x32: {  	s10 =	sld [smem:$0x3FB8];
	_ =	sdelay $0x3  }
0x33: {  	p0 =	seq.s32 s10, $0x1;
	s10 =	sld [smem:$0x3FBA];
	_ =	sdelay $0x3  }
0x34: {  	[smem:$0x3FBA] =	sst s10  }
0x35: {  	s10 =	sld [smem:$0x3FB9];
	_ =	sdelay $0x3  }
0x36: {  	p1 =	seq.s32 s10, $0x1;
	s10 =	sld [smem:$0x3FBA];
	_ =	sdelay $0x3  }
0x37: {  	[smem:$0x3FBA] =	sst s10  }
0x38: {  	s10 =	sld [smem:$0x3FBB]  }
0x39: {  	_ = 	snop;
	(pc) =	sbr.ind lr, $3  }
0x3a: {  	_ = 	snop  }
0x3b: {  	_ = 	snop  }
0x3c: {  	p2 =	seq.s32 s10, $0x1;
	s10 =	sld [smem:$0x3FBA]  }
0x3d: {  	_ =	shalt  }
0x3e: {  	_ =	shalt  }
0x3f: {  	_ =	shalt  }
0x40: {  	_ =	shalt  }
0x41: {  	_ =	shalt  }
0x42: {  	_ =	shalt  }
0x43: {  	_ =	shalt  }
0x44: {  	_ =	shalt  }
0x45: {  	_ =	shalt  }
0x46: {  	_ =	shalt  }
0x47: {  	_ =	shalt  }
0x48: {  	_ =	shalt  }
0x49: {  	_ =	shalt  }
0x4a: {  	_ =	shalt  }
0x4b: {  	_ =	shalt  }
0x4c: {  	_ =	shalt  }
0x4d: {  	_ =	shalt  }
0x4e: {  	_ =	shalt  }
0x4f: {  	_ =	shalt  }
0x50: {  	_ =	shalt  }
0x51: {  	_ =	shalt  }
0x52: {  	_ =	shalt  }
0x53: {  	_ =	shalt  }
0x54: {  	_ =	shalt  }
0x55: {  	_ =	shalt  }
0x56: {  	_ =	shalt  }
0x57: {  	_ =	shalt  }
0x58: {  	_ =	shalt  }
0x59: {  	_ =	shalt  }
0x5a: {  	_ =	shalt  }
0x5b: {  	_ =	shalt  }
0x5c: {  	_ =	shalt  }
0x5d: {  	_ =	shalt  }
0x5e: {  	_ =	shalt  }
0x5f: {  	_ =	shalt  }
0x60: {  	_ =	shalt  }
0x61: {  	_ =	shalt  }
0x62: {  	_ =	shalt  }
0x63: {  	_ =	shalt  }
0x64: {  	_ =	shalt  }
0x65: {  	_ =	shalt  }
0x66: {  	_ =	shalt  }
0x67: {  	_ =	shalt  }
0x68: {  	_ =	shalt  }
0x69: {  	_ =	shalt  }
0x6a: {  	_ =	shalt  }
0x6b: {  	_ =	shalt  }
0x6c: {  	_ =	shalt  }
0x6d: {  	_ =	shalt  }
0x6e: {  	_ =	shalt  }
0x6f: {  	_ =	shalt  }
0x70: {  	_ =	shalt  }
0x71: {  	_ =	shalt  }
0x72: {  	_ =	shalt  }
0x73: {  	_ =	shalt  }
0x74: {  	_ =	shalt  }
0x75: {  	_ =	shalt  }
0x76: {  	_ =	shalt  }
0x77: {  	_ =	shalt  }
0x78: {  	_ =	shalt  }
0x79: {  	_ =	shalt  }
0x7a: {  	_ =	shalt  }
0x7b: {  	_ =	shalt  }
0x7c: {  	_ =	shalt  }
0x7d: {  	_ =	shalt  }
0x7e: {  	_ =	shalt  }
0x7f: {  	_ =	shalt  }
0x80: {  	_ =	shalt  }
0x81: {  	_ =	shalt  }
0x82: {  	_ =	shalt  }
0x83: {  	_ =	shalt  }
0x84: {  	_ =	shalt  }
0x85: {  	_ =	shalt  }
0x86: {  	_ =	shalt  }
0x87: {  	_ =	shalt  }
.Lfunc_end0:
.L_simem_size_0:
called_computation_lowered:
.L_overlay_start_0:
0x88: {  	s2 =	sld [smem:$0x3FD9]  }
0x89: {  	s3 =	sld [smem:$0x3FFE];
	_ =	sdelay $0x1  }
0x8a: {  	s1 =	srdreg.scid  }
0x8b: {  	s0 =	sand.u32 $0x1, s1  }
0x8c: {  	s18 =	sshll.u32 s0, $0xA;
	s2 =	sadd.s32 s3, s2  }
0x8d: {  	s2 =	sadd.s32 s2, s18  }
0x8e: {  	[smem:$0x3FC6] =	sst s2  }
0x8f: {  	_ = 	snop  }
0x90: {  	s2 =	sld [smem:$0x3FC9]  }
0x91: {  	s19 =	sld [smem:$0x3FC8]  }
0x92: {  	s4 =	sld [smem:$0x3FD0];
	(tm) =	ssettm $0x1  }
0x93: {  	s5 =	sld [smem:$0x3FFB];
	_ =	sdelay $0x3  }
0x94: {  	_ =	strace s5  }
0x95: {  	s5 =	sld [smem:$0x3FFC];
	_ =	sdelay $0x3  }
0x96: {  	_ =	strace s5  }
0x97: {  	s5 =	sld [smem:$0x3FFD];
	_ =	sdelay $0x3  }
0x98: {  	_ =	strace s5  }
0x99: {  	_ =	strace $0x8FFFFFFF  }
0x9a: {  	s20 =	sld [smem:$0x3FDB];
	_ =	sdelay $0x1  }
0x9b: {  	s6 =	simm.s32 $_scs_section_size  }
0x9c: {  	s7 =	simm.s32 $_size__tile_overlayer_lowered;
	s8 =	simm.s32 $_tile_overlayer_lowered  }
0x9d: {  	s23 =	simm.s32 $0x1BFF;
	s22 =	sshll.u32 s8, $0x1;
	s5 =	sadd.s32 s6, s20  }
0x9e: {  	s9 =	simm.s32 $0x0;
	s21 =	sshll.u32 s7, $0x1;
	s7 =	sadd.s32 s22, s5  }
0x9f: {  	[timem:s9], [sflag:s23] =	dma.local [hbm:s7], s21  }
0xa0: {  	_ =	swait.ge [sflag:s23], s21  }
0xa1: {  	s6 =	ssub.s32 $0x0, s21;
	[sflag:s23] =	ssyncset.done $0x0  }
0xa2: {  	[sflag:s23] =	ssyncadd.s32 s6;
	_ =	sdelay $0x1  }
0xa3: {  	s24 =	simm.s32 $0x1B8B  }
0xa4: {  	_ =	swait.ge [sflag:s24], $0x1  }
0xa5: {  	[sflag:s24] =	ssyncset.done $0x0  }
0xa6: {  	s25 =	simm.s32 $0x1B8E;
	[sflag:s24] =	ssyncadd.s32 $0xFFFFFFFF  }
0xa7: {  	s26 =	simm.s32 $execute0_lowered;
	[smem:$0x3FD2] =	sst s25  }
0xa8: {  	s6 =	sshll.u32 s26, $0x1;
	_ =	strace $0x80000046;
	[dreg:$0x1] =	wrdreg $0xFFFFFFFF  }
0xa9: {  	s28 =	simm.s32 $_size_execute0_lowered;
	s5 =	sadd.s32 s5, s6;
	[dreg:$0x0] =	wrdreg $0x0  }
0xaa: {  	s6 =	sshll.u32 s28, $0x1;
	[dreg:$0x2] =	wrdreg s5  }
0xab: {  	[dreg:$0x3] =	wrdreg s6  }
0xac: {  	[dreg:$0x4] =	wrdreg $0xC0  }
0xad: {  	_ =	task [dreg:s9], $0x5FFFF  }
0xae: {  	[dreg:$0x1] =	wrdreg $0xFFFFFFFF  }
0xaf: {  	[dreg:$0x0] =	wrdreg $0x60  }
0xb0: {  	[dreg:$0x2] =	wrdreg s19  }
0xb1: {  	[dreg:$0x3] =	wrdreg s2  }
0xb2: {  	[dreg:$0x4] =	wrdreg s4  }
0xb3: {  	[dreg:$0x5] =	wrdreg $0x9  }
0xb4: {  	_ =	task.clear_ibuf [dreg:s9], $0x6FFFF;
	_ =	strace $0x90000046  }
0xb5: {  	s29 =	simm.s32 $0x9;
	_ =	strace $0x80000048  }
0xb6: {  	_ =	swait.ge [sflag:s29], $0x1  }
0xb7: {  	[sflag:s29] =	ssyncadd.s32 $0xFFFFFFFF  }
0xb8: {  	_ =	strace $0x90000048  }
0xb9: {  	_ =	sfence  }
0xba: {  	s30 =	sld [smem:$0x0];
	_ =	sdelay $0x2  }
0xbb: {  	s31 =	sshll.u32 s1, $0xD;
	s1 =	sshrl.u32 s1, $0x2  }
0xbc: {  	s3 =	sand.u32 $0x4000, s31;
	s1 =	sadd.s32 s1, s30  }
0xbd: {  	s0 =	sor.u32 s3, s0;
	s1 =	sshll.u32 s1, $0x11  }
0xbe: {  	s0 =	sor.u32 s1, s0  }
0xbf: {  	s0 =	sadd.s32 $0x8F2B, s0  }
0xc0: {  	[sflag:s0] =	ssyncadd.remote.s32 $0x1  }
0xc1: {  	_ =	sfence.sel $0xFFFF  }
0xc2: {  	[dreg:$0x0] =	wrdreg $0xFFFFFFFF;
	(pc) =	sbr.abs _section_cstart, $3  }
0xc3: {  	[dreg:$0x1] =	wrdreg $0xFFFFFFFF  }
0xc4: {  	_ =	task.clear_ibuf [dreg:s9], $0x2FFFF;
	_ =	strace $0x9FFFFFFF  }
0xc5: {  	(tm) =	ssettm $0x7FFFFFFF  }
tec
execute0_lowered:
.L_overlay_start_1:
0x0: {  	(tag) =	ssettag $0x1  }
0x1: {  	s1 =	rddreg [dreg:$0x0]  }
0x2: {  	s2 =	rddreg [dreg:$0x1];
	s0 =	srdreg.scid  }
0x3: {  	s3 =	stileid.u32;
	s4 =	rddreg [dreg:$0x2]  }
0x4: {  	s0 =	sand.u32 $0x1, s0;
	s5 =	sshll.u32 s3, $0x1;
	s3 =	simm.s32 $0x0  }
0x5: {  	s6 =	sor.u32 s0, s5;
	[smem:$0x7FF] =	sst s3  }
0x6: {  	s5 =	sand.u32 $0x10, s5;
	s7 =	sshll.u32 s6, $0x7;
	s18 =	sshll.u32 s6, $0x10  }
0x7: {  	s2 =	sadd.s32 s2, s5;
	s7 =	sand.u32 $0x780, s7;
	s6 =	sadd.s32 s4, s18  }
0x8: {  	_ =	strace $0x80000047;
	s2 =	sadd.s32 s7, s2;
	[smem:$0x7FA] =	sst s6  }
0x9: {  	s19 =	sadd.s32 $0x800, s6;
	[dreg:$0x4] =	wrdreg s2  }
0xa: {  	s20 =	sadd.s32 $0x1000, s6;
	[dreg:$0x5] =	wrdreg s19  }
0xb: {  	s21 =	sadd.s32 $0x1800, s6;
	[dreg:$0x6] =	wrdreg s20  }
0xc: {  	s22 =	sadd.s32 $0x2000, s6;
	[dreg:$0x7] =	wrdreg s21  }
0xd: {  	s23 =	sadd.s32 $0x2800, s6;
	[dreg:$0x8] =	wrdreg s22  }
0xe: {  	s24 =	sadd.s32 $0x3000, s6;
	[dreg:$0x9] =	wrdreg s23  }
0xf: {  	s25 =	sadd.s32 $0x3800, s6;
	[dreg:$0xa] =	wrdreg s24  }
0x10: {  	s26 =	sadd.s32 $0x4000, s6;
	[dreg:$0xb] =	wrdreg s25  }
0x11: {  	s28 =	sadd.s32 $0x4800, s6;
	[dreg:$0xc] =	wrdreg s26  }
0x12: {  	s31 =	sadd.s32 $0x5000, s6;
	[dreg:$0xd] =	wrdreg s28  }
0x13: {  	s4 =	sadd.s32 $0x5800, s6;
	[dreg:$0xe] =	wrdreg s31  }
0x14: {  	s5 =	sadd.s32 $0x6000, s6;
	[dreg:$0xf] =	wrdreg s4  }
0x15: {  	s7 =	sadd.s32 $0x6800, s6;
	[dreg:$0x10] =	wrdreg s5  }
0x16: {  	s8 =	sadd.s32 $0x7000, s6;
	[dreg:$0x11] =	wrdreg s7  }
0x17: {  	s9 =	sadd.s32 $0x7800, s6;
	[dreg:$0x12] =	wrdreg s8  }
0x18: {  	s10 =	sadd.s32 $0x8000, s6;
	[dreg:$0x13] =	wrdreg s9  }
0x19: {  	s11 =	sadd.s32 $0x8800, s6;
	[dreg:$0x14] =	wrdreg s10  }
0x1a: {  	s12 =	sadd.s32 $0x9000, s6;
	[dreg:$0x15] =	wrdreg s11  }
0x1b: {  	s13 =	sadd.s32 $0x9800, s6;
	[dreg:$0x16] =	wrdreg s12  }
0x1c: {  	s14 =	sadd.s32 $0xA000, s6;
	[dreg:$0x17] =	wrdreg s13  }
0x1d: {  	s15 =	sadd.s32 $0xA800, s6;
	[dreg:$0x18] =	wrdreg s14  }
0x1e: {  	s16 =	sadd.s32 $0xB000, s6;
	[dreg:$0x19] =	wrdreg s15  }
0x1f: {  	s30 =	simm.s32 $0x1;
	s17 =	sadd.s32 $0xB800, s6;
	[dreg:$0x1a] =	wrdreg s16  }
0x20: {  	s29 =	simm.s32 $0x2;
	s18 =	sadd.s32 $0xC000, s6;
	[dreg:$0x1b] =	wrdreg s17  }
0x21: {  	s0 =	ssub.s32 $0x2, s0;
	[dreg:$0x1c] =	wrdreg s18;
	s19 =	sadd.s32 $0xC800, s6  }
0x22: {  	s20 =	sadd.s32 $0xD000, s6;
	s21 =	sadd.s32 $0xD800, s6;
	s22 =	sadd.s32 $0xE000, s6  }
0x23: {  	s23 =	sshrl.u32 s0, $0x1;
	s24 =	sadd.s32 $0xE800, s6;
	s25 =	sadd.s32 $0xF000, s6  }
0x24: {  	s5 =	sadd.s32 $0x100, s1;
	s26 =	sadd.s32 $0xF800, s6;
	[dreg:$0x1d] =	wrdreg s19  }
0x25: {  	s6 =	sadd.s32 $0x200, s1;
	s28 =	simm.s32 $0x80;
	[dreg:$0x1e] =	wrdreg s20  }
0x26: {  	s7 =	sadd.s32 $0x300, s1;
	s31 =	simm.s32 $0x100;
	[dreg:$0x1f] =	wrdreg s21  }
0x27: {  	s2 =	simm.s32 $0x7;
	s9 =	simm.s32 $0x8;
	[smem:$0x7F7] =	sst s22  }
0x28: {  	s11 =	simm.s32 $0x4;
	s12 =	simm.s32 $0x9;
	[smem:$0x7F8] =	sst s24  }
0x29: {  	s13 =	simm.s32 $0x5;
	s14 =	simm.s32 $0xA;
	[smem:$0x7F9] =	sst s25  }
0x2a: {  	v2 =	vlaneseq.u32;
	s15 =	simm.s32 $0x6;
	s16 =	simm.s32 $0xB;
	[smem:$0x7FB] =	sst s26  }
0x2b: {  	vm0 =	vmmov $0xffff;
	v1 =	vshrl.u32 v2, $0x3;
	s17 =	simm.s32 $0xC;
	s0 =	ssub.s32 s0, s23;
	[smem:$0x7FC] =	sst s28  }
0x2c: {  	v0 =	vand.u32 $0x7, v2;
	v2 =	vor.u32 $0x8, v2;
	v1 =	vmul.u32 $0x8, v1;
	[smem:$0x7FD] =	sst s31;
	s26 =	simm.s32 $0x3;
	s4 =	smax.u32 s0, $0x1  }
.LBB2_1:
0x2d: {  	s20 =	sld [smem:$0x7FC]  }
0x2e: {  	s21 =	sld [smem:$0x7FD]  }
0x2f: {  	[smem:$0x7F6] =	sst s4  }
0x30: {  	s19 =	rddreg [dreg:$0x4];
	s22 =	simm.s32 $0xD  }
0x31: {  	[tilespmem:s3], [sflag:$0xD] =	stream.strided.gather [hbm4b:s19+s20], $0x200, s21, s20, $0x38;
	[tilespmem:$0x18200] =	vst v63  }
0x32: {  	_ =	swait.ge [sflag:s22], $0x200  }
0x33: {  	[sflag:s22] =	ssyncset.done $0x0  }
0x34: {  	[sflag:s22] =	ssyncadd.s32 $0xFFFFFE00  }
0x35: {  	v3 =	vld [tilespmem:$0x0];
	_ =	sdelay $0x4  }
0x36: {  	v4 =	vshll.u32 v3, $0x3  }
0x37: {  	v3 =	vand.u32 $0x7, v3;
	v4 =	vand.u32 $0xFFFFFFC0, v4  }
0x38: {  	v3 =	vor.u32 v3, v4  }
0x39: {  	v4 =	vperm.xlane v3, v0;
	_ =	sdelay $0x1  }
0x3a: {  	v4 =	vadd.s32 v1, v4;
	_ =	sdelay $0x3  }
0x3b: {  	s23 =	simm.s32 $0x200  }
0x3c: {  	[tilespmem:s23], [sflag:$0x1] =	stream.indirect_vreg.gather [hbm4b:s1+s3], $0x80, v4, vm0, $0xb8;
	[tilespmem:$0x18200] =	vst v63  }
0x3d: {  	s24 =	simm.s32 $0xA00;
	v3 =	vperm.xlane v3, v2  }
0x3e: {  	[tilespmem:s24], [sflag:$0x1] =	stream.indirect_vreg.gather [hbm4b:s5+s3], $0x80, v4, vm0, $0xb8;
	[tilespmem:$0x18200] =	vst v63  }
0x3f: {  	s25 =	simm.s32 $0x1200;
	v3 =	vadd.s32 v1, v3  }
0x40: {  	[tilespmem:s25], [sflag:$0x1] =	stream.indirect_vreg.gather [hbm4b:s6+s3], $0x80, v4, vm0, $0xb8;
	[tilespmem:$0x18200] =	vst v63  }
0x41: {  	s28 =	simm.s32 $0x1A00  }
0x42: {  	[tilespmem:s28], [sflag:$0x1] =	stream.indirect_vreg.gather [hbm4b:s7+s3], $0x80, v4, vm0, $0xb8;
	[tilespmem:$0x18200] =	vst v63  }
0x43: {  	s31 =	simm.s32 $0x2200  }
0x44: {  	[tilespmem:s31], [sflag:$0x1] =	stream.indirect_vreg.gather [hbm4b:s1+s3], $0x80, v3, vm0, $0xb8;
	[tilespmem:$0x18200] =	vst v63  }
0x45: {  	s0 =	simm.s32 $0x2A00  }
0x46: {  	[tilespmem:s0], [sflag:$0x1] =	stream.indirect_vreg.gather [hbm4b:s5+s3], $0x80, v3, vm0, $0xb8;
	[tilespmem:$0x18200] =	vst v63  }
0x47: {  	s10 =	simm.s32 $0x3200  }
0x48: {  	[tilespmem:s10], [sflag:$0x1] =	stream.indirect_vreg.gather [hbm4b:s6+s3], $0x80, v3, vm0, $0xb8;
	[tilespmem:$0x18200] =	vst v63  }
0x49: {  	s19 =	simm.s32 $0x3A00  }
0x4a: {  	[tilespmem:s19], [sflag:$0x1] =	stream.indirect_vreg.gather [hbm4b:s7+s3], $0x80, v3, vm0, $0xb8;
	[tilespmem:$0x18200] =	vst v63  }
0x4b: {  	v3 =	vld [tilespmem:$0x10];
	_ =	sdelay $0x4  }
0x4c: {  	v33 =	vshll.u32 v3, $0x3  }
0x4d: {  	v3 =	vand.u32 $0x7, v3;
	v4 =	vand.u32 $0xFFFFFFC0, v33  }
0x4e: {  	v3 =	vor.u32 v3, v4  }
0x4f: {  	v4 =	vperm.xlane v3, v0;
	_ =	sdelay $0x1  }
0x50: {  	v4 =	vadd.s32 v1, v4;
	_ =	sdelay $0x3  }
0x51: {  	s20 =	simm.s32 $0x4200  }
0x52: {  	[tilespmem:s20], [sflag:$0x2] =	stream.indirect_vreg.gather [hbm4b:s1+s3], $0x80, v4, vm0, $0xb8;
	[tilespmem:$0x18200] =	vst v63  }
0x53: {  	s21 =	simm.s32 $0x4A00;
	v3 =	vperm.xlane v3, v2  }
0x54: {  	[tilespmem:s21], [sflag:$0x2] =	stream.indirect_vreg.gather [hbm4b:s5+s3], $0x80, v4, vm0, $0xb8;
	[tilespmem:$0x18200] =	vst v63  }
0x55: {  	s28 =	simm.s32 $0x5200;
	v3 =	vadd.s32 v1, v3  }
0x56: {  	[tilespmem:s28], [sflag:$0x2] =	stream.indirect_vreg.gather [hbm4b:s6+s3], $0x80, v4, vm0, $0xb8;
	[tilespmem:$0x18200] =	vst v63  }
0x57: {  	s31 =	simm.s32 $0x5A00  }
0x58: {  	[tilespmem:s31], [sflag:$0x2] =	stream.indirect_vreg.gather [hbm4b:s7+s3], $0x80, v4, vm0, $0xb8;
	[tilespmem:$0x18200] =	vst v63  }
0x59: {  	s0 =	simm.s32 $0x6200  }
0x5a: {  	[tilespmem:s0], [sflag:$0x2] =	stream.indirect_vreg.gather [hbm4b:s1+s3], $0x80, v3, vm0, $0xb8;
	[tilespmem:$0x18200] =	vst v63  }
0x5b: {  	s4 =	simm.s32 $0x6A00  }
0x5c: {  	[tilespmem:s4], [sflag:$0x2] =	stream.indirect_vreg.gather [hbm4b:s5+s3], $0x80, v3, vm0, $0xb8;
	[tilespmem:$0x18200] =	vst v63  }
0x5d: {  	s10 =	simm.s32 $0x7200  }
0x5e: {  	[tilespmem:s10], [sflag:$0x2] =	stream.indirect_vreg.gather [hbm4b:s6+s3], $0x80, v3, vm0, $0xb8;
	[tilespmem:$0x18200] =	vst v63  }
0x5f: {  	s20 =	simm.s32 $0x7A00  }
0x60: {  	[tilespmem:s20], [sflag:$0x2] =	stream.indirect_vreg.gather [hbm4b:s7+s3], $0x80, v3, vm0, $0xb8;
	[tilespmem:$0x18200] =	vst v63  }
0x61: {  	v3 =	vld [tilespmem:$0x20];
	_ =	sdelay $0x4  }
0x62: {  	v34 =	vshll.u32 v3, $0x3  }
0x63: {  	v3 =	vand.u32 $0x7, v3;
	v4 =	vand.u32 $0xFFFFFFC0, v34  }
0x64: {  	v3 =	vor.u32 v3, v4  }
0x65: {  	v4 =	vperm.xlane v3, v0;
	_ =	sdelay $0x1  }
0x66: {  	v4 =	vadd.s32 v1, v4;
	_ =	sdelay $0x3  }
0x67: {  	s21 =	simm.s32 $0x8200  }
0x68: {  	[tilespmem:s21], [sflag:$0x3] =	stream.indirect_vreg.gather [hbm4b:s1+s3], $0x80, v4, vm0, $0xb8;
	[tilespmem:$0x18200] =	vst v63  }
0x69: {  	s28 =	simm.s32 $0x8A00;
	v3 =	vperm.xlane v3, v2  }
0x6a: {  	[tilespmem:s28], [sflag:$0x3] =	stream.indirect_vreg.gather [hbm4b:s5+s3], $0x80, v4, vm0, $0xb8;
	[tilespmem:$0x18200] =	vst v63  }
0x6b: {  	s31 =	simm.s32 $0x9200;
	v3 =	vadd.s32 v1, v3  }
0x6c: {  	[tilespmem:s31], [sflag:$0x3] =	stream.indirect_vreg.gather [hbm4b:s6+s3], $0x80, v4, vm0, $0xb8;
	[tilespmem:$0x18200] =	vst v63  }
0x6d: {  	s0 =	simm.s32 $0x9A00  }
0x6e: {  	[tilespmem:s0], [sflag:$0x3] =	stream.indirect_vreg.gather [hbm4b:s7+s3], $0x80, v4, vm0, $0xb8;
	[tilespmem:$0x18200] =	vst v63  }
0x6f: {  	s10 =	simm.s32 $0xA200  }
0x70: {  	[tilespmem:s10], [sflag:$0x3] =	stream.indirect_vreg.gather [hbm4b:s1+s3], $0x80, v3, vm0, $0xb8;
	[tilespmem:$0x18200] =	vst v63  }
0x71: {  	s19 =	simm.s32 $0xAA00  }
0x72: {  	[tilespmem:s19], [sflag:$0x3] =	stream.indirect_vreg.gather [hbm4b:s5+s3], $0x80, v3, vm0, $0xb8;
	[tilespmem:$0x18200] =	vst v63  }
0x73: {  	s21 =	simm.s32 $0xB200  }
0x74: {  	[tilespmem:s21], [sflag:$0x3] =	stream.indirect_vreg.gather [hbm4b:s6+s3], $0x80, v3, vm0, $0xb8;
	[tilespmem:$0x18200] =	vst v63  }
0x75: {  	s0 =	simm.s32 $0xBA00  }
0x76: {  	[tilespmem:s0], [sflag:$0x3] =	stream.indirect_vreg.gather [hbm4b:s7+s3], $0x80, v3, vm0, $0xb8;
	[tilespmem:$0x18200] =	vst v63  }
0x77: {  	v3 =	vld [tilespmem:$0x30];
	_ =	sdelay $0x4  }
0x78: {  	v35 =	vshll.u32 v3, $0x3  }
0x79: {  	v3 =	vand.u32 $0x7, v3;
	v4 =	vand.u32 $0xFFFFFFC0, v35  }
0x7a: {  	v3 =	vor.u32 v3, v4  }
0x7b: {  	v4 =	vperm.xlane v3, v0;
	_ =	sdelay $0x1  }
0x7c: {  	v4 =	vadd.s32 v1, v4;
	_ =	sdelay $0x3  }
0x7d: {  	s10 =	simm.s32 $0xC200  }
0x7e: {  	[tilespmem:s10], [sflag:$0x4] =	stream.indirect_vreg.gather [hbm4b:s1+s3], $0x80, v4, vm0, $0xb8;
	[tilespmem:$0x18200] =	vst v63  }
0x7f: {  	s4 =	simm.s32 $0xCA00;
	v3 =	vperm.xlane v3, v2  }
0x80: {  	[tilespmem:s4], [sflag:$0x4] =	stream.indirect_vreg.gather [hbm4b:s5+s3], $0x80, v4, vm0, $0xb8;
	[tilespmem:$0x18200] =	vst v63  }
0x81: {  	s19 =	simm.s32 $0xD200;
	v3 =	vadd.s32 v1, v3  }
0x82: {  	[tilespmem:s19], [sflag:$0x4] =	stream.indirect_vreg.gather [hbm4b:s6+s3], $0x80, v4, vm0, $0xb8;
	[tilespmem:$0x18200] =	vst v63  }
0x83: {  	s0 =	simm.s32 $0xDA00  }
0x84: {  	[tilespmem:s0], [sflag:$0x4] =	stream.indirect_vreg.gather [hbm4b:s7+s3], $0x80, v4, vm0, $0xb8;
	[tilespmem:$0x18200] =	vst v63  }
0x85: {  	s4 =	simm.s32 $0xE200  }
0x86: {  	[tilespmem:s4], [sflag:$0x4] =	stream.indirect_vreg.gather [hbm4b:s1+s3], $0x80, v3, vm0, $0xb8;
	[tilespmem:$0x18200] =	vst v63  }
0x87: {  	s19 =	simm.s32 $0xEA00  }
0x88: {  	[tilespmem:s19], [sflag:$0x4] =	stream.indirect_vreg.gather [hbm4b:s5+s3], $0x80, v3, vm0, $0xb8;
	[tilespmem:$0x18200] =	vst v63  }
0x89: {  	s0 =	simm.s32 $0xF200  }
0x8a: {  	[tilespmem:s0], [sflag:$0x4] =	stream.indirect_vreg.gather [hbm4b:s6+s3], $0x80, v3, vm0, $0xb8;
	[tilespmem:$0x18200] =	vst v63  }
0x8b: {  	s4 =	simm.s32 $0xFA00  }
0x8c: {  	[tilespmem:s4], [sflag:$0x4] =	stream.indirect_vreg.gather [hbm4b:s7+s3], $0x80, v3, vm0, $0xb8;
	[tilespmem:$0x18200] =	vst v63  }
0x8d: {  	v3 =	vld [tilespmem:$0x40];
	_ =	sdelay $0x4  }
0x8e: {  	v36 =	vshll.u32 v3, $0x3  }
0x8f: {  	v3 =	vand.u32 $0x7, v3;
	v4 =	vand.u32 $0xFFFFFFC0, v36  }
0x90: {  	v3 =	vor.u32 v3, v4  }
0x91: {  	v4 =	vperm.xlane v3, v0;
	_ =	sdelay $0x1  }
0x92: {  	v4 =	vadd.s32 v1, v4;
	_ =	sdelay $0x3  }
0x93: {  	s19 =	simm.s32 $0x10200  }
0x94: {  	[tilespmem:s19], [sflag:$0x5] =	stream.indirect_vreg.gather [hbm4b:s1+s3], $0x80, v4, vm0, $0xb8;
	[tilespmem:$0x18200] =	vst v63  }
0x95: {  	s0 =	simm.s32 $0x10A00;
	v3 =	vperm.xlane v3, v2  }
0x96: {  	[tilespmem:s0], [sflag:$0x5] =	stream.indirect_vreg.gather [hbm4b:s5+s3], $0x80, v4, vm0, $0xb8;
	[tilespmem:$0x18200] =	vst v63  }
0x97: {  	s4 =	simm.s32 $0x11200;
	v3 =	vadd.s32 v1, v3  }
0x98: {  	[tilespmem:s4], [sflag:$0x5] =	stream.indirect_vreg.gather [hbm4b:s6+s3], $0x80, v4, vm0, $0xb8;
	[tilespmem:$0x18200] =	vst v63  }
0x99: {  	s19 =	simm.s32 $0x11A00  }
0x9a: {  	[tilespmem:s19], [sflag:$0x5] =	stream.indirect_vreg.gather [hbm4b:s7+s3], $0x80, v4, vm0, $0xb8;
	[tilespmem:$0x18200] =	vst v63  }
0x9b: {  	s0 =	simm.s32 $0x12200  }
0x9c: {  	[tilespmem:s0], [sflag:$0x5] =	stream.indirect_vreg.gather [hbm4b:s1+s3], $0x80, v3, vm0, $0xb8;
	[tilespmem:$0x18200] =	vst v63  }
0x9d: {  	s4 =	simm.s32 $0x12A00  }
0x9e: {  	[tilespmem:s4], [sflag:$0x5] =	stream.indirect_vreg.gather [hbm4b:s5+s3], $0x80, v3, vm0, $0xb8;
	[tilespmem:$0x18200] =	vst v63  }
0x9f: {  	s19 =	simm.s32 $0x13200  }
0xa0: {  	[tilespmem:s19], [sflag:$0x5] =	stream.indirect_vreg.gather [hbm4b:s6+s3], $0x80, v3, vm0, $0xb8;
	[tilespmem:$0x18200] =	vst v63  }
0xa1: {  	s0 =	simm.s32 $0x13A00  }
0xa2: {  	[tilespmem:s0], [sflag:$0x5] =	stream.indirect_vreg.gather [hbm4b:s7+s3], $0x80, v3, vm0, $0xb8;
	[tilespmem:$0x18200] =	vst v63  }
0xa3: {  	_ =	swait.ge [sflag:s30], $0x4000  }
0xa4: {  	s4 =	sld [smem:$0x7FA]  }
0xa5: {  	[sflag:s30] =	ssyncset.done $0x0  }
0xa6: {  	s10 =	simm.s32 $0x200;
	[sflag:s30] =	ssyncadd.s32 $0xFFFFC000  }
0xa7: {  	[hbm4b:s4+s3] =	stream.linear.scatter [tilespmem:s10], [sflag:$0x7], $0x4000, $0x38;
	[tilespmem:$0x18200] =	vst v63  }
0xa8: {  	v3 =	vld [tilespmem:$0x50];
	_ =	sdelay $0x4  }
0xa9: {  	v37 =	vshll.u32 v3, $0x3  }
0xaa: {  	v3 =	vand.u32 $0x7, v3;
	v4 =	vand.u32 $0xFFFFFFC0, v37  }
0xab: {  	v3 =	vor.u32 v3, v4  }
0xac: {  	v4 =	vperm.xlane v3, v0;
	_ =	sdelay $0x1  }
0xad: {  	v4 =	vadd.s32 v1, v4;
	_ =	sdelay $0x3  }
0xae: {  	s19 =	simm.s32 $0x14200  }
0xaf: {  	[tilespmem:s19], [sflag:$0x6] =	stream.indirect_vreg.gather [hbm4b:s1+s3], $0x80, v4, vm0, $0xb8;
	[tilespmem:$0x18200] =	vst v63  }
0xb0: {  	s0 =	simm.s32 $0x14A00;
	v3 =	vperm.xlane v3, v2  }
0xb1: {  	[tilespmem:s0], [sflag:$0x6] =	stream.indirect_vreg.gather [hbm4b:s5+s3], $0x80, v4, vm0, $0xb8;
	[tilespmem:$0x18200] =	vst v63  }
0xb2: {  	s4 =	simm.s32 $0x15200;
	v3 =	vadd.s32 v1, v3  }
0xb3: {  	[tilespmem:s4], [sflag:$0x6] =	stream.indirect_vreg.gather [hbm4b:s6+s3], $0x80, v4, vm0, $0xb8;
	[tilespmem:$0x18200] =	vst v63  }
0xb4: {  	s0 =	simm.s32 $0x15A00  }
0xb5: {  	[tilespmem:s0], [sflag:$0x6] =	stream.indirect_vreg.gather [hbm4b:s7+s3], $0x80, v4, vm0, $0xb8;
	[tilespmem:$0x18200] =	vst v63  }
0xb6: {  	s4 =	simm.s32 $0x16200  }
0xb7: {  	[tilespmem:s4], [sflag:$0x6] =	stream.indirect_vreg.gather [hbm4b:s1+s3], $0x80, v3, vm0, $0xb8;
	[tilespmem:$0x18200] =	vst v63  }
0xb8: {  	s0 =	simm.s32 $0x16A00  }
0xb9: {  	[tilespmem:s0], [sflag:$0x6] =	stream.indirect_vreg.gather [hbm4b:s5+s3], $0x80, v3, vm0, $0xb8;
	[tilespmem:$0x18200] =	vst v63  }
0xba: {  	s4 =	simm.s32 $0x17200  }
0xbb: {  	[tilespmem:s4], [sflag:$0x6] =	stream.indirect_vreg.gather [hbm4b:s6+s3], $0x80, v3, vm0, $0xb8;
	[tilespmem:$0x18200] =	vst v63  }
0xbc: {  	s0 =	simm.s32 $0x17A00  }
0xbd: {  	[tilespmem:s0], [sflag:$0x6] =	stream.indirect_vreg.gather [hbm4b:s7+s3], $0x80, v3, vm0, $0xb8;
	[tilespmem:$0x18200] =	vst v63  }
0xbe: {  	_ =	swait.ge [sflag:s29], $0x4000  }
0xbf: {  	[sflag:s29] =	ssyncset.done $0x0  }
0xc0: {  	s0 =	simm.s32 $0x4200;
	s4 =	rddreg [dreg:$0x5];
	[sflag:s29] =	ssyncadd.s32 $0xFFFFC000  }
0xc1: {  	[hbm4b:s4+s3] =	stream.linear.scatter [tilespmem:s0], [sflag:$0x8], $0x4000, $0x38;
	[tilespmem:$0x18200] =	vst v63  }
0xc2: {  	_ =	swait.ge [sflag:s2], $0x4000  }
0xc3: {  	[sflag:s2] =	ssyncset.done $0x0  }
0xc4: {  	[sflag:s2] =	ssyncadd.s32 $0xFFFFC000  }
0xc5: {  	v3 =	vld [tilespmem:$0x60];
	_ =	sdelay $0x4  }
0xc6: {  	v38 =	vshll.u32 v3, $0x3  }
0xc7: {  	v3 =	vand.u32 $0x7, v3;
	v4 =	vand.u32 $0xFFFFFFC0, v38  }
0xc8: {  	v3 =	vor.u32 v3, v4  }
0xc9: {  	v4 =	vperm.xlane v3, v0;
	_ =	sdelay $0x1  }
0xca: {  	v4 =	vadd.s32 v1, v4;
	_ =	sdelay $0x4  }
0xcb: {  	[tilespmem:s10], [sflag:$0x1] =	stream.indirect_vreg.gather [hbm4b:s1+s3], $0x80, v4, vm0, $0xb8;
	[tilespmem:$0x18200] =	vst v63  }
0xcc: {  	s22 =	simm.s32 $0xA00;
	v3 =	vperm.xlane v3, v2  }
0xcd: {  	[tilespmem:s22], [sflag:$0x1] =	stream.indirect_vreg.gather [hbm4b:s5+s3], $0x80, v4, vm0, $0xb8;
	[tilespmem:$0x18200] =	vst v63  }
0xce: {  	s24 =	simm.s32 $0x1200;
	v3 =	vadd.s32 v1, v3  }
0xcf: {  	[tilespmem:s24], [sflag:$0x1] =	stream.indirect_vreg.gather [hbm4b:s6+s3], $0x80, v4, vm0, $0xb8;
	[tilespmem:$0x18200] =	vst v63  }
0xd0: {  	s22 =	simm.s32 $0x1A00  }
0xd1: {  	[tilespmem:s22], [sflag:$0x1] =	stream.indirect_vreg.gather [hbm4b:s7+s3], $0x80, v4, vm0, $0xb8;
	[tilespmem:$0x18200] =	vst v63  }
0xd2: {  	s8 =	simm.s32 $0x2200  }
0xd3: {  	[tilespmem:s8], [sflag:$0x1] =	stream.indirect_vreg.gather [hbm4b:s1+s3], $0x80, v3, vm0, $0xb8;
	[tilespmem:$0x18200] =	vst v63  }
0xd4: {  	s18 =	simm.s32 $0x2A00  }
0xd5: {  	[tilespmem:s18], [sflag:$0x1] =	stream.indirect_vreg.gather [hbm4b:s5+s3], $0x80, v3, vm0, $0xb8;
	[tilespmem:$0x18200] =	vst v63  }
0xd6: {  	s23 =	simm.s32 $0x3200  }
0xd7: {  	[tilespmem:s23], [sflag:$0x1] =	stream.indirect_vreg.gather [hbm4b:s6+s3], $0x80, v3, vm0, $0xb8;
	[tilespmem:$0x18200] =	vst v63  }
0xd8: {  	s25 =	simm.s32 $0x3A00  }
0xd9: {  	[tilespmem:s25], [sflag:$0x1] =	stream.indirect_vreg.gather [hbm4b:s7+s3], $0x80, v3, vm0, $0xb8;
	[tilespmem:$0x18200] =	vst v63  }
0xda: {  	_ =	swait.ge [sflag:s26], $0x4000  }
0xdb: {  	[sflag:s26] =	ssyncset.done $0x0  }
0xdc: {  	s4 =	simm.s32 $0x8200;
	s24 =	rddreg [dreg:$0x6];
	[sflag:s26] =	ssyncadd.s32 $0xFFFFC000  }
0xdd: {  	[hbm4b:s24+s3] =	stream.linear.scatter [tilespmem:s4], [sflag:$0x9], $0x4000, $0x38;
	[tilespmem:$0x18200] =	vst v63  }
0xde: {  	_ =	swait.ge [sflag:s9], $0x4000  }
0xdf: {  	[sflag:s9] =	ssyncset.done $0x0  }
0xe0: {  	[sflag:s9] =	ssyncadd.s32 $0xFFFFC000  }
0xe1: {  	v3 =	vld [tilespmem:$0x70];
	_ =	sdelay $0x4  }
0xe2: {  	v39 =	vshll.u32 v3, $0x3  }
0xe3: {  	v3 =	vand.u32 $0x7, v3;
	v4 =	vand.u32 $0xFFFFFFC0, v39  }
0xe4: {  	v3 =	vor.u32 v3, v4  }
0xe5: {  	v4 =	vperm.xlane v3, v0;
	_ =	sdelay $0x1  }
0xe6: {  	v4 =	vadd.s32 v1, v4;
	_ =	sdelay $0x4  }
0xe7: {  	[tilespmem:s0], [sflag:$0x2] =	stream.indirect_vreg.gather [hbm4b:s1+s3], $0x80, v4, vm0, $0xb8;
	[tilespmem:$0x18200] =	vst v63  }
0xe8: {  	s25 =	simm.s32 $0x4A00;
	v3 =	vperm.xlane v3, v2  }
0xe9: {  	[tilespmem:s25], [sflag:$0x2] =	stream.indirect_vreg.gather [hbm4b:s5+s3], $0x80, v4, vm0, $0xb8;
	[tilespmem:$0x18200] =	vst v63  }
0xea: {  	s8 =	simm.s32 $0x5200;
	v3 =	vadd.s32 v1, v3  }
0xeb: {  	[tilespmem:s8], [sflag:$0x2] =	stream.indirect_vreg.gather [hbm4b:s6+s3], $0x80, v4, vm0, $0xb8;
	[tilespmem:$0x18200] =	vst v63  }
0xec: {  	s10 =	simm.s32 $0x5A00  }
0xed: {  	[tilespmem:s10], [sflag:$0x2] =	stream.indirect_vreg.gather [hbm4b:s7+s3], $0x80, v4, vm0, $0xb8;
	[tilespmem:$0x18200] =	vst v63  }
0xee: {  	s18 =	simm.s32 $0x6200  }
0xef: {  	[tilespmem:s18], [sflag:$0x2] =	stream.indirect_vreg.gather [hbm4b:s1+s3], $0x80, v3, vm0, $0xb8;
	[tilespmem:$0x18200] =	vst v63  }
0xf0: {  	s19 =	simm.s32 $0x6A00  }
0xf1: {  	[tilespmem:s19], [sflag:$0x2] =	stream.indirect_vreg.gather [hbm4b:s5+s3], $0x80, v3, vm0, $0xb8;
	[tilespmem:$0x18200] =	vst v63  }
0xf2: {  	s22 =	simm.s32 $0x7200  }
0xf3: {  	[tilespmem:s22], [sflag:$0x2] =	stream.indirect_vreg.gather [hbm4b:s6+s3], $0x80, v3, vm0, $0xb8;
	[tilespmem:$0x18200] =	vst v63  }
0xf4: {  	s23 =	simm.s32 $0x7A00  }
0xf5: {  	[tilespmem:s23], [sflag:$0x2] =	stream.indirect_vreg.gather [hbm4b:s7+s3], $0x80, v3, vm0, $0xb8;
	[tilespmem:$0x18200] =	vst v63  }
0xf6: {  	_ =	swait.ge [sflag:s11], $0x4000  }
0xf7: {  	[sflag:s11] =	ssyncset.done $0x0  }
0xf8: {  	s25 =	simm.s32 $0xC200;
	s24 =	rddreg [dreg:$0x7];
	[sflag:s11] =	ssyncadd.s32 $0xFFFFC000  }
0xf9: {  	[hbm4b:s24+s3] =	stream.linear.scatter [tilespmem:s25], [sflag:$0xA], $0x4000, $0x38;
	[tilespmem:$0x18200] =	vst v63  }
0xfa: {  	_ =	swait.ge [sflag:s12], $0x4000  }
0xfb: {  	[sflag:s12] =	ssyncset.done $0x0  }
0xfc: {  	[sflag:s12] =	ssyncadd.s32 $0xFFFFC000  }
0xfd: {  	v3 =	vld [tilespmem:$0x80];
	_ =	sdelay $0x4  }
0xfe: {  	v40 =	vshll.u32 v3, $0x3  }
0xff: {  	v3 =	vand.u32 $0x7, v3;
	v4 =	vand.u32 $0xFFFFFFC0, v40  }
0x100: {  	v3 =	vor.u32 v3, v4  }
0x101: {  	v4 =	vperm.xlane v3, v0;
	_ =	sdelay $0x1  }
0x102: {  	v4 =	vadd.s32 v1, v4;
	_ =	sdelay $0x4  }
0x103: {  	[tilespmem:s4], [sflag:$0x3] =	stream.indirect_vreg.gather [hbm4b:s1+s3], $0x80, v4, vm0, $0xb8;
	[tilespmem:$0x18200] =	vst v63  }
0x104: {  	s20 =	simm.s32 $0x8A00;
	v3 =	vperm.xlane v3, v2  }
0x105: {  	[tilespmem:s20], [sflag:$0x3] =	stream.indirect_vreg.gather [hbm4b:s5+s3], $0x80, v4, vm0, $0xb8;
	[tilespmem:$0x18200] =	vst v63  }
0x106: {  	s31 =	simm.s32 $0x9200;
	v3 =	vadd.s32 v1, v3  }
0x107: {  	[tilespmem:s31], [sflag:$0x3] =	stream.indirect_vreg.gather [hbm4b:s6+s3], $0x80, v4, vm0, $0xb8;
	[tilespmem:$0x18200] =	vst v63  }
0x108: {  	s28 =	simm.s32 $0x9A00  }
0x109: {  	[tilespmem:s28], [sflag:$0x3] =	stream.indirect_vreg.gather [hbm4b:s7+s3], $0x80, v4, vm0, $0xb8;
	[tilespmem:$0x18200] =	vst v63  }
0x10a: {  	s31 =	simm.s32 $0xA200  }
0x10b: {  	[tilespmem:s31], [sflag:$0x3] =	stream.indirect_vreg.gather [hbm4b:s1+s3], $0x80, v3, vm0, $0xb8;
	[tilespmem:$0x18200] =	vst v63  }
0x10c: {  	s4 =	simm.s32 $0xAA00  }
0x10d: {  	[tilespmem:s4], [sflag:$0x3] =	stream.indirect_vreg.gather [hbm4b:s5+s3], $0x80, v3, vm0, $0xb8;
	[tilespmem:$0x18200] =	vst v63  }
0x10e: {  	s10 =	simm.s32 $0xB200  }
0x10f: {  	[tilespmem:s10], [sflag:$0x3] =	stream.indirect_vreg.gather [hbm4b:s6+s3], $0x80, v3, vm0, $0xb8;
	[tilespmem:$0x18200] =	vst v63  }
0x110: {  	s21 =	simm.s32 $0xBA00  }
0x111: {  	[tilespmem:s21], [sflag:$0x3] =	stream.indirect_vreg.gather [hbm4b:s7+s3], $0x80, v3, vm0, $0xb8;
	[tilespmem:$0x18200] =	vst v63  }
0x112: {  	_ =	swait.ge [sflag:s13], $0x4000  }
0x113: {  	[sflag:s13] =	ssyncset.done $0x0  }
0x114: {  	s20 =	simm.s32 $0x10200;
	s18 =	rddreg [dreg:$0x8];
	[sflag:s13] =	ssyncadd.s32 $0xFFFFC000  }
0x115: {  	[hbm4b:s18+s3] =	stream.linear.scatter [tilespmem:s20], [sflag:$0xB], $0x4000, $0x38;
	[tilespmem:$0x18200] =	vst v63  }
0x116: {  	_ =	swait.ge [sflag:s14], $0x4000  }
0x117: {  	[sflag:s14] =	ssyncset.done $0x0  }
0x118: {  	[sflag:s14] =	ssyncadd.s32 $0xFFFFC000  }
0x119: {  	v3 =	vld [tilespmem:$0x90];
	_ =	sdelay $0x4  }
0x11a: {  	v41 =	vshll.u32 v3, $0x3  }
0x11b: {  	v3 =	vand.u32 $0x7, v3;
	v4 =	vand.u32 $0xFFFFFFC0, v41  }
0x11c: {  	v3 =	vor.u32 v3, v4  }
0x11d: {  	v4 =	vperm.xlane v3, v0;
	_ =	sdelay $0x1  }
0x11e: {  	v4 =	vadd.s32 v1, v4;
	_ =	sdelay $0x4  }
0x11f: {  	[tilespmem:s25], [sflag:$0x4] =	stream.indirect_vreg.gather [hbm4b:s1+s3], $0x80, v4, vm0, $0xb8;
	[tilespmem:$0x18200] =	vst v63  }
0x120: {  	s21 =	simm.s32 $0xCA00;
	v3 =	vperm.xlane v3, v2  }
0x121: {  	[tilespmem:s21], [sflag:$0x4] =	stream.indirect_vreg.gather [hbm4b:s5+s3], $0x80, v4, vm0, $0xb8;
	[tilespmem:$0x18200] =	vst v63  }
0x122: {  	s28 =	simm.s32 $0xD200;
	v3 =	vadd.s32 v1, v3  }
0x123: {  	[tilespmem:s28], [sflag:$0x4] =	stream.indirect_vreg.gather [hbm4b:s6+s3], $0x80, v4, vm0, $0xb8;
	[tilespmem:$0x18200] =	vst v63  }
0x124: {  	s31 =	simm.s32 $0xDA00  }
0x125: {  	[tilespmem:s31], [sflag:$0x4] =	stream.indirect_vreg.gather [hbm4b:s7+s3], $0x80, v4, vm0, $0xb8;
	[tilespmem:$0x18200] =	vst v63  }
0x126: {  	s4 =	simm.s32 $0xE200  }
0x127: {  	[tilespmem:s4], [sflag:$0x4] =	stream.indirect_vreg.gather [hbm4b:s1+s3], $0x80, v3, vm0, $0xb8;
	[tilespmem:$0x18200] =	vst v63  }
0x128: {  	s10 =	simm.s32 $0xEA00  }
0x129: {  	[tilespmem:s10], [sflag:$0x4] =	stream.indirect_vreg.gather [hbm4b:s5+s3], $0x80, v3, vm0, $0xb8;
	[tilespmem:$0x18200] =	vst v63  }
0x12a: {  	s24 =	simm.s32 $0xF200  }
0x12b: {  	[tilespmem:s24], [sflag:$0x4] =	stream.indirect_vreg.gather [hbm4b:s6+s3], $0x80, v3, vm0, $0xb8;
	[tilespmem:$0x18200] =	vst v63  }
0x12c: {  	s25 =	simm.s32 $0xFA00  }
0x12d: {  	[tilespmem:s25], [sflag:$0x4] =	stream.indirect_vreg.gather [hbm4b:s7+s3], $0x80, v3, vm0, $0xb8;
	[tilespmem:$0x18200] =	vst v63  }
0x12e: {  	_ =	swait.ge [sflag:s15], $0x4000  }
0x12f: {  	[sflag:s15] =	ssyncset.done $0x0  }
0x130: {  	s18 =	simm.s32 $0x14200;
	s8 =	rddreg [dreg:$0x9];
	[sflag:s15] =	ssyncadd.s32 $0xFFFFC000  }
0x131: {  	[hbm4b:s8+s3] =	stream.linear.scatter [tilespmem:s18], [sflag:$0xC], $0x4000, $0x38;
	[tilespmem:$0x18200] =	vst v63  }
0x132: {  	_ =	swait.ge [sflag:s16], $0x4000  }
0x133: {  	[sflag:s16] =	ssyncset.done $0x0  }
0x134: {  	[sflag:s16] =	ssyncadd.s32 $0xFFFFC000  }
0x135: {  	v3 =	vld [tilespmem:$0xA0];
	_ =	sdelay $0x4  }
0x136: {  	v42 =	vshll.u32 v3, $0x3  }
0x137: {  	v3 =	vand.u32 $0x7, v3;
	v4 =	vand.u32 $0xFFFFFFC0, v42  }
0x138: {  	v3 =	vor.u32 v3, v4  }
0x139: {  	v4 =	vperm.xlane v3, v0;
	_ =	sdelay $0x1  }
0x13a: {  	v4 =	vadd.s32 v1, v4;
	_ =	sdelay $0x4  }
0x13b: {  	[tilespmem:s20], [sflag:$0x5] =	stream.indirect_vreg.gather [hbm4b:s1+s3], $0x80, v4, vm0, $0xb8;
	[tilespmem:$0x18200] =	vst v63  }
0x13c: {  	s22 =	simm.s32 $0x10A00;
	v3 =	vperm.xlane v3, v2  }
0x13d: {  	[tilespmem:s22], [sflag:$0x5] =	stream.indirect_vreg.gather [hbm4b:s5+s3], $0x80, v4, vm0, $0xb8;
	[tilespmem:$0x18200] =	vst v63  }
0x13e: {  	s8 =	simm.s32 $0x11200;
	v3 =	vadd.s32 v1, v3  }
0x13f: {  	[tilespmem:s8], [sflag:$0x5] =	stream.indirect_vreg.gather [hbm4b:s6+s3], $0x80, v4, vm0, $0xb8;
	[tilespmem:$0x18200] =	vst v63  }
0x140: {  	s19 =	simm.s32 $0x11A00  }
0x141: {  	[tilespmem:s19], [sflag:$0x5] =	stream.indirect_vreg.gather [hbm4b:s7+s3], $0x80, v4, vm0, $0xb8;
	[tilespmem:$0x18200] =	vst v63  }
0x142: {  	s20 =	simm.s32 $0x12200  }
0x143: {  	[tilespmem:s20], [sflag:$0x5] =	stream.indirect_vreg.gather [hbm4b:s1+s3], $0x80, v3, vm0, $0xb8;
	[tilespmem:$0x18200] =	vst v63  }
0x144: {  	s24 =	simm.s32 $0x12A00  }
0x145: {  	[tilespmem:s24], [sflag:$0x5] =	stream.indirect_vreg.gather [hbm4b:s5+s3], $0x80, v3, vm0, $0xb8;
	[tilespmem:$0x18200] =	vst v63  }
0x146: {  	s25 =	simm.s32 $0x13200  }
0x147: {  	[tilespmem:s25], [sflag:$0x5] =	stream.indirect_vreg.gather [hbm4b:s6+s3], $0x80, v3, vm0, $0xb8;
	[tilespmem:$0x18200] =	vst v63  }
0x148: {  	s21 =	simm.s32 $0x13A00  }
0x149: {  	[tilespmem:s21], [sflag:$0x5] =	stream.indirect_vreg.gather [hbm4b:s7+s3], $0x80, v3, vm0, $0xb8;
	[tilespmem:$0x18200] =	vst v63  }
0x14a: {  	_ =	swait.ge [sflag:s30], $0x4000  }
0x14b: {  	[sflag:s30] =	ssyncset.done $0x0  }
0x14c: {  	s20 =	simm.s32 $0x200;
	s0 =	rddreg [dreg:$0xa];
	[sflag:s30] =	ssyncadd.s32 $0xFFFFC000  }
0x14d: {  	[hbm4b:s0+s3] =	stream.linear.scatter [tilespmem:s20], [sflag:$0x7], $0x4000, $0x38;
	[tilespmem:$0x18200] =	vst v63  }
0x14e: {  	_ =	swait.ge [sflag:s17], $0x4000  }
0x14f: {  	[sflag:s17] =	ssyncset.done $0x0  }
0x150: {  	[sflag:s17] =	ssyncadd.s32 $0xFFFFC000  }
0x151: {  	v3 =	vld [tilespmem:$0xB0];
	_ =	sdelay $0x4  }
0x152: {  	v43 =	vshll.u32 v3, $0x3  }
0x153: {  	v3 =	vand.u32 $0x7, v3;
	v4 =	vand.u32 $0xFFFFFFC0, v43  }
0x154: {  	v3 =	vor.u32 v3, v4  }
0x155: {  	v4 =	vperm.xlane v3, v0;
	_ =	sdelay $0x1  }
0x156: {  	v4 =	vadd.s32 v1, v4;
	_ =	sdelay $0x4  }
0x157: {  	[tilespmem:s18], [sflag:$0x6] =	stream.indirect_vreg.gather [hbm4b:s1+s3], $0x80, v4, vm0, $0xb8;
	[tilespmem:$0x18200] =	vst v63  }
0x158: {  	s21 =	simm.s32 $0x14A00;
	v3 =	vperm.xlane v3, v2  }
0x159: {  	[tilespmem:s21], [sflag:$0x6] =	stream.indirect_vreg.gather [hbm4b:s5+s3], $0x80, v4, vm0, $0xb8;
	[tilespmem:$0x18200] =	vst v63  }
0x15a: {  	v3 =	vadd.s32 v1, v3;
	s18 =	simm.s32 $0x15200  }
0x15b: {  	[tilespmem:s18], [sflag:$0x6] =	stream.indirect_vreg.gather [hbm4b:s6+s3], $0x80, v4, vm0, $0xb8;
	[tilespmem:$0x18200] =	vst v63  }
0x15c: {  	s19 =	simm.s32 $0x15A00  }
0x15d: {  	[tilespmem:s19], [sflag:$0x6] =	stream.indirect_vreg.gather [hbm4b:s7+s3], $0x80, v4, vm0, $0xb8;
	[tilespmem:$0x18200] =	vst v63  }
0x15e: {  	s21 =	simm.s32 $0x16200  }
0x15f: {  	[tilespmem:s21], [sflag:$0x6] =	stream.indirect_vreg.gather [hbm4b:s1+s3], $0x80, v3, vm0, $0xb8;
	[tilespmem:$0x18200] =	vst v63  }
0x160: {  	s18 =	simm.s32 $0x16A00  }
0x161: {  	[tilespmem:s18], [sflag:$0x6] =	stream.indirect_vreg.gather [hbm4b:s5+s3], $0x80, v3, vm0, $0xb8;
	[tilespmem:$0x18200] =	vst v63  }
0x162: {  	s19 =	simm.s32 $0x17200  }
0x163: {  	[tilespmem:s19], [sflag:$0x6] =	stream.indirect_vreg.gather [hbm4b:s6+s3], $0x80, v3, vm0, $0xb8;
	[tilespmem:$0x18200] =	vst v63  }
0x164: {  	s21 =	simm.s32 $0x17A00  }
0x165: {  	[tilespmem:s21], [sflag:$0x6] =	stream.indirect_vreg.gather [hbm4b:s7+s3], $0x80, v3, vm0, $0xb8;
	[tilespmem:$0x18200] =	vst v63  }
0x166: {  	_ =	swait.ge [sflag:s29], $0x4000  }
0x167: {  	[sflag:s29] =	ssyncset.done $0x0  }
0x168: {  	s18 =	simm.s32 $0x4200;
	s0 =	rddreg [dreg:$0xb];
	[sflag:s29] =	ssyncadd.s32 $0xFFFFC000  }
0x169: {  	[hbm4b:s0+s3] =	stream.linear.scatter [tilespmem:s18], [sflag:$0x8], $0x4000, $0x38;
	[tilespmem:$0x18200] =	vst v63  }
0x16a: {  	_ =	swait.ge [sflag:s2], $0x4000  }
0x16b: {  	[sflag:s2] =	ssyncset.done $0x0  }
0x16c: {  	[sflag:s2] =	ssyncadd.s32 $0xFFFFC000  }
0x16d: {  	v3 =	vld [tilespmem:$0xC0];
	_ =	sdelay $0x4  }
0x16e: {  	v44 =	vshll.u32 v3, $0x3  }
0x16f: {  	v3 =	vand.u32 $0x7, v3;
	v4 =	vand.u32 $0xFFFFFFC0, v44  }
0x170: {  	v3 =	vor.u32 v3, v4  }
0x171: {  	v4 =	vperm.xlane v3, v0;
	_ =	sdelay $0x1  }
0x172: {  	v4 =	vadd.s32 v1, v4;
	_ =	sdelay $0x4  }
0x173: {  	[tilespmem:s20], [sflag:$0x1] =	stream.indirect_vreg.gather [hbm4b:s1+s3], $0x80, v4, vm0, $0xb8;
	[tilespmem:$0x18200] =	vst v63  }
0x174: {  	s21 =	simm.s32 $0xA00;
	v3 =	vperm.xlane v3, v2  }
0x175: {  	[tilespmem:s21], [sflag:$0x1] =	stream.indirect_vreg.gather [hbm4b:s5+s3], $0x80, v4, vm0, $0xb8;
	[tilespmem:$0x18200] =	vst v63  }
0x176: {  	s19 =	simm.s32 $0x1200;
	v3 =	vadd.s32 v1, v3  }
0x177: {  	[tilespmem:s19], [sflag:$0x1] =	stream.indirect_vreg.gather [hbm4b:s6+s3], $0x80, v4, vm0, $0xb8;
	[tilespmem:$0x18200] =	vst v63  }
0x178: {  	s20 =	simm.s32 $0x1A00  }
0x179: {  	[tilespmem:s20], [sflag:$0x1] =	stream.indirect_vreg.gather [hbm4b:s7+s3], $0x80, v4, vm0, $0xb8;
	[tilespmem:$0x18200] =	vst v63  }
0x17a: {  	s21 =	simm.s32 $0x2200  }
0x17b: {  	[tilespmem:s21], [sflag:$0x1] =	stream.indirect_vreg.gather [hbm4b:s1+s3], $0x80, v3, vm0, $0xb8;
	[tilespmem:$0x18200] =	vst v63  }
0x17c: {  	s19 =	simm.s32 $0x2A00  }
0x17d: {  	[tilespmem:s19], [sflag:$0x1] =	stream.indirect_vreg.gather [hbm4b:s5+s3], $0x80, v3, vm0, $0xb8;
	[tilespmem:$0x18200] =	vst v63  }
0x17e: {  	s20 =	simm.s32 $0x3200  }
0x17f: {  	[tilespmem:s20], [sflag:$0x1] =	stream.indirect_vreg.gather [hbm4b:s6+s3], $0x80, v3, vm0, $0xb8;
	[tilespmem:$0x18200] =	vst v63  }
0x180: {  	s21 =	simm.s32 $0x3A00  }
0x181: {  	[tilespmem:s21], [sflag:$0x1] =	stream.indirect_vreg.gather [hbm4b:s7+s3], $0x80, v3, vm0, $0xb8;
	[tilespmem:$0x18200] =	vst v63  }
0x182: {  	_ =	swait.ge [sflag:s26], $0x4000  }
0x183: {  	[sflag:s26] =	ssyncset.done $0x0  }
0x184: {  	s20 =	simm.s32 $0x8200;
	s0 =	rddreg [dreg:$0xc];
	[sflag:s26] =	ssyncadd.s32 $0xFFFFC000  }
0x185: {  	[hbm4b:s0+s3] =	stream.linear.scatter [tilespmem:s20], [sflag:$0x9], $0x4000, $0x38;
	[tilespmem:$0x18200] =	vst v63  }
0x186: {  	_ =	swait.ge [sflag:s9], $0x4000  }
0x187: {  	[sflag:s9] =	ssyncset.done $0x0  }
0x188: {  	[sflag:s9] =	ssyncadd.s32 $0xFFFFC000  }
0x189: {  	v3 =	vld [tilespmem:$0xD0];
	_ =	sdelay $0x4  }
0x18a: {  	v45 =	vshll.u32 v3, $0x3  }
0x18b: {  	v3 =	vand.u32 $0x7, v3;
	v4 =	vand.u32 $0xFFFFFFC0, v45  }
0x18c: {  	v3 =	vor.u32 v3, v4  }
0x18d: {  	v4 =	vperm.xlane v3, v0;
	_ =	sdelay $0x1  }
0x18e: {  	v4 =	vadd.s32 v1, v4;
	_ =	sdelay $0x4  }
0x18f: {  	[tilespmem:s18], [sflag:$0x2] =	stream.indirect_vreg.gather [hbm4b:s1+s3], $0x80, v4, vm0, $0xb8;
	[tilespmem:$0x18200] =	vst v63  }
0x190: {  	s21 =	simm.s32 $0x4A00;
	v3 =	vperm.xlane v3, v2  }
0x191: {  	[tilespmem:s21], [sflag:$0x2] =	stream.indirect_vreg.gather [hbm4b:s5+s3], $0x80, v4, vm0, $0xb8;
	[tilespmem:$0x18200] =	vst v63  }
0x192: {  	v3 =	vadd.s32 v1, v3;
	s18 =	simm.s32 $0x5200  }
0x193: {  	[tilespmem:s18], [sflag:$0x2] =	stream.indirect_vreg.gather [hbm4b:s6+s3], $0x80, v4, vm0, $0xb8;
	[tilespmem:$0x18200] =	vst v63  }
0x194: {  	s19 =	simm.s32 $0x5A00  }
0x195: {  	[tilespmem:s19], [sflag:$0x2] =	stream.indirect_vreg.gather [hbm4b:s7+s3], $0x80, v4, vm0, $0xb8;
	[tilespmem:$0x18200] =	vst v63  }
0x196: {  	s21 =	simm.s32 $0x6200  }
0x197: {  	[tilespmem:s21], [sflag:$0x2] =	stream.indirect_vreg.gather [hbm4b:s1+s3], $0x80, v3, vm0, $0xb8;
	[tilespmem:$0x18200] =	vst v63  }
0x198: {  	s18 =	simm.s32 $0x6A00  }
0x199: {  	[tilespmem:s18], [sflag:$0x2] =	stream.indirect_vreg.gather [hbm4b:s5+s3], $0x80, v3, vm0, $0xb8;
	[tilespmem:$0x18200] =	vst v63  }
0x19a: {  	s19 =	simm.s32 $0x7200  }
0x19b: {  	[tilespmem:s19], [sflag:$0x2] =	stream.indirect_vreg.gather [hbm4b:s6+s3], $0x80, v3, vm0, $0xb8;
	[tilespmem:$0x18200] =	vst v63  }
0x19c: {  	s21 =	simm.s32 $0x7A00  }
0x19d: {  	[tilespmem:s21], [sflag:$0x2] =	stream.indirect_vreg.gather [hbm4b:s7+s3], $0x80, v3, vm0, $0xb8;
	[tilespmem:$0x18200] =	vst v63  }
0x19e: {  	_ =	swait.ge [sflag:s11], $0x4000  }
0x19f: {  	[sflag:s11] =	ssyncset.done $0x0  }
0x1a0: {  	s0 =	simm.s32 $0xC200;
	s18 =	rddreg [dreg:$0xd];
	[sflag:s11] =	ssyncadd.s32 $0xFFFFC000  }
0x1a1: {  	[hbm4b:s18+s3] =	stream.linear.scatter [tilespmem:s0], [sflag:$0xA], $0x4000, $0x38;
	[tilespmem:$0x18200] =	vst v63  }
0x1a2: {  	_ =	swait.ge [sflag:s12], $0x4000  }
0x1a3: {  	[sflag:s12] =	ssyncset.done $0x0  }
0x1a4: {  	[sflag:s12] =	ssyncadd.s32 $0xFFFFC000  }
0x1a5: {  	v3 =	vld [tilespmem:$0xE0];
	_ =	sdelay $0x4  }
0x1a6: {  	v46 =	vshll.u32 v3, $0x3  }
0x1a7: {  	v3 =	vand.u32 $0x7, v3;
	v4 =	vand.u32 $0xFFFFFFC0, v46  }
0x1a8: {  	v3 =	vor.u32 v3, v4  }
0x1a9: {  	v4 =	vperm.xlane v3, v0;
	_ =	sdelay $0x1  }
0x1aa: {  	v4 =	vadd.s32 v1, v4;
	_ =	sdelay $0x4  }
0x1ab: {  	[tilespmem:s20], [sflag:$0x3] =	stream.indirect_vreg.gather [hbm4b:s1+s3], $0x80, v4, vm0, $0xb8;
	[tilespmem:$0x18200] =	vst v63  }
0x1ac: {  	s21 =	simm.s32 $0x8A00;
	v3 =	vperm.xlane v3, v2  }
0x1ad: {  	[tilespmem:s21], [sflag:$0x3] =	stream.indirect_vreg.gather [hbm4b:s5+s3], $0x80, v4, vm0, $0xb8;
	[tilespmem:$0x18200] =	vst v63  }
0x1ae: {  	s23 =	simm.s32 $0x9200;
	v3 =	vadd.s32 v1, v3  }
0x1af: {  	[tilespmem:s23], [sflag:$0x3] =	stream.indirect_vreg.gather [hbm4b:s6+s3], $0x80, v4, vm0, $0xb8;
	[tilespmem:$0x18200] =	vst v63  }
0x1b0: {  	s18 =	simm.s32 $0x9A00  }
0x1b1: {  	[tilespmem:s18], [sflag:$0x3] =	stream.indirect_vreg.gather [hbm4b:s7+s3], $0x80, v4, vm0, $0xb8;
	[tilespmem:$0x18200] =	vst v63  }
0x1b2: {  	s20 =	simm.s32 $0xA200  }
0x1b3: {  	[tilespmem:s20], [sflag:$0x3] =	stream.indirect_vreg.gather [hbm4b:s1+s3], $0x80, v3, vm0, $0xb8;
	[tilespmem:$0x18200] =	vst v63  }
0x1b4: {  	s21 =	simm.s32 $0xAA00  }
0x1b5: {  	[tilespmem:s21], [sflag:$0x3] =	stream.indirect_vreg.gather [hbm4b:s5+s3], $0x80, v3, vm0, $0xb8;
	[tilespmem:$0x18200] =	vst v63  }
0x1b6: {  	s23 =	simm.s32 $0xB200  }
0x1b7: {  	[tilespmem:s23], [sflag:$0x3] =	stream.indirect_vreg.gather [hbm4b:s6+s3], $0x80, v3, vm0, $0xb8;
	[tilespmem:$0x18200] =	vst v63  }
0x1b8: {  	s23 =	simm.s32 $0xBA00  }
0x1b9: {  	[tilespmem:s23], [sflag:$0x3] =	stream.indirect_vreg.gather [hbm4b:s7+s3], $0x80, v3, vm0, $0xb8;
	[tilespmem:$0x18200] =	vst v63  }
0x1ba: {  	_ =	swait.ge [sflag:s13], $0x4000  }
0x1bb: {  	[sflag:s13] =	ssyncset.done $0x0  }
0x1bc: {  	s23 =	simm.s32 $0x10200;
	s19 =	rddreg [dreg:$0xe];
	[sflag:s13] =	ssyncadd.s32 $0xFFFFC000  }
0x1bd: {  	[hbm4b:s19+s3] =	stream.linear.scatter [tilespmem:s23], [sflag:$0xB], $0x4000, $0x38;
	[tilespmem:$0x18200] =	vst v63  }
0x1be: {  	_ =	swait.ge [sflag:s14], $0x4000  }
0x1bf: {  	[sflag:s14] =	ssyncset.done $0x0  }
0x1c0: {  	[sflag:s14] =	ssyncadd.s32 $0xFFFFC000  }
0x1c1: {  	v3 =	vld [tilespmem:$0xF0];
	_ =	sdelay $0x4  }
0x1c2: {  	v47 =	vshll.u32 v3, $0x3  }
0x1c3: {  	v3 =	vand.u32 $0x7, v3;
	v4 =	vand.u32 $0xFFFFFFC0, v47  }
0x1c4: {  	v3 =	vor.u32 v3, v4  }
0x1c5: {  	v4 =	vperm.xlane v3, v0;
	_ =	sdelay $0x1  }
0x1c6: {  	v4 =	vadd.s32 v1, v4;
	_ =	sdelay $0x4  }
0x1c7: {  	[tilespmem:s0], [sflag:$0x4] =	stream.indirect_vreg.gather [hbm4b:s1+s3], $0x80, v4, vm0, $0xb8;
	[tilespmem:$0x18200] =	vst v63  }
0x1c8: {  	s19 =	simm.s32 $0xCA00;
	v3 =	vperm.xlane v3, v2  }
0x1c9: {  	[tilespmem:s19], [sflag:$0x4] =	stream.indirect_vreg.gather [hbm4b:s5+s3], $0x80, v4, vm0, $0xb8;
	[tilespmem:$0x18200] =	vst v63  }
0x1ca: {  	v3 =	vadd.s32 v1, v3  }
0x1cb: {  	[tilespmem:s28], [sflag:$0x4] =	stream.indirect_vreg.gather [hbm4b:s6+s3], $0x80, v4, vm0, $0xb8;
	[tilespmem:$0x18200] =	vst v63  }
0x1cc: {  	_ = 	snop  }
0x1cd: {  	[tilespmem:s31], [sflag:$0x4] =	stream.indirect_vreg.gather [hbm4b:s7+s3], $0x80, v4, vm0, $0xb8;
	[tilespmem:$0x18200] =	vst v63  }
0x1ce: {  	_ = 	snop  }
0x1cf: {  	[tilespmem:s4], [sflag:$0x4] =	stream.indirect_vreg.gather [hbm4b:s1+s3], $0x80, v3, vm0, $0xb8;
	[tilespmem:$0x18200] =	vst v63  }
0x1d0: {  	_ = 	snop  }
0x1d1: {  	[tilespmem:s10], [sflag:$0x4] =	stream.indirect_vreg.gather [hbm4b:s5+s3], $0x80, v3, vm0, $0xb8;
	[tilespmem:$0x18200] =	vst v63  }
0x1d2: {  	s10 =	simm.s32 $0xF200  }
0x1d3: {  	[tilespmem:s10], [sflag:$0x4] =	stream.indirect_vreg.gather [hbm4b:s6+s3], $0x80, v3, vm0, $0xb8;
	[tilespmem:$0x18200] =	vst v63  }
0x1d4: {  	s31 =	simm.s32 $0xFA00  }
0x1d5: {  	[tilespmem:s31], [sflag:$0x4] =	stream.indirect_vreg.gather [hbm4b:s7+s3], $0x80, v3, vm0, $0xb8;
	[tilespmem:$0x18200] =	vst v63  }
0x1d6: {  	_ =	swait.ge [sflag:s15], $0x4000  }
0x1d7: {  	[sflag:s15] =	ssyncset.done $0x0  }
0x1d8: {  	s0 =	simm.s32 $0x14200;
	s4 =	rddreg [dreg:$0xf];
	[sflag:s15] =	ssyncadd.s32 $0xFFFFC000  }
0x1d9: {  	[hbm4b:s4+s3] =	stream.linear.scatter [tilespmem:s0], [sflag:$0xC], $0x4000, $0x38;
	[tilespmem:$0x18200] =	vst v63  }
0x1da: {  	_ =	swait.ge [sflag:s16], $0x4000  }
0x1db: {  	[sflag:s16] =	ssyncset.done $0x0  }
0x1dc: {  	[sflag:s16] =	ssyncadd.s32 $0xFFFFC000  }
0x1dd: {  	v3 =	vld [tilespmem:$0x100];
	_ =	sdelay $0x4  }
0x1de: {  	v48 =	vshll.u32 v3, $0x3  }
0x1df: {  	v3 =	vand.u32 $0x7, v3;
	v4 =	vand.u32 $0xFFFFFFC0, v48  }
0x1e0: {  	v3 =	vor.u32 v3, v4  }
0x1e1: {  	v4 =	vperm.xlane v3, v0;
	_ =	sdelay $0x1  }
0x1e2: {  	v4 =	vadd.s32 v1, v4;
	_ =	sdelay $0x4  }
0x1e3: {  	[tilespmem:s23], [sflag:$0x5] =	stream.indirect_vreg.gather [hbm4b:s1+s3], $0x80, v4, vm0, $0xb8;
	[tilespmem:$0x18200] =	vst v63  }
0x1e4: {  	v3 =	vperm.xlane v3, v2  }
0x1e5: {  	[tilespmem:s22], [sflag:$0x5] =	stream.indirect_vreg.gather [hbm4b:s5+s3], $0x80, v4, vm0, $0xb8;
	[tilespmem:$0x18200] =	vst v63  }
0x1e6: {  	v3 =	vadd.s32 v1, v3  }
0x1e7: {  	[tilespmem:s8], [sflag:$0x5] =	stream.indirect_vreg.gather [hbm4b:s6+s3], $0x80, v4, vm0, $0xb8;
	[tilespmem:$0x18200] =	vst v63  }
0x1e8: {  	s23 =	simm.s32 $0x11A00  }
0x1e9: {  	[tilespmem:s23], [sflag:$0x5] =	stream.indirect_vreg.gather [hbm4b:s7+s3], $0x80, v4, vm0, $0xb8;
	[tilespmem:$0x18200] =	vst v63  }
0x1ea: {  	s28 =	simm.s32 $0x12200  }
0x1eb: {  	[tilespmem:s28], [sflag:$0x5] =	stream.indirect_vreg.gather [hbm4b:s1+s3], $0x80, v3, vm0, $0xb8;
	[tilespmem:$0x18200] =	vst v63  }
0x1ec: {  	_ = 	snop  }
0x1ed: {  	[tilespmem:s24], [sflag:$0x5] =	stream.indirect_vreg.gather [hbm4b:s5+s3], $0x80, v3, vm0, $0xb8;
	[tilespmem:$0x18200] =	vst v63  }
0x1ee: {  	_ = 	snop  }
0x1ef: {  	[tilespmem:s25], [sflag:$0x5] =	stream.indirect_vreg.gather [hbm4b:s6+s3], $0x80, v3, vm0, $0xb8;
	[tilespmem:$0x18200] =	vst v63  }
0x1f0: {  	s4 =	simm.s32 $0x13A00  }
0x1f1: {  	[tilespmem:s4], [sflag:$0x5] =	stream.indirect_vreg.gather [hbm4b:s7+s3], $0x80, v3, vm0, $0xb8;
	[tilespmem:$0x18200] =	vst v63  }
0x1f2: {  	_ =	swait.ge [sflag:s30], $0x4000  }
0x1f3: {  	[sflag:s30] =	ssyncset.done $0x0  }
0x1f4: {  	s22 =	simm.s32 $0x200;
	s31 =	rddreg [dreg:$0x10];
	[sflag:s30] =	ssyncadd.s32 $0xFFFFC000  }
0x1f5: {  	[hbm4b:s31+s3] =	stream.linear.scatter [tilespmem:s22], [sflag:$0x7], $0x4000, $0x38;
	[tilespmem:$0x18200] =	vst v63  }
0x1f6: {  	_ =	swait.ge [sflag:s17], $0x4000  }
0x1f7: {  	[sflag:s17] =	ssyncset.done $0x0  }
0x1f8: {  	[sflag:s17] =	ssyncadd.s32 $0xFFFFC000  }
0x1f9: {  	v3 =	vld [tilespmem:$0x110];
	_ =	sdelay $0x4  }
0x1fa: {  	v49 =	vshll.u32 v3, $0x3  }
0x1fb: {  	v3 =	vand.u32 $0x7, v3;
	v4 =	vand.u32 $0xFFFFFFC0, v49  }
0x1fc: {  	v3 =	vor.u32 v3, v4  }
0x1fd: {  	v4 =	vperm.xlane v3, v0;
	_ =	sdelay $0x1  }
0x1fe: {  	v4 =	vadd.s32 v1, v4;
	_ =	sdelay $0x4  }
0x1ff: {  	[tilespmem:s0], [sflag:$0x6] =	stream.indirect_vreg.gather [hbm4b:s1+s3], $0x80, v4, vm0, $0xb8;
	[tilespmem:$0x18200] =	vst v63  }
0x200: {  	s8 =	simm.s32 $0x14A00;
	v3 =	vperm.xlane v3, v2  }
0x201: {  	[tilespmem:s8], [sflag:$0x6] =	stream.indirect_vreg.gather [hbm4b:s5+s3], $0x80, v4, vm0, $0xb8;
	[tilespmem:$0x18200] =	vst v63  }
0x202: {  	v3 =	vadd.s32 v1, v3;
	s8 =	simm.s32 $0x15200  }
0x203: {  	[tilespmem:s8], [sflag:$0x6] =	stream.indirect_vreg.gather [hbm4b:s6+s3], $0x80, v4, vm0, $0xb8;
	[tilespmem:$0x18200] =	vst v63  }
0x204: {  	s23 =	simm.s32 $0x15A00  }
0x205: {  	[tilespmem:s23], [sflag:$0x6] =	stream.indirect_vreg.gather [hbm4b:s7+s3], $0x80, v4, vm0, $0xb8;
	[tilespmem:$0x18200] =	vst v63  }
0x206: {  	s19 =	simm.s32 $0x16200  }
0x207: {  	[tilespmem:s19], [sflag:$0x6] =	stream.indirect_vreg.gather [hbm4b:s1+s3], $0x80, v3, vm0, $0xb8;
	[tilespmem:$0x18200] =	vst v63  }
0x208: {  	s25 =	simm.s32 $0x16A00  }
0x209: {  	[tilespmem:s25], [sflag:$0x6] =	stream.indirect_vreg.gather [hbm4b:s5+s3], $0x80, v3, vm0, $0xb8;
	[tilespmem:$0x18200] =	vst v63  }
0x20a: {  	s28 =	simm.s32 $0x17200  }
0x20b: {  	[tilespmem:s28], [sflag:$0x6] =	stream.indirect_vreg.gather [hbm4b:s6+s3], $0x80, v3, vm0, $0xb8;
	[tilespmem:$0x18200] =	vst v63  }
0x20c: {  	s24 =	simm.s32 $0x17A00  }
0x20d: {  	[tilespmem:s24], [sflag:$0x6] =	stream.indirect_vreg.gather [hbm4b:s7+s3], $0x80, v3, vm0, $0xb8;
	[tilespmem:$0x18200] =	vst v63  }
0x20e: {  	_ =	swait.ge [sflag:s29], $0x4000  }
0x20f: {  	[sflag:s29] =	ssyncset.done $0x0  }
0x210: {  	s0 =	simm.s32 $0x4200;
	s31 =	rddreg [dreg:$0x11];
	[sflag:s29] =	ssyncadd.s32 $0xFFFFC000  }
0x211: {  	[hbm4b:s31+s3] =	stream.linear.scatter [tilespmem:s0], [sflag:$0x8], $0x4000, $0x38;
	[tilespmem:$0x18200] =	vst v63  }
0x212: {  	_ =	swait.ge [sflag:s2], $0x4000  }
0x213: {  	[sflag:s2] =	ssyncset.done $0x0  }
0x214: {  	[sflag:s2] =	ssyncadd.s32 $0xFFFFC000  }
0x215: {  	v3 =	vld [tilespmem:$0x120];
	_ =	sdelay $0x4  }
0x216: {  	v50 =	vshll.u32 v3, $0x3  }
0x217: {  	v3 =	vand.u32 $0x7, v3;
	v4 =	vand.u32 $0xFFFFFFC0, v50  }
0x218: {  	v3 =	vor.u32 v3, v4  }
0x219: {  	v4 =	vperm.xlane v3, v0;
	_ =	sdelay $0x1  }
0x21a: {  	v4 =	vadd.s32 v1, v4;
	_ =	sdelay $0x4  }
0x21b: {  	[tilespmem:s22], [sflag:$0x1] =	stream.indirect_vreg.gather [hbm4b:s1+s3], $0x80, v4, vm0, $0xb8;
	[tilespmem:$0x18200] =	vst v63  }
0x21c: {  	s24 =	simm.s32 $0xA00;
	v3 =	vperm.xlane v3, v2  }
0x21d: {  	[tilespmem:s24], [sflag:$0x1] =	stream.indirect_vreg.gather [hbm4b:s5+s3], $0x80, v4, vm0, $0xb8;
	[tilespmem:$0x18200] =	vst v63  }
0x21e: {  	s31 =	simm.s32 $0x1200;
	v3 =	vadd.s32 v1, v3  }
0x21f: {  	[tilespmem:s31], [sflag:$0x1] =	stream.indirect_vreg.gather [hbm4b:s6+s3], $0x80, v4, vm0, $0xb8;
	[tilespmem:$0x18200] =	vst v63  }
0x220: {  	s22 =	simm.s32 $0x1A00  }
0x221: {  	[tilespmem:s22], [sflag:$0x1] =	stream.indirect_vreg.gather [hbm4b:s7+s3], $0x80, v4, vm0, $0xb8;
	[tilespmem:$0x18200] =	vst v63  }
0x222: {  	s24 =	simm.s32 $0x2200  }
0x223: {  	[tilespmem:s24], [sflag:$0x1] =	stream.indirect_vreg.gather [hbm4b:s1+s3], $0x80, v3, vm0, $0xb8;
	[tilespmem:$0x18200] =	vst v63  }
0x224: {  	s31 =	simm.s32 $0x2A00  }
0x225: {  	[tilespmem:s31], [sflag:$0x1] =	stream.indirect_vreg.gather [hbm4b:s5+s3], $0x80, v3, vm0, $0xb8;
	[tilespmem:$0x18200] =	vst v63  }
0x226: {  	s22 =	simm.s32 $0x3200  }
0x227: {  	[tilespmem:s22], [sflag:$0x1] =	stream.indirect_vreg.gather [hbm4b:s6+s3], $0x80, v3, vm0, $0xb8;
	[tilespmem:$0x18200] =	vst v63  }
0x228: {  	s24 =	simm.s32 $0x3A00  }
0x229: {  	[tilespmem:s24], [sflag:$0x1] =	stream.indirect_vreg.gather [hbm4b:s7+s3], $0x80, v3, vm0, $0xb8;
	[tilespmem:$0x18200] =	vst v63  }
0x22a: {  	_ =	swait.ge [sflag:s26], $0x4000  }
0x22b: {  	[sflag:s26] =	ssyncset.done $0x0  }
0x22c: {  	s24 =	simm.s32 $0x8200;
	s31 =	rddreg [dreg:$0x12];
	[sflag:s26] =	ssyncadd.s32 $0xFFFFC000  }
0x22d: {  	[hbm4b:s31+s3] =	stream.linear.scatter [tilespmem:s24], [sflag:$0x9], $0x4000, $0x38;
	[tilespmem:$0x18200] =	vst v63  }
0x22e: {  	_ =	swait.ge [sflag:s9], $0x4000  }
0x22f: {  	[sflag:s9] =	ssyncset.done $0x0  }
0x230: {  	[sflag:s9] =	ssyncadd.s32 $0xFFFFC000  }
0x231: {  	v3 =	vld [tilespmem:$0x130];
	_ =	sdelay $0x4  }
0x232: {  	v51 =	vshll.u32 v3, $0x3  }
0x233: {  	v3 =	vand.u32 $0x7, v3;
	v4 =	vand.u32 $0xFFFFFFC0, v51  }
0x234: {  	v3 =	vor.u32 v3, v4  }
0x235: {  	v4 =	vperm.xlane v3, v0;
	_ =	sdelay $0x1  }
0x236: {  	v4 =	vadd.s32 v1, v4;
	_ =	sdelay $0x4  }
0x237: {  	[tilespmem:s0], [sflag:$0x2] =	stream.indirect_vreg.gather [hbm4b:s1+s3], $0x80, v4, vm0, $0xb8;
	[tilespmem:$0x18200] =	vst v63  }
0x238: {  	s22 =	simm.s32 $0x4A00;
	v3 =	vperm.xlane v3, v2  }
0x239: {  	[tilespmem:s22], [sflag:$0x2] =	stream.indirect_vreg.gather [hbm4b:s5+s3], $0x80, v4, vm0, $0xb8;
	[tilespmem:$0x18200] =	vst v63  }
0x23a: {  	s31 =	simm.s32 $0x5200;
	v3 =	vadd.s32 v1, v3  }
0x23b: {  	[tilespmem:s31], [sflag:$0x2] =	stream.indirect_vreg.gather [hbm4b:s6+s3], $0x80, v4, vm0, $0xb8;
	[tilespmem:$0x18200] =	vst v63  }
0x23c: {  	s22 =	simm.s32 $0x5A00  }
0x23d: {  	[tilespmem:s22], [sflag:$0x2] =	stream.indirect_vreg.gather [hbm4b:s7+s3], $0x80, v4, vm0, $0xb8;
	[tilespmem:$0x18200] =	vst v63  }
0x23e: {  	s31 =	simm.s32 $0x6200  }
0x23f: {  	[tilespmem:s31], [sflag:$0x2] =	stream.indirect_vreg.gather [hbm4b:s1+s3], $0x80, v3, vm0, $0xb8;
	[tilespmem:$0x18200] =	vst v63  }
0x240: {  	s0 =	simm.s32 $0x6A00  }
0x241: {  	[tilespmem:s0], [sflag:$0x2] =	stream.indirect_vreg.gather [hbm4b:s5+s3], $0x80, v3, vm0, $0xb8;
	[tilespmem:$0x18200] =	vst v63  }
0x242: {  	s0 =	simm.s32 $0x7200  }
0x243: {  	[tilespmem:s0], [sflag:$0x2] =	stream.indirect_vreg.gather [hbm4b:s6+s3], $0x80, v3, vm0, $0xb8;
	[tilespmem:$0x18200] =	vst v63  }
0x244: {  	s0 =	simm.s32 $0x7A00  }
0x245: {  	[tilespmem:s0], [sflag:$0x2] =	stream.indirect_vreg.gather [hbm4b:s7+s3], $0x80, v3, vm0, $0xb8;
	[tilespmem:$0x18200] =	vst v63  }
0x246: {  	_ =	swait.ge [sflag:s11], $0x4000  }
0x247: {  	[sflag:s11] =	ssyncset.done $0x0  }
0x248: {  	s0 =	simm.s32 $0xC200;
	s19 =	rddreg [dreg:$0x13];
	[sflag:s11] =	ssyncadd.s32 $0xFFFFC000  }
0x249: {  	[hbm4b:s19+s3] =	stream.linear.scatter [tilespmem:s0], [sflag:$0xA], $0x4000, $0x38;
	[tilespmem:$0x18200] =	vst v63  }
0x24a: {  	_ =	swait.ge [sflag:s12], $0x4000  }
0x24b: {  	[sflag:s12] =	ssyncset.done $0x0  }
0x24c: {  	[sflag:s12] =	ssyncadd.s32 $0xFFFFC000  }
0x24d: {  	v3 =	vld [tilespmem:$0x140];
	_ =	sdelay $0x4  }
0x24e: {  	v52 =	vshll.u32 v3, $0x3  }
0x24f: {  	v3 =	vand.u32 $0x7, v3;
	v4 =	vand.u32 $0xFFFFFFC0, v52  }
0x250: {  	v3 =	vor.u32 v3, v4  }
0x251: {  	v4 =	vperm.xlane v3, v0;
	_ =	sdelay $0x1  }
0x252: {  	v4 =	vadd.s32 v1, v4;
	_ =	sdelay $0x4  }
0x253: {  	[tilespmem:s24], [sflag:$0x3] =	stream.indirect_vreg.gather [hbm4b:s1+s3], $0x80, v4, vm0, $0xb8;
	[tilespmem:$0x18200] =	vst v63  }
0x254: {  	v3 =	vperm.xlane v3, v2;
	s24 =	simm.s32 $0x8A00  }
0x255: {  	[tilespmem:s24], [sflag:$0x3] =	stream.indirect_vreg.gather [hbm4b:s5+s3], $0x80, v4, vm0, $0xb8;
	[tilespmem:$0x18200] =	vst v63  }
0x256: {  	v3 =	vadd.s32 v1, v3;
	s24 =	simm.s32 $0x9200  }
0x257: {  	[tilespmem:s24], [sflag:$0x3] =	stream.indirect_vreg.gather [hbm4b:s6+s3], $0x80, v4, vm0, $0xb8;
	[tilespmem:$0x18200] =	vst v63  }
0x258: {  	_ = 	snop  }
0x259: {  	[tilespmem:s18], [sflag:$0x3] =	stream.indirect_vreg.gather [hbm4b:s7+s3], $0x80, v4, vm0, $0xb8;
	[tilespmem:$0x18200] =	vst v63  }
0x25a: {  	_ = 	snop  }
0x25b: {  	[tilespmem:s20], [sflag:$0x3] =	stream.indirect_vreg.gather [hbm4b:s1+s3], $0x80, v3, vm0, $0xb8;
	[tilespmem:$0x18200] =	vst v63  }
0x25c: {  	_ = 	snop  }
0x25d: {  	[tilespmem:s21], [sflag:$0x3] =	stream.indirect_vreg.gather [hbm4b:s5+s3], $0x80, v3, vm0, $0xb8;
	[tilespmem:$0x18200] =	vst v63  }
0x25e: {  	s19 =	simm.s32 $0xB200  }
0x25f: {  	[tilespmem:s19], [sflag:$0x3] =	stream.indirect_vreg.gather [hbm4b:s6+s3], $0x80, v3, vm0, $0xb8;
	[tilespmem:$0x18200] =	vst v63  }
0x260: {  	s20 =	simm.s32 $0xBA00  }
0x261: {  	[tilespmem:s20], [sflag:$0x3] =	stream.indirect_vreg.gather [hbm4b:s7+s3], $0x80, v3, vm0, $0xb8;
	[tilespmem:$0x18200] =	vst v63  }
0x262: {  	_ =	swait.ge [sflag:s13], $0x4000  }
0x263: {  	[sflag:s13] =	ssyncset.done $0x0  }
0x264: {  	s24 =	simm.s32 $0x10200;
	s21 =	rddreg [dreg:$0x14];
	[sflag:s13] =	ssyncadd.s32 $0xFFFFC000  }
0x265: {  	[hbm4b:s21+s3] =	stream.linear.scatter [tilespmem:s24], [sflag:$0xB], $0x4000, $0x38;
	[tilespmem:$0x18200] =	vst v63  }
0x266: {  	_ =	swait.ge [sflag:s14], $0x4000  }
0x267: {  	[sflag:s14] =	ssyncset.done $0x0  }
0x268: {  	[sflag:s14] =	ssyncadd.s32 $0xFFFFC000  }
0x269: {  	v3 =	vld [tilespmem:$0x150];
	_ =	sdelay $0x4  }
0x26a: {  	v53 =	vshll.u32 v3, $0x3  }
0x26b: {  	v3 =	vand.u32 $0x7, v3;
	v4 =	vand.u32 $0xFFFFFFC0, v53  }
0x26c: {  	v3 =	vor.u32 v3, v4  }
0x26d: {  	v4 =	vperm.xlane v3, v0;
	_ =	sdelay $0x1  }
0x26e: {  	v4 =	vadd.s32 v1, v4;
	_ =	sdelay $0x4  }
0x26f: {  	[tilespmem:s0], [sflag:$0x4] =	stream.indirect_vreg.gather [hbm4b:s1+s3], $0x80, v4, vm0, $0xb8;
	[tilespmem:$0x18200] =	vst v63  }
0x270: {  	s18 =	simm.s32 $0xCA00;
	v3 =	vperm.xlane v3, v2  }
0x271: {  	[tilespmem:s18], [sflag:$0x4] =	stream.indirect_vreg.gather [hbm4b:s5+s3], $0x80, v4, vm0, $0xb8;
	[tilespmem:$0x18200] =	vst v63  }
0x272: {  	s20 =	simm.s32 $0xD200;
	v3 =	vadd.s32 v1, v3  }
0x273: {  	[tilespmem:s20], [sflag:$0x4] =	stream.indirect_vreg.gather [hbm4b:s6+s3], $0x80, v4, vm0, $0xb8;
	[tilespmem:$0x18200] =	vst v63  }
0x274: {  	s21 =	simm.s32 $0xDA00  }
0x275: {  	[tilespmem:s21], [sflag:$0x4] =	stream.indirect_vreg.gather [hbm4b:s7+s3], $0x80, v4, vm0, $0xb8;
	[tilespmem:$0x18200] =	vst v63  }
0x276: {  	s18 =	simm.s32 $0xE200  }
0x277: {  	[tilespmem:s18], [sflag:$0x4] =	stream.indirect_vreg.gather [hbm4b:s1+s3], $0x80, v3, vm0, $0xb8;
	[tilespmem:$0x18200] =	vst v63  }
0x278: {  	s19 =	simm.s32 $0xEA00  }
0x279: {  	[tilespmem:s19], [sflag:$0x4] =	stream.indirect_vreg.gather [hbm4b:s5+s3], $0x80, v3, vm0, $0xb8;
	[tilespmem:$0x18200] =	vst v63  }
0x27a: {  	_ = 	snop  }
0x27b: {  	[tilespmem:s10], [sflag:$0x4] =	stream.indirect_vreg.gather [hbm4b:s6+s3], $0x80, v3, vm0, $0xb8;
	[tilespmem:$0x18200] =	vst v63  }
0x27c: {  	s20 =	simm.s32 $0xFA00  }
0x27d: {  	[tilespmem:s20], [sflag:$0x4] =	stream.indirect_vreg.gather [hbm4b:s7+s3], $0x80, v3, vm0, $0xb8;
	[tilespmem:$0x18200] =	vst v63  }
0x27e: {  	_ =	swait.ge [sflag:s15], $0x4000  }
0x27f: {  	[sflag:s15] =	ssyncset.done $0x0  }
0x280: {  	s0 =	simm.s32 $0x14200;
	s21 =	rddreg [dreg:$0x15];
	[sflag:s15] =	ssyncadd.s32 $0xFFFFC000  }
0x281: {  	[hbm4b:s21+s3] =	stream.linear.scatter [tilespmem:s0], [sflag:$0xC], $0x4000, $0x38;
	[tilespmem:$0x18200] =	vst v63  }
0x282: {  	_ =	swait.ge [sflag:s16], $0x4000  }
0x283: {  	[sflag:s16] =	ssyncset.done $0x0  }
0x284: {  	[sflag:s16] =	ssyncadd.s32 $0xFFFFC000  }
0x285: {  	v3 =	vld [tilespmem:$0x160];
	_ =	sdelay $0x4  }
0x286: {  	v54 =	vshll.u32 v3, $0x3  }
0x287: {  	v3 =	vand.u32 $0x7, v3;
	v4 =	vand.u32 $0xFFFFFFC0, v54  }
0x288: {  	v3 =	vor.u32 v3, v4  }
0x289: {  	v4 =	vperm.xlane v3, v0;
	_ =	sdelay $0x1  }
0x28a: {  	v4 =	vadd.s32 v1, v4;
	_ =	sdelay $0x4  }
0x28b: {  	[tilespmem:s24], [sflag:$0x5] =	stream.indirect_vreg.gather [hbm4b:s1+s3], $0x80, v4, vm0, $0xb8;
	[tilespmem:$0x18200] =	vst v63  }
0x28c: {  	v3 =	vperm.xlane v3, v2;
	s24 =	simm.s32 $0x10A00  }
0x28d: {  	[tilespmem:s24], [sflag:$0x5] =	stream.indirect_vreg.gather [hbm4b:s5+s3], $0x80, v4, vm0, $0xb8;
	[tilespmem:$0x18200] =	vst v63  }
0x28e: {  	s10 =	simm.s32 $0x11200;
	v3 =	vadd.s32 v1, v3  }
0x28f: {  	[tilespmem:s10], [sflag:$0x5] =	stream.indirect_vreg.gather [hbm4b:s6+s3], $0x80, v4, vm0, $0xb8;
	[tilespmem:$0x18200] =	vst v63  }
0x290: {  	s18 =	simm.s32 $0x11A00  }
0x291: {  	[tilespmem:s18], [sflag:$0x5] =	stream.indirect_vreg.gather [hbm4b:s7+s3], $0x80, v4, vm0, $0xb8;
	[tilespmem:$0x18200] =	vst v63  }
0x292: {  	s20 =	simm.s32 $0x12200  }
0x293: {  	[tilespmem:s20], [sflag:$0x5] =	stream.indirect_vreg.gather [hbm4b:s1+s3], $0x80, v3, vm0, $0xb8;
	[tilespmem:$0x18200] =	vst v63  }
0x294: {  	s21 =	simm.s32 $0x12A00  }
0x295: {  	[tilespmem:s21], [sflag:$0x5] =	stream.indirect_vreg.gather [hbm4b:s5+s3], $0x80, v3, vm0, $0xb8;
	[tilespmem:$0x18200] =	vst v63  }
0x296: {  	s24 =	simm.s32 $0x13200  }
0x297: {  	[tilespmem:s24], [sflag:$0x5] =	stream.indirect_vreg.gather [hbm4b:s6+s3], $0x80, v3, vm0, $0xb8;
	[tilespmem:$0x18200] =	vst v63  }
0x298: {  	_ = 	snop  }
0x299: {  	[tilespmem:s4], [sflag:$0x5] =	stream.indirect_vreg.gather [hbm4b:s7+s3], $0x80, v3, vm0, $0xb8;
	[tilespmem:$0x18200] =	vst v63  }
0x29a: {  	_ =	swait.ge [sflag:s30], $0x4000  }
0x29b: {  	[sflag:s30] =	ssyncset.done $0x0  }
0x29c: {  	s4 =	simm.s32 $0x200;
	s19 =	rddreg [dreg:$0x16];
	[sflag:s30] =	ssyncadd.s32 $0xFFFFC000  }
0x29d: {  	[hbm4b:s19+s3] =	stream.linear.scatter [tilespmem:s4], [sflag:$0x7], $0x4000, $0x38;
	[tilespmem:$0x18200] =	vst v63  }
0x29e: {  	_ =	swait.ge [sflag:s17], $0x4000  }
0x29f: {  	[sflag:s17] =	ssyncset.done $0x0  }
0x2a0: {  	[sflag:s17] =	ssyncadd.s32 $0xFFFFC000  }
0x2a1: {  	v3 =	vld [tilespmem:$0x170];
	_ =	sdelay $0x4  }
0x2a2: {  	v55 =	vshll.u32 v3, $0x3  }
0x2a3: {  	v3 =	vand.u32 $0x7, v3;
	v4 =	vand.u32 $0xFFFFFFC0, v55  }
0x2a4: {  	v3 =	vor.u32 v3, v4  }
0x2a5: {  	v4 =	vperm.xlane v3, v0;
	_ =	sdelay $0x1  }
0x2a6: {  	v4 =	vadd.s32 v1, v4;
	_ =	sdelay $0x4  }
0x2a7: {  	[tilespmem:s0], [sflag:$0x6] =	stream.indirect_vreg.gather [hbm4b:s1+s3], $0x80, v4, vm0, $0xb8;
	[tilespmem:$0x18200] =	vst v63  }
0x2a8: {  	v3 =	vperm.xlane v3, v2;
	s0 =	simm.s32 $0x14A00  }
0x2a9: {  	[tilespmem:s0], [sflag:$0x6] =	stream.indirect_vreg.gather [hbm4b:s5+s3], $0x80, v4, vm0, $0xb8;
	[tilespmem:$0x18200] =	vst v63  }
0x2aa: {  	v3 =	vadd.s32 v1, v3  }
0x2ab: {  	[tilespmem:s8], [sflag:$0x6] =	stream.indirect_vreg.gather [hbm4b:s6+s3], $0x80, v4, vm0, $0xb8;
	[tilespmem:$0x18200] =	vst v63  }
0x2ac: {  	_ = 	snop  }
0x2ad: {  	[tilespmem:s23], [sflag:$0x6] =	stream.indirect_vreg.gather [hbm4b:s7+s3], $0x80, v4, vm0, $0xb8;
	[tilespmem:$0x18200] =	vst v63  }
0x2ae: {  	s19 =	simm.s32 $0x16200  }
0x2af: {  	[tilespmem:s19], [sflag:$0x6] =	stream.indirect_vreg.gather [hbm4b:s1+s3], $0x80, v3, vm0, $0xb8;
	[tilespmem:$0x18200] =	vst v63  }
0x2b0: {  	_ = 	snop  }
0x2b1: {  	[tilespmem:s25], [sflag:$0x6] =	stream.indirect_vreg.gather [hbm4b:s5+s3], $0x80, v3, vm0, $0xb8;
	[tilespmem:$0x18200] =	vst v63  }
0x2b2: {  	_ = 	snop  }
0x2b3: {  	[tilespmem:s28], [sflag:$0x6] =	stream.indirect_vreg.gather [hbm4b:s6+s3], $0x80, v3, vm0, $0xb8;
	[tilespmem:$0x18200] =	vst v63  }
0x2b4: {  	s23 =	simm.s32 $0x17A00  }
0x2b5: {  	[tilespmem:s23], [sflag:$0x6] =	stream.indirect_vreg.gather [hbm4b:s7+s3], $0x80, v3, vm0, $0xb8;
	[tilespmem:$0x18200] =	vst v63  }
0x2b6: {  	_ =	swait.ge [sflag:s29], $0x4000  }
0x2b7: {  	[sflag:s29] =	ssyncset.done $0x0  }
0x2b8: {  	s0 =	simm.s32 $0x4200;
	s25 =	rddreg [dreg:$0x17];
	[sflag:s29] =	ssyncadd.s32 $0xFFFFC000  }
0x2b9: {  	[hbm4b:s25+s3] =	stream.linear.scatter [tilespmem:s0], [sflag:$0x8], $0x4000, $0x38;
	[tilespmem:$0x18200] =	vst v63  }
0x2ba: {  	_ =	swait.ge [sflag:s2], $0x4000  }
0x2bb: {  	[sflag:s2] =	ssyncset.done $0x0  }
0x2bc: {  	[sflag:s2] =	ssyncadd.s32 $0xFFFFC000  }
0x2bd: {  	v3 =	vld [tilespmem:$0x180];
	_ =	sdelay $0x4  }
0x2be: {  	v56 =	vshll.u32 v3, $0x3  }
0x2bf: {  	v3 =	vand.u32 $0x7, v3;
	v4 =	vand.u32 $0xFFFFFFC0, v56  }
0x2c0: {  	v3 =	vor.u32 v3, v4  }
0x2c1: {  	v4 =	vperm.xlane v3, v0;
	_ =	sdelay $0x1  }
0x2c2: {  	v4 =	vadd.s32 v1, v4;
	_ =	sdelay $0x4  }
0x2c3: {  	[tilespmem:s4], [sflag:$0x1] =	stream.indirect_vreg.gather [hbm4b:s1+s3], $0x80, v4, vm0, $0xb8;
	[tilespmem:$0x18200] =	vst v63  }
0x2c4: {  	v3 =	vperm.xlane v3, v2;
	s4 =	simm.s32 $0xA00  }
0x2c5: {  	[tilespmem:s4], [sflag:$0x1] =	stream.indirect_vreg.gather [hbm4b:s5+s3], $0x80, v4, vm0, $0xb8;
	[tilespmem:$0x18200] =	vst v63  }
0x2c6: {  	s23 =	simm.s32 $0x1200;
	v3 =	vadd.s32 v1, v3  }
0x2c7: {  	[tilespmem:s23], [sflag:$0x1] =	stream.indirect_vreg.gather [hbm4b:s6+s3], $0x80, v4, vm0, $0xb8;
	[tilespmem:$0x18200] =	vst v63  }
0x2c8: {  	s25 =	simm.s32 $0x1A00  }
0x2c9: {  	[tilespmem:s25], [sflag:$0x1] =	stream.indirect_vreg.gather [hbm4b:s7+s3], $0x80, v4, vm0, $0xb8;
	[tilespmem:$0x18200] =	vst v63  }
0x2ca: {  	s4 =	simm.s32 $0x2200  }
0x2cb: {  	[tilespmem:s4], [sflag:$0x1] =	stream.indirect_vreg.gather [hbm4b:s1+s3], $0x80, v3, vm0, $0xb8;
	[tilespmem:$0x18200] =	vst v63  }
0x2cc: {  	s23 =	simm.s32 $0x2A00  }
0x2cd: {  	[tilespmem:s23], [sflag:$0x1] =	stream.indirect_vreg.gather [hbm4b:s5+s3], $0x80, v3, vm0, $0xb8;
	[tilespmem:$0x18200] =	vst v63  }
0x2ce: {  	s25 =	simm.s32 $0x3200  }
0x2cf: {  	[tilespmem:s25], [sflag:$0x1] =	stream.indirect_vreg.gather [hbm4b:s6+s3], $0x80, v3, vm0, $0xb8;
	[tilespmem:$0x18200] =	vst v63  }
0x2d0: {  	s4 =	simm.s32 $0x3A00  }
0x2d1: {  	[tilespmem:s4], [sflag:$0x1] =	stream.indirect_vreg.gather [hbm4b:s7+s3], $0x80, v3, vm0, $0xb8;
	[tilespmem:$0x18200] =	vst v63  }
0x2d2: {  	_ =	swait.ge [sflag:s26], $0x4000  }
0x2d3: {  	[sflag:s26] =	ssyncset.done $0x0  }
0x2d4: {  	s25 =	simm.s32 $0x8200;
	s23 =	rddreg [dreg:$0x18];
	[sflag:s26] =	ssyncadd.s32 $0xFFFFC000  }
0x2d5: {  	[hbm4b:s23+s3] =	stream.linear.scatter [tilespmem:s25], [sflag:$0x9], $0x4000, $0x38;
	[tilespmem:$0x18200] =	vst v63  }
0x2d6: {  	_ =	swait.ge [sflag:s9], $0x4000  }
0x2d7: {  	[sflag:s9] =	ssyncset.done $0x0  }
0x2d8: {  	[sflag:s9] =	ssyncadd.s32 $0xFFFFC000  }
0x2d9: {  	v3 =	vld [tilespmem:$0x190];
	_ =	sdelay $0x4  }
0x2da: {  	v57 =	vshll.u32 v3, $0x3  }
0x2db: {  	v3 =	vand.u32 $0x7, v3;
	v4 =	vand.u32 $0xFFFFFFC0, v57  }
0x2dc: {  	v3 =	vor.u32 v3, v4  }
0x2dd: {  	v4 =	vperm.xlane v3, v0;
	_ =	sdelay $0x1  }
0x2de: {  	v4 =	vadd.s32 v1, v4;
	_ =	sdelay $0x4  }
0x2df: {  	[tilespmem:s0], [sflag:$0x2] =	stream.indirect_vreg.gather [hbm4b:s1+s3], $0x80, v4, vm0, $0xb8;
	[tilespmem:$0x18200] =	vst v63  }
0x2e0: {  	v3 =	vperm.xlane v3, v2;
	s0 =	simm.s32 $0x4A00  }
0x2e1: {  	[tilespmem:s0], [sflag:$0x2] =	stream.indirect_vreg.gather [hbm4b:s5+s3], $0x80, v4, vm0, $0xb8;
	[tilespmem:$0x18200] =	vst v63  }
0x2e2: {  	s19 =	simm.s32 $0x5200;
	v3 =	vadd.s32 v1, v3  }
0x2e3: {  	[tilespmem:s19], [sflag:$0x2] =	stream.indirect_vreg.gather [hbm4b:s6+s3], $0x80, v4, vm0, $0xb8;
	[tilespmem:$0x18200] =	vst v63  }
0x2e4: {  	_ = 	snop  }
0x2e5: {  	[tilespmem:s22], [sflag:$0x2] =	stream.indirect_vreg.gather [hbm4b:s7+s3], $0x80, v4, vm0, $0xb8;
	[tilespmem:$0x18200] =	vst v63  }
0x2e6: {  	_ = 	snop  }
0x2e7: {  	[tilespmem:s31], [sflag:$0x2] =	stream.indirect_vreg.gather [hbm4b:s1+s3], $0x80, v3, vm0, $0xb8;
	[tilespmem:$0x18200] =	vst v63  }
0x2e8: {  	s23 =	simm.s32 $0x6A00  }
0x2e9: {  	[tilespmem:s23], [sflag:$0x2] =	stream.indirect_vreg.gather [hbm4b:s5+s3], $0x80, v3, vm0, $0xb8;
	[tilespmem:$0x18200] =	vst v63  }
0x2ea: {  	s0 =	simm.s32 $0x7200  }
0x2eb: {  	[tilespmem:s0], [sflag:$0x2] =	stream.indirect_vreg.gather [hbm4b:s6+s3], $0x80, v3, vm0, $0xb8;
	[tilespmem:$0x18200] =	vst v63  }
0x2ec: {  	s22 =	simm.s32 $0x7A00  }
0x2ed: {  	[tilespmem:s22], [sflag:$0x2] =	stream.indirect_vreg.gather [hbm4b:s7+s3], $0x80, v3, vm0, $0xb8;
	[tilespmem:$0x18200] =	vst v63  }
0x2ee: {  	_ =	swait.ge [sflag:s11], $0x4000  }
0x2ef: {  	[sflag:s11] =	ssyncset.done $0x0  }
0x2f0: {  	s0 =	simm.s32 $0xC200;
	s23 =	rddreg [dreg:$0x19];
	[sflag:s11] =	ssyncadd.s32 $0xFFFFC000  }
0x2f1: {  	[hbm4b:s23+s3] =	stream.linear.scatter [tilespmem:s0], [sflag:$0xA], $0x4000, $0x38;
	[tilespmem:$0x18200] =	vst v63  }
0x2f2: {  	_ =	swait.ge [sflag:s12], $0x4000  }
0x2f3: {  	[sflag:s12] =	ssyncset.done $0x0  }
0x2f4: {  	[sflag:s12] =	ssyncadd.s32 $0xFFFFC000  }
0x2f5: {  	v3 =	vld [tilespmem:$0x1A0];
	_ =	sdelay $0x4  }
0x2f6: {  	v58 =	vshll.u32 v3, $0x3  }
0x2f7: {  	v3 =	vand.u32 $0x7, v3;
	v4 =	vand.u32 $0xFFFFFFC0, v58  }
0x2f8: {  	v3 =	vor.u32 v3, v4  }
0x2f9: {  	v4 =	vperm.xlane v3, v0;
	_ =	sdelay $0x1  }
0x2fa: {  	v4 =	vadd.s32 v1, v4;
	_ =	sdelay $0x4  }
0x2fb: {  	[tilespmem:s25], [sflag:$0x3] =	stream.indirect_vreg.gather [hbm4b:s1+s3], $0x80, v4, vm0, $0xb8;
	[tilespmem:$0x18200] =	vst v63  }
0x2fc: {  	v3 =	vperm.xlane v3, v2;
	s25 =	simm.s32 $0x8A00  }
0x2fd: {  	[tilespmem:s25], [sflag:$0x3] =	stream.indirect_vreg.gather [hbm4b:s5+s3], $0x80, v4, vm0, $0xb8;
	[tilespmem:$0x18200] =	vst v63  }
0x2fe: {  	s23 =	simm.s32 $0x9200;
	v3 =	vadd.s32 v1, v3  }
0x2ff: {  	[tilespmem:s23], [sflag:$0x3] =	stream.indirect_vreg.gather [hbm4b:s6+s3], $0x80, v4, vm0, $0xb8;
	[tilespmem:$0x18200] =	vst v63  }
0x300: {  	s25 =	simm.s32 $0x9A00  }
0x301: {  	[tilespmem:s25], [sflag:$0x3] =	stream.indirect_vreg.gather [hbm4b:s7+s3], $0x80, v4, vm0, $0xb8;
	[tilespmem:$0x18200] =	vst v63  }
0x302: {  	s23 =	simm.s32 $0xA200  }
0x303: {  	[tilespmem:s23], [sflag:$0x3] =	stream.indirect_vreg.gather [hbm4b:s1+s3], $0x80, v3, vm0, $0xb8;
	[tilespmem:$0x18200] =	vst v63  }
0x304: {  	s25 =	simm.s32 $0xAA00  }
0x305: {  	[tilespmem:s25], [sflag:$0x3] =	stream.indirect_vreg.gather [hbm4b:s5+s3], $0x80, v3, vm0, $0xb8;
	[tilespmem:$0x18200] =	vst v63  }
0x306: {  	s23 =	simm.s32 $0xB200  }
0x307: {  	[tilespmem:s23], [sflag:$0x3] =	stream.indirect_vreg.gather [hbm4b:s6+s3], $0x80, v3, vm0, $0xb8;
	[tilespmem:$0x18200] =	vst v63  }
0x308: {  	s25 =	simm.s32 $0xBA00  }
0x309: {  	[tilespmem:s25], [sflag:$0x3] =	stream.indirect_vreg.gather [hbm4b:s7+s3], $0x80, v3, vm0, $0xb8;
	[tilespmem:$0x18200] =	vst v63  }
0x30a: {  	_ =	swait.ge [sflag:s13], $0x4000  }
0x30b: {  	[sflag:s13] =	ssyncset.done $0x0  }
0x30c: {  	s25 =	simm.s32 $0x10200;
	s23 =	rddreg [dreg:$0x1a];
	[sflag:s13] =	ssyncadd.s32 $0xFFFFC000  }
0x30d: {  	[hbm4b:s23+s3] =	stream.linear.scatter [tilespmem:s25], [sflag:$0xB], $0x4000, $0x38;
	[tilespmem:$0x18200] =	vst v63  }
0x30e: {  	_ =	swait.ge [sflag:s14], $0x4000  }
0x30f: {  	[sflag:s14] =	ssyncset.done $0x0  }
0x310: {  	[sflag:s14] =	ssyncadd.s32 $0xFFFFC000  }
0x311: {  	v3 =	vld [tilespmem:$0x1B0];
	_ =	sdelay $0x4  }
0x312: {  	v59 =	vshll.u32 v3, $0x3  }
0x313: {  	v3 =	vand.u32 $0x7, v3;
	v4 =	vand.u32 $0xFFFFFFC0, v59  }
0x314: {  	v3 =	vor.u32 v3, v4  }
0x315: {  	v4 =	vperm.xlane v3, v0;
	_ =	sdelay $0x1  }
0x316: {  	v4 =	vadd.s32 v1, v4;
	_ =	sdelay $0x4  }
0x317: {  	[tilespmem:s0], [sflag:$0x4] =	stream.indirect_vreg.gather [hbm4b:s1+s3], $0x80, v4, vm0, $0xb8;
	[tilespmem:$0x18200] =	vst v63  }
0x318: {  	s19 =	simm.s32 $0xCA00;
	v3 =	vperm.xlane v3, v2  }
0x319: {  	[tilespmem:s19], [sflag:$0x4] =	stream.indirect_vreg.gather [hbm4b:s5+s3], $0x80, v4, vm0, $0xb8;
	[tilespmem:$0x18200] =	vst v63  }
0x31a: {  	v3 =	vadd.s32 v1, v3;
	s19 =	simm.s32 $0xD200  }
0x31b: {  	[tilespmem:s19], [sflag:$0x4] =	stream.indirect_vreg.gather [hbm4b:s6+s3], $0x80, v4, vm0, $0xb8;
	[tilespmem:$0x18200] =	vst v63  }
0x31c: {  	s19 =	simm.s32 $0xDA00  }
0x31d: {  	[tilespmem:s19], [sflag:$0x4] =	stream.indirect_vreg.gather [hbm4b:s7+s3], $0x80, v4, vm0, $0xb8;
	[tilespmem:$0x18200] =	vst v63  }
0x31e: {  	s19 =	simm.s32 $0xE200  }
0x31f: {  	[tilespmem:s19], [sflag:$0x4] =	stream.indirect_vreg.gather [hbm4b:s1+s3], $0x80, v3, vm0, $0xb8;
	[tilespmem:$0x18200] =	vst v63  }
0x320: {  	s19 =	simm.s32 $0xEA00  }
0x321: {  	[tilespmem:s19], [sflag:$0x4] =	stream.indirect_vreg.gather [hbm4b:s5+s3], $0x80, v3, vm0, $0xb8;
	[tilespmem:$0x18200] =	vst v63  }
0x322: {  	s19 =	simm.s32 $0xF200  }
0x323: {  	[tilespmem:s19], [sflag:$0x4] =	stream.indirect_vreg.gather [hbm4b:s6+s3], $0x80, v3, vm0, $0xb8;
	[tilespmem:$0x18200] =	vst v63  }
0x324: {  	s19 =	simm.s32 $0xFA00  }
0x325: {  	[tilespmem:s19], [sflag:$0x4] =	stream.indirect_vreg.gather [hbm4b:s7+s3], $0x80, v3, vm0, $0xb8;
	[tilespmem:$0x18200] =	vst v63  }
0x326: {  	_ =	swait.ge [sflag:s15], $0x4000  }
0x327: {  	[sflag:s15] =	ssyncset.done $0x0  }
0x328: {  	s0 =	simm.s32 $0x14200;
	s19 =	rddreg [dreg:$0x1b];
	[sflag:s15] =	ssyncadd.s32 $0xFFFFC000  }
0x329: {  	[hbm4b:s19+s3] =	stream.linear.scatter [tilespmem:s0], [sflag:$0xC], $0x4000, $0x38;
	[tilespmem:$0x18200] =	vst v63  }
0x32a: {  	_ =	swait.ge [sflag:s16], $0x4000  }
0x32b: {  	[sflag:s16] =	ssyncset.done $0x0  }
0x32c: {  	[sflag:s16] =	ssyncadd.s32 $0xFFFFC000  }
0x32d: {  	v3 =	vld [tilespmem:$0x1C0];
	_ =	sdelay $0x4  }
0x32e: {  	v60 =	vshll.u32 v3, $0x3  }
0x32f: {  	v3 =	vand.u32 $0x7, v3;
	v4 =	vand.u32 $0xFFFFFFC0, v60  }
0x330: {  	v3 =	vor.u32 v3, v4  }
0x331: {  	v4 =	vperm.xlane v3, v0;
	_ =	sdelay $0x1  }
0x332: {  	v4 =	vadd.s32 v1, v4;
	_ =	sdelay $0x4  }
0x333: {  	[tilespmem:s25], [sflag:$0x5] =	stream.indirect_vreg.gather [hbm4b:s1+s3], $0x80, v4, vm0, $0xb8;
	[tilespmem:$0x18200] =	vst v63  }
0x334: {  	s19 =	simm.s32 $0x10A00;
	v3 =	vperm.xlane v3, v2  }
0x335: {  	[tilespmem:s19], [sflag:$0x5] =	stream.indirect_vreg.gather [hbm4b:s5+s3], $0x80, v4, vm0, $0xb8;
	[tilespmem:$0x18200] =	vst v63  }
0x336: {  	v3 =	vadd.s32 v1, v3  }
0x337: {  	[tilespmem:s10], [sflag:$0x5] =	stream.indirect_vreg.gather [hbm4b:s6+s3], $0x80, v4, vm0, $0xb8;
	[tilespmem:$0x18200] =	vst v63  }
0x338: {  	_ = 	snop  }
0x339: {  	[tilespmem:s18], [sflag:$0x5] =	stream.indirect_vreg.gather [hbm4b:s7+s3], $0x80, v4, vm0, $0xb8;
	[tilespmem:$0x18200] =	vst v63  }
0x33a: {  	_ = 	snop  }
0x33b: {  	[tilespmem:s20], [sflag:$0x5] =	stream.indirect_vreg.gather [hbm4b:s1+s3], $0x80, v3, vm0, $0xb8;
	[tilespmem:$0x18200] =	vst v63  }
0x33c: {  	_ = 	snop  }
0x33d: {  	[tilespmem:s21], [sflag:$0x5] =	stream.indirect_vreg.gather [hbm4b:s5+s3], $0x80, v3, vm0, $0xb8;
	[tilespmem:$0x18200] =	vst v63  }
0x33e: {  	_ = 	snop  }
0x33f: {  	[tilespmem:s24], [sflag:$0x5] =	stream.indirect_vreg.gather [hbm4b:s6+s3], $0x80, v3, vm0, $0xb8;
	[tilespmem:$0x18200] =	vst v63  }
0x340: {  	s24 =	simm.s32 $0x13A00  }
0x341: {  	[tilespmem:s24], [sflag:$0x5] =	stream.indirect_vreg.gather [hbm4b:s7+s3], $0x80, v3, vm0, $0xb8;
	[tilespmem:$0x18200] =	vst v63  }
0x342: {  	_ =	swait.ge [sflag:s30], $0x4000  }
0x343: {  	[sflag:s30] =	ssyncset.done $0x0  }
0x344: {  	s8 =	simm.s32 $0x200;
	s10 =	rddreg [dreg:$0x1c];
	[sflag:s30] =	ssyncadd.s32 $0xFFFFC000  }
0x345: {  	[hbm4b:s10+s3] =	stream.linear.scatter [tilespmem:s8], [sflag:$0x7], $0x4000, $0x38;
	[tilespmem:$0x18200] =	vst v63  }
0x346: {  	_ =	swait.ge [sflag:s17], $0x4000  }
0x347: {  	[sflag:s17] =	ssyncset.done $0x0  }
0x348: {  	[sflag:s17] =	ssyncadd.s32 $0xFFFFC000  }
0x349: {  	v3 =	vld [tilespmem:$0x1D0];
	_ =	sdelay $0x4  }
0x34a: {  	v61 =	vshll.u32 v3, $0x3  }
0x34b: {  	v3 =	vand.u32 $0x7, v3;
	v4 =	vand.u32 $0xFFFFFFC0, v61  }
0x34c: {  	v3 =	vor.u32 v3, v4  }
0x34d: {  	v4 =	vperm.xlane v3, v0;
	_ =	sdelay $0x1  }
0x34e: {  	v4 =	vadd.s32 v1, v4;
	_ =	sdelay $0x4  }
0x34f: {  	[tilespmem:s0], [sflag:$0x6] =	stream.indirect_vreg.gather [hbm4b:s1+s3], $0x80, v4, vm0, $0xb8;
	[tilespmem:$0x18200] =	vst v63  }
0x350: {  	s18 =	simm.s32 $0x14A00;
	v3 =	vperm.xlane v3, v2  }
0x351: {  	[tilespmem:s18], [sflag:$0x6] =	stream.indirect_vreg.gather [hbm4b:s5+s3], $0x80, v4, vm0, $0xb8;
	[tilespmem:$0x18200] =	vst v63  }
0x352: {  	s19 =	simm.s32 $0x15200;
	v3 =	vadd.s32 v1, v3  }
0x353: {  	[tilespmem:s19], [sflag:$0x6] =	stream.indirect_vreg.gather [hbm4b:s6+s3], $0x80, v4, vm0, $0xb8;
	[tilespmem:$0x18200] =	vst v63  }
0x354: {  	s20 =	simm.s32 $0x15A00  }
0x355: {  	[tilespmem:s20], [sflag:$0x6] =	stream.indirect_vreg.gather [hbm4b:s7+s3], $0x80, v4, vm0, $0xb8;
	[tilespmem:$0x18200] =	vst v63  }
0x356: {  	s21 =	simm.s32 $0x16200  }
0x357: {  	[tilespmem:s21], [sflag:$0x6] =	stream.indirect_vreg.gather [hbm4b:s1+s3], $0x80, v3, vm0, $0xb8;
	[tilespmem:$0x18200] =	vst v63  }
0x358: {  	s24 =	simm.s32 $0x16A00  }
0x359: {  	[tilespmem:s24], [sflag:$0x6] =	stream.indirect_vreg.gather [hbm4b:s5+s3], $0x80, v3, vm0, $0xb8;
	[tilespmem:$0x18200] =	vst v63  }
0x35a: {  	s28 =	simm.s32 $0x17200  }
0x35b: {  	[tilespmem:s28], [sflag:$0x6] =	stream.indirect_vreg.gather [hbm4b:s6+s3], $0x80, v3, vm0, $0xb8;
	[tilespmem:$0x18200] =	vst v63  }
0x35c: {  	s28 =	simm.s32 $0x17A00  }
0x35d: {  	[tilespmem:s28], [sflag:$0x6] =	stream.indirect_vreg.gather [hbm4b:s7+s3], $0x80, v3, vm0, $0xb8;
	[tilespmem:$0x18200] =	vst v63  }
0x35e: {  	_ =	swait.ge [sflag:s29], $0x4000  }
0x35f: {  	[sflag:s29] =	ssyncset.done $0x0  }
0x360: {  	s4 =	simm.s32 $0x4200;
	s18 =	rddreg [dreg:$0x1d];
	[sflag:s29] =	ssyncadd.s32 $0xFFFFC000  }
0x361: {  	[hbm4b:s18+s3] =	stream.linear.scatter [tilespmem:s4], [sflag:$0x8], $0x4000, $0x38;
	[tilespmem:$0x18200] =	vst v63  }
0x362: {  	_ =	swait.ge [sflag:s2], $0x4000  }
0x363: {  	[sflag:s2] =	ssyncset.done $0x0  }
0x364: {  	[sflag:s2] =	ssyncadd.s32 $0xFFFFC000  }
0x365: {  	v3 =	vld [tilespmem:$0x1E0];
	_ =	sdelay $0x4  }
0x366: {  	v62 =	vshll.u32 v3, $0x3  }
0x367: {  	v3 =	vand.u32 $0x7, v3;
	v4 =	vand.u32 $0xFFFFFFC0, v62  }
0x368: {  	v3 =	vor.u32 v3, v4  }
0x369: {  	v4 =	vperm.xlane v3, v0;
	_ =	sdelay $0x1  }
0x36a: {  	v4 =	vadd.s32 v1, v4;
	_ =	sdelay $0x4  }
0x36b: {  	[tilespmem:s8], [sflag:$0x1] =	stream.indirect_vreg.gather [hbm4b:s1+s3], $0x80, v4, vm0, $0xb8;
	[tilespmem:$0x18200] =	vst v63  }
0x36c: {  	s20 =	simm.s32 $0xA00;
	v3 =	vperm.xlane v3, v2  }
0x36d: {  	[tilespmem:s20], [sflag:$0x1] =	stream.indirect_vreg.gather [hbm4b:s5+s3], $0x80, v4, vm0, $0xb8;
	[tilespmem:$0x18200] =	vst v63  }
0x36e: {  	s21 =	simm.s32 $0x1200;
	v3 =	vadd.s32 v1, v3  }
0x36f: {  	[tilespmem:s21], [sflag:$0x1] =	stream.indirect_vreg.gather [hbm4b:s6+s3], $0x80, v4, vm0, $0xb8;
	[tilespmem:$0x18200] =	vst v63  }
0x370: {  	s24 =	simm.s32 $0x1A00  }
0x371: {  	[tilespmem:s24], [sflag:$0x1] =	stream.indirect_vreg.gather [hbm4b:s7+s3], $0x80, v4, vm0, $0xb8;
	[tilespmem:$0x18200] =	vst v63  }
0x372: {  	s28 =	simm.s32 $0x2200  }
0x373: {  	[tilespmem:s28], [sflag:$0x1] =	stream.indirect_vreg.gather [hbm4b:s1+s3], $0x80, v3, vm0, $0xb8;
	[tilespmem:$0x18200] =	vst v63  }
0x374: {  	s18 =	simm.s32 $0x2A00  }
0x375: {  	[tilespmem:s18], [sflag:$0x1] =	stream.indirect_vreg.gather [hbm4b:s5+s3], $0x80, v3, vm0, $0xb8;
	[tilespmem:$0x18200] =	vst v63  }
0x376: {  	s19 =	simm.s32 $0x3200  }
0x377: {  	[tilespmem:s19], [sflag:$0x1] =	stream.indirect_vreg.gather [hbm4b:s6+s3], $0x80, v3, vm0, $0xb8;
	[tilespmem:$0x18200] =	vst v63  }
0x378: {  	s20 =	simm.s32 $0x3A00  }
0x379: {  	[tilespmem:s20], [sflag:$0x1] =	stream.indirect_vreg.gather [hbm4b:s7+s3], $0x80, v3, vm0, $0xb8;
	[tilespmem:$0x18200] =	vst v63  }
0x37a: {  	_ =	swait.ge [sflag:s26], $0x4000  }
0x37b: {  	[sflag:s26] =	ssyncset.done $0x0  }
0x37c: {  	s22 =	simm.s32 $0x8200;
	s21 =	rddreg [dreg:$0x1e];
	[sflag:s26] =	ssyncadd.s32 $0xFFFFC000  }
0x37d: {  	[hbm4b:s21+s3] =	stream.linear.scatter [tilespmem:s22], [sflag:$0x9], $0x4000, $0x38;
	[tilespmem:$0x18200] =	vst v63  }
0x37e: {  	_ =	swait.ge [sflag:s9], $0x4000  }
0x37f: {  	[sflag:s9] =	ssyncset.done $0x0  }
0x380: {  	[sflag:s9] =	ssyncadd.s32 $0xFFFFC000  }
0x381: {  	v3 =	vld [tilespmem:$0x1F0];
	_ =	sdelay $0x4  }
0x382: {  	v63 =	vshll.u32 v3, $0x3  }
0x383: {  	v3 =	vand.u32 $0x7, v3;
	v4 =	vand.u32 $0xFFFFFFC0, v63  }
0x384: {  	v3 =	vor.u32 v3, v4  }
0x385: {  	v4 =	vperm.xlane v3, v0;
	_ =	sdelay $0x1  }
0x386: {  	v4 =	vadd.s32 v1, v4;
	_ =	sdelay $0x4  }
0x387: {  	[tilespmem:s4], [sflag:$0x2] =	stream.indirect_vreg.gather [hbm4b:s1+s3], $0x80, v4, vm0, $0xb8;
	[tilespmem:$0x18200] =	vst v63  }
0x388: {  	s24 =	simm.s32 $0x4A00;
	v3 =	vperm.xlane v3, v2  }
0x389: {  	[tilespmem:s24], [sflag:$0x2] =	stream.indirect_vreg.gather [hbm4b:s5+s3], $0x80, v4, vm0, $0xb8;
	[tilespmem:$0x18200] =	vst v63  }
0x38a: {  	s28 =	simm.s32 $0x5200;
	v3 =	vadd.s32 v1, v3  }
0x38b: {  	[tilespmem:s28], [sflag:$0x2] =	stream.indirect_vreg.gather [hbm4b:s6+s3], $0x80, v4, vm0, $0xb8;
	[tilespmem:$0x18200] =	vst v63  }
0x38c: {  	s18 =	simm.s32 $0x5A00  }
0x38d: {  	[tilespmem:s18], [sflag:$0x2] =	stream.indirect_vreg.gather [hbm4b:s7+s3], $0x80, v4, vm0, $0xb8;
	[tilespmem:$0x18200] =	vst v63  }
0x38e: {  	s31 =	simm.s32 $0x6200  }
0x38f: {  	[tilespmem:s31], [sflag:$0x2] =	stream.indirect_vreg.gather [hbm4b:s1+s3], $0x80, v3, vm0, $0xb8;
	[tilespmem:$0x18200] =	vst v63  }
0x390: {  	s19 =	simm.s32 $0x6A00  }
0x391: {  	[tilespmem:s19], [sflag:$0x2] =	stream.indirect_vreg.gather [hbm4b:s5+s3], $0x80, v3, vm0, $0xb8;
	[tilespmem:$0x18200] =	vst v63  }
0x392: {  	s20 =	simm.s32 $0x7200  }
0x393: {  	[tilespmem:s20], [sflag:$0x2] =	stream.indirect_vreg.gather [hbm4b:s6+s3], $0x80, v3, vm0, $0xb8;
	[tilespmem:$0x18200] =	vst v63  }
0x394: {  	s21 =	simm.s32 $0x7A00  }
0x395: {  	[tilespmem:s21], [sflag:$0x2] =	stream.indirect_vreg.gather [hbm4b:s7+s3], $0x80, v3, vm0, $0xb8;
	[tilespmem:$0x18200] =	vst v63  }
0x396: {  	_ =	swait.ge [sflag:s11], $0x4000  }
0x397: {  	[sflag:s11] =	ssyncset.done $0x0  }
0x398: {  	s23 =	simm.s32 $0xC200;
	s22 =	rddreg [dreg:$0x1f];
	[sflag:s11] =	ssyncadd.s32 $0xFFFFC000  }
0x399: {  	[hbm4b:s22+s3] =	stream.linear.scatter [tilespmem:s23], [sflag:$0xA], $0x4000, $0x38;
	[tilespmem:$0x18200] =	vst v63  }
0x39a: {  	_ =	swait.ge [sflag:s13], $0x4000  }
0x39b: {  	s23 =	sld [smem:$0x7F7]  }
0x39c: {  	[sflag:s13] =	ssyncset.done $0x0  }
0x39d: {  	s25 =	simm.s32 $0x10200;
	[sflag:s13] =	ssyncadd.s32 $0xFFFFC000  }
0x39e: {  	[hbm4b:s23+s3] =	stream.linear.scatter [tilespmem:s25], [sflag:$0xB], $0x4000, $0x38;
	[tilespmem:$0x18200] =	vst v63  }
0x39f: {  	_ =	swait.ge [sflag:s15], $0x4000  }
0x3a0: {  	s24 =	sld [smem:$0x7F8]  }
0x3a1: {  	[sflag:s15] =	ssyncset.done $0x0  }
0x3a2: {  	s10 =	simm.s32 $0x14200;
	[sflag:s15] =	ssyncadd.s32 $0xFFFFC000  }
0x3a3: {  	[hbm4b:s24+s3] =	stream.linear.scatter [tilespmem:s10], [sflag:$0xC], $0x4000, $0x38;
	[tilespmem:$0x18200] =	vst v63  }
0x3a4: {  	_ =	swait.ge [sflag:s30], $0x4000  }
0x3a5: {  	s25 =	sld [smem:$0x7F9]  }
0x3a6: {  	[sflag:s30] =	ssyncset.done $0x0  }
0x3a7: {  	[sflag:s30] =	ssyncadd.s32 $0xFFFFC000  }
0x3a8: {  	[hbm4b:s25+s3] =	stream.linear.scatter [tilespmem:s8], [sflag:$0x7], $0x4000, $0x38;
	[tilespmem:$0x18200] =	vst v63  }
0x3a9: {  	_ =	swait.ge [sflag:s29], $0x4000  }
0x3aa: {  	s28 =	sld [smem:$0x7FB]  }
0x3ab: {  	[sflag:s29] =	ssyncset.done $0x0  }
0x3ac: {  	[sflag:s29] =	ssyncadd.s32 $0xFFFFC000  }
0x3ad: {  	[hbm4b:s28+s3] =	stream.linear.scatter [tilespmem:s4], [sflag:$0x8], $0x4000, $0x38;
	[tilespmem:$0x18200] =	vst v63  }
0x3ae: {  	s31 =	sld [smem:$0x7F6];
	_ =	swait.ge [sflag:s2], $0x4000  }
0x3af: {  	[sflag:s2] =	ssyncset.done $0x0  }
0x3b0: {  	[sflag:s2] =	ssyncadd.s32 $0xFFFFC000  }
0x3b1: {  	_ =	swait.ge [sflag:s9], $0x4000  }
0x3b2: {  	[sflag:s9] =	ssyncset.done $0x0  }
0x3b3: {  	[sflag:s9] =	ssyncadd.s32 $0xFFFFC000  }
0x3b4: {  	_ =	swait.ge [sflag:s12], $0x4000  }
0x3b5: {  	[sflag:s12] =	ssyncset.done $0x0  }
0x3b6: {  	[sflag:s12] =	ssyncadd.s32 $0xFFFFC000  }
0x3b7: {  	_ =	swait.ge [sflag:s14], $0x4000  }
0x3b8: {  	[sflag:s14] =	ssyncset.done $0x0  }
0x3b9: {  	[sflag:s14] =	ssyncadd.s32 $0xFFFFC000  }
0x3ba: {  	p0 =	sne.s32 s31, $0x1;
	_ =	swait.ge [sflag:s16], $0x4000  }
.Ltmp0:
0x3bb: {  	[sflag:s16] =	ssyncset.done $0x0;
	(pc) =	sbr.rel @p0 .LBB2_1-.Ltmp0, $4  }
0x3bc: {  	[sflag:s16] =	ssyncadd.s32 $0xFFFFC000  }
0x3bd: {  	_ =	swait.ge [sflag:s17], $0x4000  }
0x3be: {  	[sflag:s17] =	ssyncset.done $0x0  }
0x3bf: {  	s4 =	sadd.s32 $0xFFFFFFFF, s31;
	[sflag:s17] =	ssyncadd.s32 $0xFFFFC000  }
0x3c0: {  	_ =	sfence.sel $0x180000  }
0x3c1: {  	[bflag:$0x0] =	sbarrier.arrive $0xFFFF  }
0x3c2: {  	_ =	strace $0x90000047  }
0x3c3: {  	s0 =	stileid.u32;
	[bflag:$0x2] =	sbarrier.arrive $0xFFFF  }
0x3c4: {  	p0 =	sne.s32 s0, $0x0;
	s0 =	rddreg [dreg:$0x3]  }
0x3c5: {  	s0 =	sadd.s32 @!p0 $0x100000, s0  }
0x3c6: {  	[sflag:s0] =	ssyncadd.tile.s32 @!p0 $0x1;
	_ =	shalt  }
.Lfunc_end2:
_tile_overlayer_lowered:
.L_overlay_start_2:
0x3c7: {  	(tag) =	ssettag $0x2  }
0x3c8: {  	s0 =	rddreg [dreg:$0x0];
	s2 =	stileid.u32  }
0x3c9: {  	s1 =	rddreg [dreg:$0x1];
	p0 =	sne.s32 s2, $0x0  }
0x3ca: {  	s3 =	rddreg [dreg:$0x2];
	[bflag:$0x3] =	sbarrier.arrive $0xFFFF;
	s2 =	simm.s32 @!p0 $0x1C0D  }
0x3cb: {  	[timem:s3], [sflag:s2] =	dma.local @!p0 [hbm:s0], s1  }
0x3cc: {  	s0 =	simm.s32 @!p0 $0xD  }
0x3cd: {  	_ =	swait.ge @!p0 [sflag:s0], s1  }
0x3ce: {  	s1 =	ssub.s32 @!p0 $0x0, s1;
	[sflag:s0] =	ssyncset.done @!p0 $0x0  }
0x3cf: {  	[sflag:s0] =	ssyncadd.s32 @!p0 s1  }
0x3d0: {  	[bflag:$0x3] =	sbarrier.arrive $0xFFFF  }
0x3d1: {  	_ =	shalt  }

</sc_bundles>
